<compile_context>
chip_gen: v7x
topology: tpu7x:2x2x1
jax: 0.10.2.dev20260603
libtpu: 0.0.44.dev20260713+nightly
codegen_flags: <defaults>
</compile_context>

<pallas_src>
import jax
import jax.numpy as jnp
from jax import lax
from jax.experimental import pallas as pl
from jax.experimental.pallas import tpu as pltpu
from jax.experimental.pallas import tpu_sc as plsc

N_NODES = 10000
N_EDGES = 320000
H = 128

NC = 2
NS = 16
L = 16
NW = NC * NS
ECH = 128
NCH_ALL = N_EDGES // ECH
NCH_BASE = NCH_ALL // NW
NCH_REM = NCH_ALL % NW
NTRIP = (NCH_BASE + 1 + 2) // 3
RPT = 624
TAIL0 = NS * RPT
TAILN = N_NODES - TAIL0


def _tables_body(x_ref, a_ref, b_ref, xa_ref, xb_ref, xh_ref):
    x = x_ref[...]
    xa_ref[...] = jnp.dot(x, a_ref[...], preferred_element_type=jnp.float32)
    xb_ref[...] = jnp.dot(x, b_ref[...], preferred_element_type=jnp.float32)
    xh_ref[...] = x * 0.5


def _tables(x, a, b):
    n = x.shape[0]
    return pl.pallas_call(
        _tables_body,
        out_shape=(
            jax.ShapeDtypeStruct((n, H), jnp.float32),
            jax.ShapeDtypeStruct((n, H), jnp.float32),
            jax.ShapeDtypeStruct((n, H), jnp.float32),
        ),
    )(x, a, b)


def _efc_body(ef_ref, c_ref, b_ref, o_ref):
    o_ref[...] = (
        jnp.dot(ef_ref[...], c_ref[...], preferred_element_type=jnp.float32)
        + b_ref[...]
    )


def _efc(ef, c, b1):
    e = ef.shape[0]
    be = 4000
    grid = e // be
    return pl.pallas_call(
        _efc_body,
        grid=(grid,),
        in_specs=[
            pl.BlockSpec((be, H), lambda i: (i, 0)),
            pl.BlockSpec((H, H), lambda i: (0, 0)),
            pl.BlockSpec((1, H), lambda i: (0, 0)),
        ],
        out_specs=pl.BlockSpec((be, H), lambda i: (i, 0)),
        out_shape=jax.ShapeDtypeStruct((e, H), jnp.float32),
    )(ef, c, b1.reshape(1, H))


def _sc_body(xa, xb, efc, s_hbm, r_hbm, xh_hbm, out_hbm,
             sidx0, sidx1, sidx2, ridx0, ridx1, ridx2,
             eidx0, eidx1, eidx2, rsc0, rsc1, rsc2,
             acc0, acc1, acc2, aggr,
             semi0, semi1, semi2, sema0, sema1, sema2,
             semb0, semb1, semb2, semc0, semc1, semc2, ssem):
    c = lax.axis_index("c")
    s = lax.axis_index("s")
    wid = c * NS + s
    sidxs = (sidx0, sidx1, sidx2)
    ridxs = (ridx0, ridx1, ridx2)
    eidxs = (eidx0, eidx1, eidx2)
    rscs = (rsc0, rsc1, rsc2)
    accs = (acc0, acc1, acc2)
    semis = (semi0, semi1, semi2)
    semas = (sema0, sema1, sema2)
    sembs = (semb0, semb1, semb2)
    semcs = (semc0, semc1, semc2)

    row0 = s * RPT
    pltpu.async_copy(xh_hbm.at[pl.ds(row0, RPT)], aggr.at[pl.ds(row0, RPT)],
                     ssem).wait()

    @pl.when(s == 0)
    def _seed_tail():
        pltpu.async_copy(xh_hbm.at[pl.ds(TAIL0, TAILN)],
                         aggr.at[pl.ds(TAIL0, TAILN)], ssem).wait()

    plsc.subcore_barrier()

    nchunk_w = NCH_BASE + jnp.where(wid < NCH_REM, 1, 0)
    lanes = lax.iota(jnp.int32, L)

    def ebase(k):
        return (k * NW + wid) * ECH

    def issue_idx(k, i):
        pltpu.async_copy(s_hbm.at[pl.ds(ebase(k), ECH)], sidxs[i], semis[i])
        pltpu.async_copy(r_hbm.at[pl.ds(ebase(k), ECH)], ridxs[i], semis[i])

    def wait_idx(k, i):
        pltpu.make_async_copy(s_hbm.at[pl.ds(ebase(k), ECH)], sidxs[i],
                              semis[i]).wait()
        pltpu.make_async_copy(r_hbm.at[pl.ds(ebase(k), ECH)], ridxs[i],
                              semis[i]).wait()

    def issue_xa(k, i):
        pltpu.async_copy(xa.at[sidxs[i]], accs[i], semas[i])

    def wait_xa(k, i):
        pltpu.make_async_copy(xa.at[sidxs[i]], accs[i], semas[i]).wait()

    def issue_adds(k, i):
        base = ebase(k)
        for j in range(ECH // L):
            eidxs[i][pl.ds(j * L, L)] = base + j * L + lanes
        pltpu.async_copy(xb.at[ridxs[i]], accs[i], sembs[i], add=True)
        pltpu.async_copy(efc.at[eidxs[i]], accs[i], sembs[i], add=True)

    def wait_adds(k, i):
        pltpu.make_async_copy(xb.at[ridxs[i]], accs[i], sembs[i]).wait()
        pltpu.make_async_copy(efc.at[eidxs[i]], accs[i], sembs[i]).wait()

    def wait_scatter(i):
        pltpu.make_async_copy(accs[i], aggr.at[rscs[i]], semcs[i]).wait()

    issue_idx(0, 0)
    issue_idx(1, 1)
    issue_idx(2, 2)
    wait_idx(0, 0)
    issue_xa(0, 0)
    wait_xa(0, 0)
    issue_adds(0, 0)
    wait_idx(1, 1)
    issue_xa(1, 1)

    def sub_body(k, i):
        i1 = (i + 1) % 3
        i2 = (i + 2) % 3

        @pl.when(k + 2 < nchunk_w)
        def _start_xa():
            wait_idx(k + 2, i2)

            @pl.when(k >= 1)
            def _prev_scatter_done():
                wait_scatter(i2)

            issue_xa(k + 2, i2)

        @pl.when(k + 1 < nchunk_w)
        def _start_adds():
            wait_xa(k + 1, i1)
            issue_adds(k + 1, i1)

        wait_adds(k, i)
        acc_i = accs[i]
        rsc_i = rscs[i]

        for j in range(ECH // L):
            rsc_i[pl.ds(j * L, L)] = ridxs[i][pl.ds(j * L, L)]

        def row(rr, carry2):
            for j in range(H // L):
                sl = pl.ds(j * L, L)
                acc_i[rr, sl] = jnp.maximum(acc_i[rr, sl], 0.0)
            return carry2

        lax.fori_loop(0, ECH, row, 0, unroll=2)
        pltpu.async_copy(acc_i, aggr.at[rsc_i], semcs[i], add=True)

        @pl.when(k + 3 < nchunk_w)
        def _refill_idx():
            issue_idx(k + 3, i)

    def triple(t, carry):
        k = t * 3

        @pl.when(k < nchunk_w)
        def _first():
            sub_body(k, 0)

        @pl.when(k + 1 < nchunk_w)
        def _mid():
            sub_body(k + 1, 1)

        @pl.when(k + 2 < nchunk_w)
        def _last():
            sub_body(k + 2, 2)

        return carry

    lax.fori_loop(0, NTRIP, triple, 0)

    wait_scatter(0)
    wait_scatter(1)
    wait_scatter(2)

    plsc.subcore_barrier()
    pltpu.async_copy(aggr.at[pl.ds(row0, RPT)],
                     out_hbm.at[c, pl.ds(row0, RPT)], ssem).wait()

    @pl.when(s == 0)
    def _write_tail():
        pltpu.async_copy(aggr.at[pl.ds(TAIL0, TAILN)],
                         out_hbm.at[c, pl.ds(TAIL0, TAILN)], ssem).wait()


def _sc_stage(xa, xb, efc, senders, receivers, xh):
    mesh = plsc.VectorSubcoreMesh(core_axis_name="c", subcore_axis_name="s")
    kfun = pl.kernel(
        _sc_body,
        out_type=jax.ShapeDtypeStruct((NC, N_NODES, H), jnp.float32),
        mesh=mesh,
        scratch_types=(
            [pltpu.VMEM((ECH,), jnp.int32)] * 12
            + [pltpu.VMEM((ECH, H), jnp.float32)] * 3
            + [pltpu.VMEM_SHARED((N_NODES, H), jnp.float32)]
            + [pltpu.SemaphoreType.DMA] * 13
        ),
    )
    return kfun(xa, xb, efc, senders, receivers, xh)


def _combine_body(p_ref, o_ref):
    o_ref[...] = p_ref[0] + p_ref[1]


def _combine(partials):
    bn = 2000
    grid = N_NODES // bn
    return pl.pallas_call(
        _combine_body,
        grid=(grid,),
        in_specs=[pl.BlockSpec((NC, bn, H), lambda i: (0, i, 0))],
        out_specs=pl.BlockSpec((bn, H), lambda i: (i, 0)),
        out_shape=jax.ShapeDtypeStruct((N_NODES, H), jnp.float32),
    )(partials)


def kernel(x, senders, receivers, edge_feat, W1, b1):
    senders = senders.astype(jnp.int32)
    receivers = receivers.astype(jnp.int32)
    a = W1[:H]
    b = W1[H:2 * H]
    c = W1[2 * H:]
    xa, xb, xh = _tables(x, a, b)
    efc = _efc(edge_feat, c, b1)
    partials = _sc_stage(xa, xb, efc, senders, receivers, xh)
    return _combine(partials)

# --- scband reference (transcript-rebuilt; emitter-appended) ---
"""Pipeline reference for scband-sparse-message-passing-80341658239668 (READ-ONLY COPY).

The authoritative reference and input builder live on the scoring server;
editing this copy changes nothing except your own understanding.
"""

import jax, jax.numpy as jnp
import numpy as np

N_NODES = 10000
N_EDGES = 320000
HIDDEN = 128

def setup_inputs(seed: int = 0) -> dict:
    key = jax.random.key(seed)
    k1, k2, k3, k4, k5, k6 = jax.random.split(key, 6)
    x = jax.random.normal(k1, (N_NODES, HIDDEN), dtype=jnp.float32)
    senders = jax.random.randint(k2, (N_EDGES,), 0, N_NODES, dtype=jnp.int64 if jax.config.jax_enable_x64 else jnp.int32)
    receivers = jax.random.randint(k3, (N_EDGES,), 0, N_NODES, dtype=jnp.int64 if jax.config.jax_enable_x64 else jnp.int32)
    edge_feat = jax.random.normal(k4, (N_EDGES, HIDDEN), dtype=jnp.float32)
    # message_proj1: Linear(3*hidden, hidden), torch default init ~ U(-1/sqrt(fan_in), 1/sqrt(fan_in))
    fan_in = 3 * HIDDEN
    bound = 1.0 / np.sqrt(fan_in)
    W1 = jax.random.uniform(k5, (fan_in, HIDDEN), dtype=jnp.float32, minval=-bound, maxval=bound)
    b1 = jax.random.uniform(k6, (HIDDEN,), dtype=jnp.float32, minval=-bound, maxval=bound)
    return {"x": x, "senders": senders, "receivers": receivers, "edge_feat": edge_feat, "W1": W1, "b1": b1}

def reference(x, senders, receivers, edge_feat, W1, b1):
    # msg = Linear(cat(x[senders], x[receivers], edge_feat))
    h = jnp.concatenate((jnp.take(x, senders, axis=0), jnp.take(x, receivers, axis=0), edge_feat), axis=-1)
    msg = h @ W1 + b1
    # activation=True -> ReLU
    msg = jax.nn.relu(msg)
    # neighbour_state_aggr == 'sum' -> scatter-add into zeros, then residual
    aggr = jnp.zeros((x.shape[0], HIDDEN), dtype=x.dtype).at[receivers].add(msg)
    out = aggr + x
    return out

if __name__ == "__main__":
    import jax
    _d = setup_inputs()
    print(jax.jit(kernel)(*tuple(_d.values())))

</pallas_src>

<mosaic_0001>
#map = affine_map<(d0, d1) -> (0, 0)>
#map1 = affine_map<(d0, d1) -> (0)>
#map2 = affine_map<(d0, d1) -> (0, 0, 0)>
module attributes {stable_mosaic.version = 14 : i64} {
  func.func @_sc_body(%arg0: i32, %arg1: i32, %arg2: memref<10000x128xf32, #tpu.memory_space<hbm>>, %arg3: memref<10000x128xf32, #tpu.memory_space<hbm>>, %arg4: memref<320000x128xf32, #tpu.memory_space<hbm>>, %arg5: memref<320000xi32, #tpu.memory_space<hbm>>, %arg6: memref<320000xi32, #tpu.memory_space<hbm>>, %arg7: memref<10000x128xf32, #tpu.memory_space<hbm>>, %arg8: memref<2x10000x128xf32, #tpu.memory_space<hbm>>, %arg9: memref<128xi32, #tpu.memory_space<vmem>>, %arg10: memref<128xi32, #tpu.memory_space<vmem>>, %arg11: memref<128xi32, #tpu.memory_space<vmem>>, %arg12: memref<128xi32, #tpu.memory_space<vmem>>, %arg13: memref<128xi32, #tpu.memory_space<vmem>>, %arg14: memref<128xi32, #tpu.memory_space<vmem>>, %arg15: memref<128xi32, #tpu.memory_space<vmem>>, %arg16: memref<128xi32, #tpu.memory_space<vmem>>, %arg17: memref<128xi32, #tpu.memory_space<vmem>>, %arg18: memref<128xi32, #tpu.memory_space<vmem>>, %arg19: memref<128xi32, #tpu.memory_space<vmem>>, %arg20: memref<128xi32, #tpu.memory_space<vmem>>, %arg21: memref<128x128xf32, #tpu.memory_space<vmem>>, %arg22: memref<128x128xf32, #tpu.memory_space<vmem>>, %arg23: memref<128x128xf32, #tpu.memory_space<vmem>>, %arg24: memref<10000x128xf32, #tpu.memory_space<vmem_shared>>, %arg25: memref<!tpu.dma_semaphore, #tpu.memory_space<semaphore_mem>>, %arg26: memref<!tpu.dma_semaphore, #tpu.memory_space<semaphore_mem>>, %arg27: memref<!tpu.dma_semaphore, #tpu.memory_space<semaphore_mem>>, %arg28: memref<!tpu.dma_semaphore, #tpu.memory_space<semaphore_mem>>, %arg29: memref<!tpu.dma_semaphore, #tpu.memory_space<semaphore_mem>>, %arg30: memref<!tpu.dma_semaphore, #tpu.memory_space<semaphore_mem>>, %arg31: memref<!tpu.dma_semaphore, #tpu.memory_space<semaphore_mem>>, %arg32: memref<!tpu.dma_semaphore, #tpu.memory_space<semaphore_mem>>, %arg33: memref<!tpu.dma_semaphore, #tpu.memory_space<semaphore_mem>>, %arg34: memref<!tpu.dma_semaphore, #tpu.memory_space<semaphore_mem>>, %arg35: memref<!tpu.dma_semaphore, #tpu.memory_space<semaphore_mem>>, %arg36: memref<!tpu.dma_semaphore, #tpu.memory_space<semaphore_mem>>, %arg37: memref<!tpu.dma_semaphore, #tpu.memory_space<semaphore_mem>>) attributes {dimension_semantics = [#tpu.dimension_semantics<core_parallel>, #tpu.dimension_semantics<subcore_parallel>], iteration_bounds = array<i64: 2, 16>, scalar_prefetch = 0 : i64, scratch_operands = 29 : i64, tpu.core_type = #tpu.core_type<sc_vector_subcore>, window_params = [{transform_indices = #map}, {transform_indices = #map}, {transform_indices = #map}, {transform_indices = #map1}, {transform_indices = #map1}, {transform_indices = #map}, {transform_indices = #map2}]} {
    %mul3A = arith.constant 16 : i32
    %mul3A_0 = arith.muli %arg0, %mul3A : i32
    %add3A = arith.addi %mul3A_0, %arg1 : i32
    %mul3A_1 = arith.constant 624 : i32
    %mul3A_2 = arith.muli %arg1, %mul3A_1 : i32
    %dma_start3A = arith.constant 0 : i32
    %dma_start3A_3 = tpu.memref_slice %arg24[%mul3A_2, %dma_start3A] : memref<10000x128xf32, #tpu.memory_space<vmem_shared>> -> memref<624x128xf32, #tpu.memory_space<vmem_shared>>
    %dma_start3A_4 = arith.constant 0 : i32
    %dma_start3A_5 = tpu.memref_slice %arg7[%mul3A_2, %dma_start3A_4] : memref<10000x128xf32, #tpu.memory_space<hbm>> -> memref<624x128xf32, #tpu.memory_space<hbm>>
    tpu.enqueue_dma source(%dma_start3A_5 : memref<624x128xf32, #tpu.memory_space<hbm>>) target(%dma_start3A_3 : memref<624x128xf32, #tpu.memory_space<vmem_shared>>) target_semaphore(%arg37 : memref<!tpu.dma_semaphore, #tpu.memory_space<semaphore_mem>>)
    %dma_wait3A = arith.constant 0 : i32
    %dma_wait3A_6 = tpu.memref_slice %arg24[%mul3A_2, %dma_wait3A] : memref<10000x128xf32, #tpu.memory_space<vmem_shared>> -> memref<624x128xf32, #tpu.memory_space<vmem_shared>>
    %dma_wait3A_7 = arith.constant 0 : i32
    %dma_wait3A_8 = tpu.memref_slice %arg7[%mul3A_2, %dma_wait3A_7] : memref<10000x128xf32, #tpu.memory_space<hbm>> -> memref<624x128xf32, #tpu.memory_space<hbm>>
    tpu.wait_dma2 semaphore(%arg37 : memref<!tpu.dma_semaphore, #tpu.memory_space<semaphore_mem>>) src(%dma_wait3A_8 : memref<624x128xf32, #tpu.memory_space<hbm>>) dst(%dma_wait3A_6 : memref<624x128xf32, #tpu.memory_space<vmem_shared>>)
    %eq3A = arith.constant 0 : i32
    %eq3A_9 = arith.cmpi eq, %arg1, %eq3A : i32
    %convert_element_type3A = arith.extui %eq3A_9 : i1 to i32
    %cond3A = arith.constant 0 : i32
    %cond3A_10 = arith.cmpi ne, %convert_element_type3A, %cond3A : i32
    scf.if %cond3A_10 {
      %dma_start3A_187 = arith.constant 9984 : i32
      %dma_start3A_188 = arith.constant 0 : i32
      %dma_start3A_189 = tpu.memref_slice %arg24[%dma_start3A_187, %dma_start3A_188] : memref<10000x128xf32, #tpu.memory_space<vmem_shared>> -> memref<16x128xf32, #tpu.memory_space<vmem_shared>>
      %dma_start3A_190 = arith.constant 9984 : i32
      %dma_start3A_191 = arith.constant 0 : i32
      %dma_start3A_192 = tpu.memref_slice %arg7[%dma_start3A_190, %dma_start3A_191] : memref<10000x128xf32, #tpu.memory_space<hbm>> -> memref<16x128xf32, #tpu.memory_space<hbm>>
      tpu.enqueue_dma source(%dma_start3A_192 : memref<16x128xf32, #tpu.memory_space<hbm>>) target(%dma_start3A_189 : memref<16x128xf32, #tpu.memory_space<vmem_shared>>) target_semaphore(%arg37 : memref<!tpu.dma_semaphore, #tpu.memory_space<semaphore_mem>>)
      %dma_wait3A_193 = arith.constant 9984 : i32
      %dma_wait3A_194 = arith.constant 0 : i32
      %dma_wait3A_195 = tpu.memref_slice %arg24[%dma_wait3A_193, %dma_wait3A_194] : memref<10000x128xf32, #tpu.memory_space<vmem_shared>> -> memref<16x128xf32, #tpu.memory_space<vmem_shared>>
      %dma_wait3A_196 = arith.constant 9984 : i32
      %dma_wait3A_197 = arith.constant 0 : i32
      %dma_wait3A_198 = tpu.memref_slice %arg7[%dma_wait3A_196, %dma_wait3A_197] : memref<10000x128xf32, #tpu.memory_space<hbm>> -> memref<16x128xf32, #tpu.memory_space<hbm>>
      tpu.wait_dma2 semaphore(%arg37 : memref<!tpu.dma_semaphore, #tpu.memory_space<semaphore_mem>>) src(%dma_wait3A_198 : memref<16x128xf32, #tpu.memory_space<hbm>>) dst(%dma_wait3A_195 : memref<16x128xf32, #tpu.memory_space<vmem_shared>>)
    } else {
    }
    %barrier3A = arith.constant 0 : index
    tpu.barrier barrier_id(%barrier3A)
    %lt3A = arith.constant 4 : i32
    %lt3A_11 = arith.cmpi slt, %add3A, %lt3A : i32
    %jit3A = arith.constant 1 : i32
    %jit3A_12 = arith.constant 0 : i32
    %select_n3A = arith.select %lt3A_11, %jit3A, %jit3A_12 : i32
    %add3A_13 = arith.constant 78 : i32
    %add3A_14 = arith.addi %add3A_13, %select_n3A : i32
    %iota3A = tpu.iota {dimensions = array<i32: 0>} : vector<16xi32>
    %add3A_15 = arith.constant 0 : i32
    %add3A_16 = arith.addi %add3A_15, %add3A : i32
    %mul3A_17 = arith.constant 128 : i32
    %mul3A_18 = arith.muli %add3A_16, %mul3A_17 : i32
    %dma_start3A_19 = tpu.memref_slice %arg5[%mul3A_18] : memref<320000xi32, #tpu.memory_space<hbm>> -> memref<128xi32, #tpu.memory_space<hbm>>
    %dma_start3A_20 = tpu.memref_slice %arg5[%mul3A_18] : memref<320000xi32, #tpu.memory_space<hbm>> -> memref<128xi32, #tpu.memory_space<hbm>>
    tpu.enqueue_dma source(%dma_start3A_20 : memref<128xi32, #tpu.memory_space<hbm>>) target(%arg9 : memref<128xi32, #tpu.memory_space<vmem>>) target_semaphore(%arg25 : memref<!tpu.dma_semaphore, #tpu.memory_space<semaphore_mem>>)
    %add3A_21 = arith.constant 0 : i32
    %add3A_22 = arith.addi %add3A_21, %add3A : i32
    %mul3A_23 = arith.constant 128 : i32
    %mul3A_24 = arith.muli %add3A_22, %mul3A_23 : i32
    %dma_start3A_25 = tpu.memref_slice %arg6[%mul3A_24] : memref<320000xi32, #tpu.memory_space<hbm>> -> memref<128xi32, #tpu.memory_space<hbm>>
    %dma_start3A_26 = tpu.memref_slice %arg6[%mul3A_24] : memref<320000xi32, #tpu.memory_space<hbm>> -> memref<128xi32, #tpu.memory_space<hbm>>
    tpu.enqueue_dma source(%dma_start3A_26 : memref<128xi32, #tpu.memory_space<hbm>>) target(%arg12 : memref<128xi32, #tpu.memory_space<vmem>>) target_semaphore(%arg25 : memref<!tpu.dma_semaphore, #tpu.memory_space<semaphore_mem>>)
    %add3A_27 = arith.constant 32 : i32
    %add3A_28 = arith.addi %add3A_27, %add3A : i32
    %mul3A_29 = arith.constant 128 : i32
    %mul3A_30 = arith.muli %add3A_28, %mul3A_29 : i32
    %dma_start3A_31 = tpu.memref_slice %arg5[%mul3A_30] : memref<320000xi32, #tpu.memory_space<hbm>> -> memref<128xi32, #tpu.memory_space<hbm>>
    %dma_start3A_32 = tpu.memref_slice %arg5[%mul3A_30] : memref<320000xi32, #tpu.memory_space<hbm>> -> memref<128xi32, #tpu.memory_space<hbm>>
    tpu.enqueue_dma source(%dma_start3A_32 : memref<128xi32, #tpu.memory_space<hbm>>) target(%arg10 : memref<128xi32, #tpu.memory_space<vmem>>) target_semaphore(%arg26 : memref<!tpu.dma_semaphore, #tpu.memory_space<semaphore_mem>>)
    %add3A_33 = arith.constant 32 : i32
    %add3A_34 = arith.addi %add3A_33, %add3A : i32
    %mul3A_35 = arith.constant 128 : i32
    %mul3A_36 = arith.muli %add3A_34, %mul3A_35 : i32
    %dma_start3A_37 = tpu.memref_slice %arg6[%mul3A_36] : memref<320000xi32, #tpu.memory_space<hbm>> -> memref<128xi32, #tpu.memory_space<hbm>>
    %dma_start3A_38 = tpu.memref_slice %arg6[%mul3A_36] : memref<320000xi32, #tpu.memory_space<hbm>> -> memref<128xi32, #tpu.memory_space<hbm>>
    tpu.enqueue_dma source(%dma_start3A_38 : memref<128xi32, #tpu.memory_space<hbm>>) target(%arg13 : memref<128xi32, #tpu.memory_space<vmem>>) target_semaphore(%arg26 : memref<!tpu.dma_semaphore, #tpu.memory_space<semaphore_mem>>)
    %add3A_39 = arith.constant 64 : i32
    %add3A_40 = arith.addi %add3A_39, %add3A : i32
    %mul3A_41 = arith.constant 128 : i32
    %mul3A_42 = arith.muli %add3A_40, %mul3A_41 : i32
    %dma_start3A_43 = tpu.memref_slice %arg5[%mul3A_42] : memref<320000xi32, #tpu.memory_space<hbm>> -> memref<128xi32, #tpu.memory_space<hbm>>
    %dma_start3A_44 = tpu.memref_slice %arg5[%mul3A_42] : memref<320000xi32, #tpu.memory_space<hbm>> -> memref<128xi32, #tpu.memory_space<hbm>>
    tpu.enqueue_dma source(%dma_start3A_44 : memref<128xi32, #tpu.memory_space<hbm>>) target(%arg11 : memref<128xi32, #tpu.memory_space<vmem>>) target_semaphore(%arg27 : memref<!tpu.dma_semaphore, #tpu.memory_space<semaphore_mem>>)
    %add3A_45 = arith.constant 64 : i32
    %add3A_46 = arith.addi %add3A_45, %add3A : i32
    %mul3A_47 = arith.constant 128 : i32
    %mul3A_48 = arith.muli %add3A_46, %mul3A_47 : i32
    %dma_start3A_49 = tpu.memref_slice %arg6[%mul3A_48] : memref<320000xi32, #tpu.memory_space<hbm>> -> memref<128xi32, #tpu.memory_space<hbm>>
    %dma_start3A_50 = tpu.memref_slice %arg6[%mul3A_48] : memref<320000xi32, #tpu.memory_space<hbm>> -> memref<128xi32, #tpu.memory_space<hbm>>
    tpu.enqueue_dma source(%dma_start3A_50 : memref<128xi32, #tpu.memory_space<hbm>>) target(%arg14 : memref<128xi32, #tpu.memory_space<vmem>>) target_semaphore(%arg27 : memref<!tpu.dma_semaphore, #tpu.memory_space<semaphore_mem>>)
    %add3A_51 = arith.constant 0 : i32
    %add3A_52 = arith.addi %add3A_51, %add3A : i32
    %mul3A_53 = arith.constant 128 : i32
    %mul3A_54 = arith.muli %add3A_52, %mul3A_53 : i32
    %dma_wait3A_55 = tpu.memref_slice %arg5[%mul3A_54] : memref<320000xi32, #tpu.memory_space<hbm>> -> memref<128xi32, #tpu.memory_space<hbm>>
    %dma_wait3A_56 = tpu.memref_slice %arg5[%mul3A_54] : memref<320000xi32, #tpu.memory_space<hbm>> -> memref<128xi32, #tpu.memory_space<hbm>>
    tpu.wait_dma2 semaphore(%arg25 : memref<!tpu.dma_semaphore, #tpu.memory_space<semaphore_mem>>) src(%dma_wait3A_56 : memref<128xi32, #tpu.memory_space<hbm>>) dst(%arg9 : memref<128xi32, #tpu.memory_space<vmem>>)
    %add3A_57 = arith.constant 0 : i32
    %add3A_58 = arith.addi %add3A_57, %add3A : i32
    %mul3A_59 = arith.constant 128 : i32
    %mul3A_60 = arith.muli %add3A_58, %mul3A_59 : i32
    %dma_wait3A_61 = tpu.memref_slice %arg6[%mul3A_60] : memref<320000xi32, #tpu.memory_space<hbm>> -> memref<128xi32, #tpu.memory_space<hbm>>
    %dma_wait3A_62 = tpu.memref_slice %arg6[%mul3A_60] : memref<320000xi32, #tpu.memory_space<hbm>> -> memref<128xi32, #tpu.memory_space<hbm>>
    tpu.wait_dma2 semaphore(%arg25 : memref<!tpu.dma_semaphore, #tpu.memory_space<semaphore_mem>>) src(%dma_wait3A_62 : memref<128xi32, #tpu.memory_space<hbm>>) dst(%arg12 : memref<128xi32, #tpu.memory_space<vmem>>)
    %dma_start3A_63 = arith.constant 0 : i32
    %dma_start3A_64 = arith.constant 0 : i32
    %dma_start3A_65 = tpu.memref_slice %arg2[%dma_start3A_63, %dma_start3A_64] : memref<10000x128xf32, #tpu.memory_space<hbm>> -> memref<10000x128xf32, #tpu.memory_space<hbm>>
    tpu.enqueue_indirect_dma source(%dma_start3A_65 : memref<10000x128xf32, #tpu.memory_space<hbm>>) target(%arg21 : memref<128x128xf32, #tpu.memory_space<vmem>>) offsets(%arg9 : memref<128xi32, #tpu.memory_space<vmem>>) semaphore(%arg28 : memref<!tpu.dma_semaphore, #tpu.memory_space<semaphore_mem>>)
    %dma_wait3A_66 = arith.constant 0 : i32
    %dma_wait3A_67 = arith.constant 0 : i32
    %dma_wait3A_68 = tpu.memref_slice %arg2[%dma_wait3A_66, %dma_wait3A_67] : memref<10000x128xf32, #tpu.memory_space<hbm>> -> memref<10000x128xf32, #tpu.memory_space<hbm>>
    tpu.wait_indirect_dma semaphore(%arg28 : memref<!tpu.dma_semaphore, #tpu.memory_space<semaphore_mem>>) src(%dma_wait3A_68 : memref<10000x128xf32, #tpu.memory_space<hbm>>) dst(%arg21 : memref<128x128xf32, #tpu.memory_space<vmem>>)
    %add3A_69 = arith.constant 0 : i32
    %add3A_70 = arith.addi %add3A_69, %add3A : i32
    %mul3A_71 = arith.constant 128 : i32
    %mul3A_72 = arith.muli %add3A_70, %mul3A_71 : i32
    %add3A_73 = arith.constant 0 : i32
    %add3A_74 = arith.addi %mul3A_72, %add3A_73 : i32
    %add3A_75 = vector.broadcast %add3A_74 : i32 to vector<16xi32>
    %add3A_76 = arith.addi %add3A_75, %iota3A : vector<16xi32>
    %swap3A = arith.constant 0 : index
    %swap3A_77 = tpu.vector_load %arg15[%swap3A] {strides = array<i32>} : memref<128xi32, #tpu.memory_space<vmem>>, vector<16xi32>,
    %swap3A_78 = vector.shape_cast %swap3A_77 : vector<16xi32> to vector<16xi32>
    %swap3A_79 = vector.shape_cast %add3A_76 : vector<16xi32> to vector<16xi32>
    tpu.vector_store %arg15[%swap3A], %swap3A_79 {strides = array<i32>} : memref<128xi32, #tpu.memory_space<vmem>>, vector<16xi32>,
    %add3A_80 = arith.constant 16 : i32
    %add3A_81 = arith.addi %mul3A_72, %add3A_80 : i32
    %add3A_82 = vector.broadcast %add3A_81 : i32 to vector<16xi32>
    %add3A_83 = arith.addi %add3A_82, %iota3A : vector<16xi32>
    %swap3A_84 = arith.constant 16 : index
    %swap3A_85 = tpu.vector_load %arg15[%swap3A_84] {strides = array<i32>} : memref<128xi32, #tpu.memory_space<vmem>>, vector<16xi32>,
    %swap3A_86 = vector.shape_cast %swap3A_85 : vector<16xi32> to vector<16xi32>
    %swap3A_87 = vector.shape_cast %add3A_83 : vector<16xi32> to vector<16xi32>
    tpu.vector_store %arg15[%swap3A_84], %swap3A_87 {strides = array<i32>} : memref<128xi32, #tpu.memory_space<vmem>>, vector<16xi32>,
    %add3A_88 = arith.constant 32 : i32
    %add3A_89 = arith.addi %mul3A_72, %add3A_88 : i32
    %add3A_90 = vector.broadcast %add3A_89 : i32 to vector<16xi32>
    %add3A_91 = arith.addi %add3A_90, %iota3A : vector<16xi32>
    %swap3A_92 = arith.constant 32 : index
    %swap3A_93 = tpu.vector_load %arg15[%swap3A_92] {strides = array<i32>} : memref<128xi32, #tpu.memory_space<vmem>>, vector<16xi32>,
    %swap3A_94 = vector.shape_cast %swap3A_93 : vector<16xi32> to vector<16xi32>
    %swap3A_95 = vector.shape_cast %add3A_91 : vector<16xi32> to vector<16xi32>
    tpu.vector_store %arg15[%swap3A_92], %swap3A_95 {strides = array<i32>} : memref<128xi32, #tpu.memory_space<vmem>>, vector<16xi32>,
    %add3A_96 = arith.constant 48 : i32
    %add3A_97 = arith.addi %mul3A_72, %add3A_96 : i32
    %add3A_98 = vector.broadcast %add3A_97 : i32 to vector<16xi32>
    %add3A_99 = arith.addi %add3A_98, %iota3A : vector<16xi32>
    %swap3A_100 = arith.constant 48 : index
    %swap3A_101 = tpu.vector_load %arg15[%swap3A_100] {strides = array<i32>} : memref<128xi32, #tpu.memory_space<vmem>>, vector<16xi32>,
    %swap3A_102 = vector.shape_cast %swap3A_101 : vector<16xi32> to vector<16xi32>
    %swap3A_103 = vector.shape_cast %add3A_99 : vector<16xi32> to vector<16xi32>
    tpu.vector_store %arg15[%swap3A_100], %swap3A_103 {strides = array<i32>} : memref<128xi32, #tpu.memory_space<vmem>>, vector<16xi32>,
    %add3A_104 = arith.constant 64 : i32
    %add3A_105 = arith.addi %mul3A_72, %add3A_104 : i32
    %add3A_106 = vector.broadcast %add3A_105 : i32 to vector<16xi32>
    %add3A_107 = arith.addi %add3A_106, %iota3A : vector<16xi32>
    %swap3A_108 = arith.constant 64 : index
    %swap3A_109 = tpu.vector_load %arg15[%swap3A_108] {strides = array<i32>} : memref<128xi32, #tpu.memory_space<vmem>>, vector<16xi32>,
    %swap3A_110 = vector.shape_cast %swap3A_109 : vector<16xi32> to vector<16xi32>
    %swap3A_111 = vector.shape_cast %add3A_107 : vector<16xi32> to vector<16xi32>
    tpu.vector_store %arg15[%swap3A_108], %swap3A_111 {strides = array<i32>} : memref<128xi32, #tpu.memory_space<vmem>>, vector<16xi32>,
    %add3A_112 = arith.constant 80 : i32
    %add3A_113 = arith.addi %mul3A_72, %add3A_112 : i32
    %add3A_114 = vector.broadcast %add3A_113 : i32 to vector<16xi32>
    %add3A_115 = arith.addi %add3A_114, %iota3A : vector<16xi32>
    %swap3A_116 = arith.constant 80 : index
    %swap3A_117 = tpu.vector_load %arg15[%swap3A_116] {strides = array<i32>} : memref<128xi32, #tpu.memory_space<vmem>>, vector<16xi32>,
    %swap3A_118 = vector.shape_cast %swap3A_117 : vector<16xi32> to vector<16xi32>
    %swap3A_119 = vector.shape_cast %add3A_115 : vector<16xi32> to vector<16xi32>
    tpu.vector_store %arg15[%swap3A_116], %swap3A_119 {strides = array<i32>} : memref<128xi32, #tpu.memory_space<vmem>>, vector<16xi32>,
    %add3A_120 = arith.constant 96 : i32
    %add3A_121 = arith.addi %mul3A_72, %add3A_120 : i32
    %add3A_122 = vector.broadcast %add3A_121 : i32 to vector<16xi32>
    %add3A_123 = arith.addi %add3A_122, %iota3A : vector<16xi32>
    %swap3A_124 = arith.constant 96 : index
    %swap3A_125 = tpu.vector_load %arg15[%swap3A_124] {strides = array<i32>} : memref<128xi32, #tpu.memory_space<vmem>>, vector<16xi32>,
    %swap3A_126 = vector.shape_cast %swap3A_125 : vector<16xi32> to vector<16xi32>
    %swap3A_127 = vector.shape_cast %add3A_123 : vector<16xi32> to vector<16xi32>
    tpu.vector_store %arg15[%swap3A_124], %swap3A_127 {strides = array<i32>} : memref<128xi32, #tpu.memory_space<vmem>>, vector<16xi32>,
    %add3A_128 = arith.constant 112 : i32
    %add3A_129 = arith.addi %mul3A_72, %add3A_128 : i32
    %add3A_130 = vector.broadcast %add3A_129 : i32 to vector<16xi32>
    %add3A_131 = arith.addi %add3A_130, %iota3A : vector<16xi32>
    %swap3A_132 = arith.constant 112 : index
    %swap3A_133 = tpu.vector_load %arg15[%swap3A_132] {strides = array<i32>} : memref<128xi32, #tpu.memory_space<vmem>>, vector<16xi32>,
    %swap3A_134 = vector.shape_cast %swap3A_133 : vector<16xi32> to vector<16xi32>
    %swap3A_135 = vector.shape_cast %add3A_131 : vector<16xi32> to vector<16xi32>
    tpu.vector_store %arg15[%swap3A_132], %swap3A_135 {strides = array<i32>} : memref<128xi32, #tpu.memory_space<vmem>>, vector<16xi32>,
    %dma_start3A_136 = arith.constant 0 : i32
    %dma_start3A_137 = arith.constant 0 : i32
    %dma_start3A_138 = tpu.memref_slice %arg3[%dma_start3A_136, %dma_start3A_137] : memref<10000x128xf32, #tpu.memory_space<hbm>> -> memref<10000x128xf32, #tpu.memory_space<hbm>>
    tpu.enqueue_indirect_dma source(%dma_start3A_138 : memref<10000x128xf32, #tpu.memory_space<hbm>>) target(%arg21 : memref<128x128xf32, #tpu.memory_space<vmem>>) offsets(%arg12 : memref<128xi32, #tpu.memory_space<vmem>>) semaphore(%arg31 : memref<!tpu.dma_semaphore, #tpu.memory_space<semaphore_mem>>) {add = true}
    %dma_start3A_139 = arith.constant 0 : i32
    %dma_start3A_140 = arith.constant 0 : i32
    %dma_start3A_141 = tpu.memref_slice %arg4[%dma_start3A_139, %dma_start3A_140] : memref<320000x128xf32, #tpu.memory_space<hbm>> -> memref<320000x128xf32, #tpu.memory_space<hbm>>
    tpu.enqueue_indirect_dma source(%dma_start3A_141 : memref<320000x128xf32, #tpu.memory_space<hbm>>) target(%arg21 : memref<128x128xf32, #tpu.memory_space<vmem>>) offsets(%arg15 : memref<128xi32, #tpu.memory_space<vmem>>) semaphore(%arg31 : memref<!tpu.dma_semaphore, #tpu.memory_space<semaphore_mem>>) {add = true}
    %add3A_142 = arith.constant 32 : i32
    %add3A_143 = arith.addi %add3A_142, %add3A : i32
    %mul3A_144 = arith.constant 128 : i32
    %mul3A_145 = arith.muli %add3A_143, %mul3A_144 : i32
    %dma_wait3A_146 = tpu.memref_slice %arg5[%mul3A_145] : memref<320000xi32, #tpu.memory_space<hbm>> -> memref<128xi32, #tpu.memory_space<hbm>>
    %dma_wait3A_147 = tpu.memref_slice %arg5[%mul3A_145] : memref<320000xi32, #tpu.memory_space<hbm>> -> memref<128xi32, #tpu.memory_space<hbm>>
    tpu.wait_dma2 semaphore(%arg26 : memref<!tpu.dma_semaphore, #tpu.memory_space<semaphore_mem>>) src(%dma_wait3A_147 : memref<128xi32, #tpu.memory_space<hbm>>) dst(%arg10 : memref<128xi32, #tpu.memory_space<vmem>>)
    %add3A_148 = arith.constant 32 : i32
    %add3A_149 = arith.addi %add3A_148, %add3A : i32
    %mul3A_150 = arith.constant 128 : i32
    %mul3A_151 = arith.muli %add3A_149, %mul3A_150 : i32
    %dma_wait3A_152 = tpu.memref_slice %arg6[%mul3A_151] : memref<320000xi32, #tpu.memory_space<hbm>> -> memref<128xi32, #tpu.memory_space<hbm>>
    %dma_wait3A_153 = tpu.memref_slice %arg6[%mul3A_151] : memref<320000xi32, #tpu.memory_space<hbm>> -> memref<128xi32, #tpu.memory_space<hbm>>
    tpu.wait_dma2 semaphore(%arg26 : memref<!tpu.dma_semaphore, #tpu.memory_space<semaphore_mem>>) src(%dma_wait3A_153 : memref<128xi32, #tpu.memory_space<hbm>>) dst(%arg13 : memref<128xi32, #tpu.memory_space<vmem>>)
    %dma_start3A_154 = arith.constant 0 : i32
    %dma_start3A_155 = arith.constant 0 : i32
    %dma_start3A_156 = tpu.memref_slice %arg2[%dma_start3A_154, %dma_start3A_155] : memref<10000x128xf32, #tpu.memory_space<hbm>> -> memref<10000x128xf32, #tpu.memory_space<hbm>>
    tpu.enqueue_indirect_dma source(%dma_start3A_156 : memref<10000x128xf32, #tpu.memory_space<hbm>>) target(%arg22 : memref<128x128xf32, #tpu.memory_space<vmem>>) offsets(%arg10 : memref<128xi32, #tpu.memory_space<vmem>>) semaphore(%arg29 : memref<!tpu.dma_semaphore, #tpu.memory_space<semaphore_mem>>)
    %scan3A = arith.constant 0 : i32
    %scan3A_157 = arith.constant 0 : i32
    %scan3A_158 = arith.constant 27 : i32
    %scan3A_159 = arith.addi %scan3A_157, %scan3A_158 : i32
    %scan3A_160 = arith.constant 1 : i32
    scf.for %scan3A_187 = %scan3A_157 to %scan3A_159 step %scan3A_160  : i32 {
      %mul3A_188 = arith.constant 3 : i32
      %mul3A_189 = arith.muli %scan3A_187, %mul3A_188 : i32
      %lt3A_190 = arith.cmpi slt, %mul3A_189, %add3A_14 : i32
      %convert_element_type3A_191 = arith.extui %lt3A_190 : i1 to i32
      %cond3A_192 = arith.constant 0 : i32
      %cond3A_193 = arith.cmpi ne, %convert_element_type3A_191, %cond3A_192 : i32
      scf.if %cond3A_193 {
        %add3A_206 = arith.constant 2 : i32
        %add3A_207 = arith.addi %mul3A_189, %add3A_206 : i32
        %lt3A_208 = arith.cmpi slt, %add3A_207, %add3A_14 : i32
        %convert_element_type3A_209 = arith.extui %lt3A_208 : i1 to i32
        %cond3A_210 = arith.constant 0 : i32
        %cond3A_211 = arith.cmpi ne, %convert_element_type3A_209, %cond3A_210 : i32
        scf.if %cond3A_211 {
          %add3A_294 = arith.constant 2 : i32
          %add3A_295 = arith.addi %mul3A_189, %add3A_294 : i32
          %mul3A_296 = arith.constant 32 : i32
          %mul3A_297 = arith.muli %add3A_295, %mul3A_296 : i32
          %add3A_298 = arith.addi %mul3A_297, %add3A : i32
          %mul3A_299 = arith.constant 128 : i32
          %mul3A_300 = arith.muli %add3A_298, %mul3A_299 : i32
          %dma_wait3A_301 = tpu.memref_slice %arg5[%mul3A_300] : memref<320000xi32, #tpu.memory_space<hbm>> -> memref<128xi32, #tpu.memory_space<hbm>>
          %dma_wait3A_302 = tpu.memref_slice %arg5[%mul3A_300] : memref<320000xi32, #tpu.memory_space<hbm>> -> memref<128xi32, #tpu.memory_space<hbm>>
          tpu.wait_dma2 semaphore(%arg27 : memref<!tpu.dma_semaphore, #tpu.memory_space<semaphore_mem>>) src(%dma_wait3A_302 : memref<128xi32, #tpu.memory_space<hbm>>) dst(%arg11 : memref<128xi32, #tpu.memory_space<vmem>>)
          %mul3A_303 = arith.constant 32 : i32
          %mul3A_304 = arith.muli %add3A_295, %mul3A_303 : i32
          %add3A_305 = arith.addi %mul3A_304, %add3A : i32
          %mul3A_306 = arith.constant 128 : i32
          %mul3A_307 = arith.muli %add3A_305, %mul3A_306 : i32
          %dma_wait3A_308 = tpu.memref_slice %arg6[%mul3A_307] : memref<320000xi32, #tpu.memory_space<hbm>> -> memref<128xi32, #tpu.memory_space<hbm>>
          %dma_wait3A_309 = tpu.memref_slice %arg6[%mul3A_307] : memref<320000xi32, #tpu.memory_space<hbm>> -> memref<128xi32, #tpu.memory_space<hbm>>
          tpu.wait_dma2 semaphore(%arg27 : memref<!tpu.dma_semaphore, #tpu.memory_space<semaphore_mem>>) src(%dma_wait3A_309 : memref<128xi32, #tpu.memory_space<hbm>>) dst(%arg14 : memref<128xi32, #tpu.memory_space<vmem>>)
          %ge3A = arith.constant 1 : i32
          %ge3A_310 = arith.cmpi sge, %mul3A_189, %ge3A : i32
          %convert_element_type3A_311 = arith.extui %ge3A_310 : i1 to i32
          %cond3A_312 = arith.constant 0 : i32
          %cond3A_313 = arith.cmpi ne, %convert_element_type3A_311, %cond3A_312 : i32
          scf.if %cond3A_313 {
            %dma_wait3A_319 = arith.constant 0 : i32
            %dma_wait3A_320 = arith.constant 0 : i32
            %dma_wait3A_321 = tpu.memref_slice %arg24[%dma_wait3A_319, %dma_wait3A_320] : memref<10000x128xf32, #tpu.memory_space<vmem_shared>> -> memref<10000x128xf32, #tpu.memory_space<vmem_shared>>
            tpu.wait_indirect_dma semaphore(%arg36 : memref<!tpu.dma_semaphore, #tpu.memory_space<semaphore_mem>>) src(%arg23 : memref<128x128xf32, #tpu.memory_space<vmem>>) dst(%dma_wait3A_321 : memref<10000x128xf32, #tpu.memory_space<vmem_shared>>)
          } else {
          }
          %add3A_314 = arith.constant 2 : i32
          %add3A_315 = arith.addi %mul3A_189, %add3A_314 : i32
          %dma_start3A_316 = arith.constant 0 : i32
          %dma_start3A_317 = arith.constant 0 : i32
          %dma_start3A_318 = tpu.memref_slice %arg2[%dma_start3A_316, %dma_start3A_317] : memref<10000x128xf32, #tpu.memory_space<hbm>> -> memref<10000x128xf32, #tpu.memory_space<hbm>>
          tpu.enqueue_indirect_dma source(%dma_start3A_318 : memref<10000x128xf32, #tpu.memory_space<hbm>>) target(%arg23 : memref<128x128xf32, #tpu.memory_space<vmem>>) offsets(%arg11 : memref<128xi32, #tpu.memory_space<vmem>>) semaphore(%arg30 : memref<!tpu.dma_semaphore, #tpu.memory_space<semaphore_mem>>)
        } else {
        }
        %add3A_212 = arith.constant 1 : i32
        %add3A_213 = arith.addi %mul3A_189, %add3A_212 : i32
        %lt3A_214 = arith.cmpi slt, %add3A_213, %add3A_14 : i32
        %convert_element_type3A_215 = arith.extui %lt3A_214 : i1 to i32
        %cond3A_216 = arith.constant 0 : i32
        %cond3A_217 = arith.cmpi ne, %convert_element_type3A_215, %cond3A_216 : i32
        scf.if %cond3A_217 {
          %add3A_294 = arith.constant 1 : i32
          %add3A_295 = arith.addi %mul3A_189, %add3A_294 : i32
          %dma_wait3A_296 = arith.constant 0 : i32
          %dma_wait3A_297 = arith.constant 0 : i32
          %dma_wait3A_298 = tpu.memref_slice %arg2[%dma_wait3A_296, %dma_wait3A_297] : memref<10000x128xf32, #tpu.memory_space<hbm>> -> memref<10000x128xf32, #tpu.memory_space<hbm>>
          tpu.wait_indirect_dma semaphore(%arg29 : memref<!tpu.dma_semaphore, #tpu.memory_space<semaphore_mem>>) src(%dma_wait3A_298 : memref<10000x128xf32, #tpu.memory_space<hbm>>) dst(%arg22 : memref<128x128xf32, #tpu.memory_space<vmem>>)
          %add3A_299 = arith.constant 1 : i32
          %add3A_300 = arith.addi %mul3A_189, %add3A_299 : i32
          %mul3A_301 = arith.constant 32 : i32
          %mul3A_302 = arith.muli %add3A_300, %mul3A_301 : i32
          %add3A_303 = arith.addi %mul3A_302, %add3A : i32
          %mul3A_304 = arith.constant 128 : i32
          %mul3A_305 = arith.muli %add3A_303, %mul3A_304 : i32
          %add3A_306 = arith.constant 0 : i32
          %add3A_307 = arith.addi %mul3A_305, %add3A_306 : i32
          %add3A_308 = vector.broadcast %add3A_307 : i32 to vector<16xi32>
          %add3A_309 = arith.addi %add3A_308, %iota3A : vector<16xi32>
          %swap3A_310 = arith.constant 0 : index
          %swap3A_311 = tpu.vector_load %arg16[%swap3A_310] {strides = array<i32>} : memref<128xi32, #tpu.memory_space<vmem>>, vector<16xi32>,
          %swap3A_312 = vector.shape_cast %swap3A_311 : vector<16xi32> to vector<16xi32>
          %swap3A_313 = vector.shape_cast %add3A_309 : vector<16xi32> to vector<16xi32>
          tpu.vector_store %arg16[%swap3A_310], %swap3A_313 {strides = array<i32>} : memref<128xi32, #tpu.memory_space<vmem>>, vector<16xi32>,
          %add3A_314 = arith.constant 16 : i32
          %add3A_315 = arith.addi %mul3A_305, %add3A_314 : i32
          %add3A_316 = vector.broadcast %add3A_315 : i32 to vector<16xi32>
          %add3A_317 = arith.addi %add3A_316, %iota3A : vector<16xi32>
          %swap3A_318 = arith.constant 16 : index
          %swap3A_319 = tpu.vector_load %arg16[%swap3A_318] {strides = array<i32>} : memref<128xi32, #tpu.memory_space<vmem>>, vector<16xi32>,
          %swap3A_320 = vector.shape_cast %swap3A_319 : vector<16xi32> to vector<16xi32>
          %swap3A_321 = vector.shape_cast %add3A_317 : vector<16xi32> to vector<16xi32>
          tpu.vector_store %arg16[%swap3A_318], %swap3A_321 {strides = array<i32>} : memref<128xi32, #tpu.memory_space<vmem>>, vector<16xi32>,
          %add3A_322 = arith.constant 32 : i32
          %add3A_323 = arith.addi %mul3A_305, %add3A_322 : i32
          %add3A_324 = vector.broadcast %add3A_323 : i32 to vector<16xi32>
          %add3A_325 = arith.addi %add3A_324, %iota3A : vector<16xi32>
          %swap3A_326 = arith.constant 32 : index
          %swap3A_327 = tpu.vector_load %arg16[%swap3A_326] {strides = array<i32>} : memref<128xi32, #tpu.memory_space<vmem>>, vector<16xi32>,
          %swap3A_328 = vector.shape_cast %swap3A_327 : vector<16xi32> to vector<16xi32>
          %swap3A_329 = vector.shape_cast %add3A_325 : vector<16xi32> to vector<16xi32>
          tpu.vector_store %arg16[%swap3A_326], %swap3A_329 {strides = array<i32>} : memref<128xi32, #tpu.memory_space<vmem>>, vector<16xi32>,
          %add3A_330 = arith.constant 48 : i32
          %add3A_331 = arith.addi %mul3A_305, %add3A_330 : i32
          %add3A_332 = vector.broadcast %add3A_331 : i32 to vector<16xi32>
          %add3A_333 = arith.addi %add3A_332, %iota3A : vector<16xi32>
          %swap3A_334 = arith.constant 48 : index
          %swap3A_335 = tpu.vector_load %arg16[%swap3A_334] {strides = array<i32>} : memref<128xi32, #tpu.memory_space<vmem>>, vector<16xi32>,
          %swap3A_336 = vector.shape_cast %swap3A_335 : vector<16xi32> to vector<16xi32>
          %swap3A_337 = vector.shape_cast %add3A_333 : vector<16xi32> to vector<16xi32>
          tpu.vector_store %arg16[%swap3A_334], %swap3A_337 {strides = array<i32>} : memref<128xi32, #tpu.memory_space<vmem>>, vector<16xi32>,
          %add3A_338 = arith.constant 64 : i32
          %add3A_339 = arith.addi %mul3A_305, %add3A_338 : i32
          %add3A_340 = vector.broadcast %add3A_339 : i32 to vector<16xi32>
          %add3A_341 = arith.addi %add3A_340, %iota3A : vector<16xi32>
          %swap3A_342 = arith.constant 64 : index
          %swap3A_343 = tpu.vector_load %arg16[%swap3A_342] {strides = array<i32>} : memref<128xi32, #tpu.memory_space<vmem>>, vector<16xi32>,
          %swap3A_344 = vector.shape_cast %swap3A_343 : vector<16xi32> to vector<16xi32>
          %swap3A_345 = vector.shape_cast %add3A_341 : vector<16xi32> to vector<16xi32>
          tpu.vector_store %arg16[%swap3A_342], %swap3A_345 {strides = array<i32>} : memref<128xi32, #tpu.memory_space<vmem>>, vector<16xi32>,
          %add3A_346 = arith.constant 80 : i32
          %add3A_347 = arith.addi %mul3A_305, %add3A_346 : i32
          %add3A_348 = vector.broadcast %add3A_347 : i32 to vector<16xi32>
          %add3A_349 = arith.addi %add3A_348, %iota3A : vector<16xi32>
          %swap3A_350 = arith.constant 80 : index
          %swap3A_351 = tpu.vector_load %arg16[%swap3A_350] {strides = array<i32>} : memref<128xi32, #tpu.memory_space<vmem>>, vector<16xi32>,
          %swap3A_352 = vector.shape_cast %swap3A_351 : vector<16xi32> to vector<16xi32>
          %swap3A_353 = vector.shape_cast %add3A_349 : vector<16xi32> to vector<16xi32>
          tpu.vector_store %arg16[%swap3A_350], %swap3A_353 {strides = array<i32>} : memref<128xi32, #tpu.memory_space<vmem>>, vector<16xi32>,
          %add3A_354 = arith.constant 96 : i32
          %add3A_355 = arith.addi %mul3A_305, %add3A_354 : i32
          %add3A_356 = vector.broadcast %add3A_355 : i32 to vector<16xi32>
          %add3A_357 = arith.addi %add3A_356, %iota3A : vector<16xi32>
          %swap3A_358 = arith.constant 96 : index
          %swap3A_359 = tpu.vector_load %arg16[%swap3A_358] {strides = array<i32>} : memref<128xi32, #tpu.memory_space<vmem>>, vector<16xi32>,
          %swap3A_360 = vector.shape_cast %swap3A_359 : vector<16xi32> to vector<16xi32>
          %swap3A_361 = vector.shape_cast %add3A_357 : vector<16xi32> to vector<16xi32>
          tpu.vector_store %arg16[%swap3A_358], %swap3A_361 {strides = array<i32>} : memref<128xi32, #tpu.memory_space<vmem>>, vector<16xi32>,
          %add3A_362 = arith.constant 112 : i32
          %add3A_363 = arith.addi %mul3A_305, %add3A_362 : i32
          %add3A_364 = vector.broadcast %add3A_363 : i32 to vector<16xi32>
          %add3A_365 = arith.addi %add3A_364, %iota3A : vector<16xi32>
          %swap3A_366 = arith.constant 112 : index
          %swap3A_367 = tpu.vector_load %arg16[%swap3A_366] {strides = array<i32>} : memref<128xi32, #tpu.memory_space<vmem>>, vector<16xi32>,
          %swap3A_368 = vector.shape_cast %swap3A_367 : vector<16xi32> to vector<16xi32>
          %swap3A_369 = vector.shape_cast %add3A_365 : vector<16xi32> to vector<16xi32>
          tpu.vector_store %arg16[%swap3A_366], %swap3A_369 {strides = array<i32>} : memref<128xi32, #tpu.memory_space<vmem>>, vector<16xi32>,
          %dma_start3A_370 = arith.constant 0 : i32
          %dma_start3A_371 = arith.constant 0 : i32
          %dma_start3A_372 = tpu.memref_slice %arg3[%dma_start3A_370, %dma_start3A_371] : memref<10000x128xf32, #tpu.memory_space<hbm>> -> memref<10000x128xf32, #tpu.memory_space<hbm>>
          tpu.enqueue_indirect_dma source(%dma_start3A_372 : memref<10000x128xf32, #tpu.memory_space<hbm>>) target(%arg22 : memref<128x128xf32, #tpu.memory_space<vmem>>) offsets(%arg13 : memref<128xi32, #tpu.memory_space<vmem>>) semaphore(%arg32 : memref<!tpu.dma_semaphore, #tpu.memory_space<semaphore_mem>>) {add = true}
          %dma_start3A_373 = arith.constant 0 : i32
          %dma_start3A_374 = arith.constant 0 : i32
          %dma_start3A_375 = tpu.memref_slice %arg4[%dma_start3A_373, %dma_start3A_374] : memref<320000x128xf32, #tpu.memory_space<hbm>> -> memref<320000x128xf32, #tpu.memory_space<hbm>>
          tpu.enqueue_indirect_dma source(%dma_start3A_375 : memref<320000x128xf32, #tpu.memory_space<hbm>>) target(%arg22 : memref<128x128xf32, #tpu.memory_space<vmem>>) offsets(%arg16 : memref<128xi32, #tpu.memory_space<vmem>>) semaphore(%arg32 : memref<!tpu.dma_semaphore, #tpu.memory_space<semaphore_mem>>) {add = true}
        } else {
        }
        %dma_wait3A_218 = arith.constant 0 : i32
        %dma_wait3A_219 = arith.constant 0 : i32
        %dma_wait3A_220 = tpu.memref_slice %arg3[%dma_wait3A_218, %dma_wait3A_219] : memref<10000x128xf32, #tpu.memory_space<hbm>> -> memref<10000x128xf32, #tpu.memory_space<hbm>>
        tpu.wait_indirect_dma semaphore(%arg31 : memref<!tpu.dma_semaphore, #tpu.memory_space<semaphore_mem>>) src(%dma_wait3A_220 : memref<10000x128xf32, #tpu.memory_space<hbm>>) dst(%arg21 : memref<128x128xf32, #tpu.memory_space<vmem>>)
        %dma_wait3A_221 = arith.constant 0 : i32
        %dma_wait3A_222 = arith.constant 0 : i32
        %dma_wait3A_223 = tpu.memref_slice %arg4[%dma_wait3A_221, %dma_wait3A_222] : memref<320000x128xf32, #tpu.memory_space<hbm>> -> memref<320000x128xf32, #tpu.memory_space<hbm>>
        tpu.wait_indirect_dma semaphore(%arg31 : memref<!tpu.dma_semaphore, #tpu.memory_space<semaphore_mem>>) src(%dma_wait3A_223 : memref<320000x128xf32, #tpu.memory_space<hbm>>) dst(%arg21 : memref<128x128xf32, #tpu.memory_space<vmem>>)
        %get3A = arith.constant 0 : index
        %get3A_224 = tpu.vector_load %arg12[%get3A] {strides = array<i32>} : memref<128xi32, #tpu.memory_space<vmem>>, vector<16xi32>,
        %get3A_225 = vector.shape_cast %get3A_224 : vector<16xi32> to vector<16xi32>
        %swap3A_226 = arith.constant 0 : index
        %swap3A_227 = tpu.vector_load %arg18[%swap3A_226] {strides = array<i32>} : memref<128xi32, #tpu.memory_space<vmem>>, vector<16xi32>,
        %swap3A_228 = vector.shape_cast %swap3A_227 : vector<16xi32> to vector<16xi32>
        %swap3A_229 = vector.shape_cast %get3A_225 : vector<16xi32> to vector<16xi32>
        tpu.vector_store %arg18[%swap3A_226], %swap3A_229 {strides = array<i32>} : memref<128xi32, #tpu.memory_space<vmem>>, vector<16xi32>,
        %get3A_230 = arith.constant 16 : index
        %get3A_231 = tpu.vector_load %arg12[%get3A_230] {strides = array<i32>} : memref<128xi32, #tpu.memory_space<vmem>>, vector<16xi32>,
        %get3A_232 = vector.shape_cast %get3A_231 : vector<16xi32> to vector<16xi32>
        %swap3A_233 = arith.constant 16 : index
        %swap3A_234 = tpu.vector_load %arg18[%swap3A_233] {strides = array<i32>} : memref<128xi32, #tpu.memory_space<vmem>>, vector<16xi32>,
        %swap3A_235 = vector.shape_cast %swap3A_234 : vector<16xi32> to vector<16xi32>
        %swap3A_236 = vector.shape_cast %get3A_232 : vector<16xi32> to vector<16xi32>
        tpu.vector_store %arg18[%swap3A_233], %swap3A_236 {strides = array<i32>} : memref<128xi32, #tpu.memory_space<vmem>>, vector<16xi32>,
        %get3A_237 = arith.constant 32 : index
        %get3A_238 = tpu.vector_load %arg12[%get3A_237] {strides = array<i32>} : memref<128xi32, #tpu.memory_space<vmem>>, vector<16xi32>,
        %get3A_239 = vector.shape_cast %get3A_238 : vector<16xi32> to vector<16xi32>
        %swap3A_240 = arith.constant 32 : index
        %swap3A_241 = tpu.vector_load %arg18[%swap3A_240] {strides = array<i32>} : memref<128xi32, #tpu.memory_space<vmem>>, vector<16xi32>,
        %swap3A_242 = vector.shape_cast %swap3A_241 : vector<16xi32> to vector<16xi32>
        %swap3A_243 = vector.shape_cast %get3A_239 : vector<16xi32> to vector<16xi32>
        tpu.vector_store %arg18[%swap3A_240], %swap3A_243 {strides = array<i32>} : memref<128xi32, #tpu.memory_space<vmem>>, vector<16xi32>,
        %get3A_244 = arith.constant 48 : index
        %get3A_245 = tpu.vector_load %arg12[%get3A_244] {strides = array<i32>} : memref<128xi32, #tpu.memory_space<vmem>>, vector<16xi32>,
        %get3A_246 = vector.shape_cast %get3A_245 : vector<16xi32> to vector<16xi32>
        %swap3A_247 = arith.constant 48 : index
        %swap3A_248 = tpu.vector_load %arg18[%swap3A_247] {strides = array<i32>} : memref<128xi32, #tpu.memory_space<vmem>>, vector<16xi32>,
        %swap3A_249 = vector.shape_cast %swap3A_248 : vector<16xi32> to vector<16xi32>
        %swap3A_250 = vector.shape_cast %get3A_246 : vector<16xi32> to vector<16xi32>
        tpu.vector_store %arg18[%swap3A_247], %swap3A_250 {strides = array<i32>} : memref<128xi32, #tpu.memory_space<vmem>>, vector<16xi32>,
        %get3A_251 = arith.constant 64 : index
        %get3A_252 = tpu.vector_load %arg12[%get3A_251] {strides = array<i32>} : memref<128xi32, #tpu.memory_space<vmem>>, vector<16xi32>,
        %get3A_253 = vector.shape_cast %get3A_252 : vector<16xi32> to vector<16xi32>
        %swap3A_254 = arith.constant 64 : index
        %swap3A_255 = tpu.vector_load %arg18[%swap3A_254] {strides = array<i32>} : memref<128xi32, #tpu.memory_space<vmem>>, vector<16xi32>,
        %swap3A_256 = vector.shape_cast %swap3A_255 : vector<16xi32> to vector<16xi32>
        %swap3A_257 = vector.shape_cast %get3A_253 : vector<16xi32> to vector<16xi32>
        tpu.vector_store %arg18[%swap3A_254], %swap3A_257 {strides = array<i32>} : memref<128xi32, #tpu.memory_space<vmem>>, vector<16xi32>,
        %get3A_258 = arith.constant 80 : index
        %get3A_259 = tpu.vector_load %arg12[%get3A_258] {strides = array<i32>} : memref<128xi32, #tpu.memory_space<vmem>>, vector<16xi32>,
        %get3A_260 = vector.shape_cast %get3A_259 : vector<16xi32> to vector<16xi32>
        %swap3A_261 = arith.constant 80 : index
        %swap3A_262 = tpu.vector_load %arg18[%swap3A_261] {strides = array<i32>} : memref<128xi32, #tpu.memory_space<vmem>>, vector<16xi32>,
        %swap3A_263 = vector.shape_cast %swap3A_262 : vector<16xi32> to vector<16xi32>
        %swap3A_264 = vector.shape_cast %get3A_260 : vector<16xi32> to vector<16xi32>
        tpu.vector_store %arg18[%swap3A_261], %swap3A_264 {strides = array<i32>} : memref<128xi32, #tpu.memory_space<vmem>>, vector<16xi32>,
        %get3A_265 = arith.constant 96 : index
        %get3A_266 = tpu.vector_load %arg12[%get3A_265] {strides = array<i32>} : memref<128xi32, #tpu.memory_space<vmem>>, vector<16xi32>,
        %get3A_267 = vector.shape_cast %get3A_266 : vector<16xi32> to vector<16xi32>
        %swap3A_268 = arith.constant 96 : index
        %swap3A_269 = tpu.vector_load %arg18[%swap3A_268] {strides = array<i32>} : memref<128xi32, #tpu.memory_space<vmem>>, vector<16xi32>,
        %swap3A_270 = vector.shape_cast %swap3A_269 : vector<16xi32> to vector<16xi32>
        %swap3A_271 = vector.shape_cast %get3A_267 : vector<16xi32> to vector<16xi32>
        tpu.vector_store %arg18[%swap3A_268], %swap3A_271 {strides = array<i32>} : memref<128xi32, #tpu.memory_space<vmem>>, vector<16xi32>,
        %get3A_272 = arith.constant 112 : index
        %get3A_273 = tpu.vector_load %arg12[%get3A_272] {strides = array<i32>} : memref<128xi32, #tpu.memory_space<vmem>>, vector<16xi32>,
        %get3A_274 = vector.shape_cast %get3A_273 : vector<16xi32> to vector<16xi32>
        %swap3A_275 = arith.constant 112 : index
        %swap3A_276 = tpu.vector_load %arg18[%swap3A_275] {strides = array<i32>} : memref<128xi32, #tpu.memory_space<vmem>>, vector<16xi32>,
        %swap3A_277 = vector.shape_cast %swap3A_276 : vector<16xi32> to vector<16xi32>
        %swap3A_278 = vector.shape_cast %get3A_274 : vector<16xi32> to vector<16xi32>
        tpu.vector_store %arg18[%swap3A_275], %swap3A_278 {strides = array<i32>} : memref<128xi32, #tpu.memory_space<vmem>>, vector<16xi32>,
        %scan3A_279 = arith.constant 0 : i32
        %scan3A_280 = arith.constant 0 : i32
        %scan3A_281 = arith.constant 128 : i32
        %scan3A_282 = arith.addi %scan3A_280, %scan3A_281 : i32
        %scan3A_283 = arith.constant 2 : i32
        scf.for %scan3A_294 = %scan3A_280 to %scan3A_282 step %scan3A_283  : i32 {
          %get3A_295 = arith.index_cast %scan3A_294 : i32 to index
          %get3A_296 = arith.constant 0 : index
          %get3A_297 = tpu.vector_load %arg21[%get3A_295, %get3A_296] {strides = array<i32>} : memref<128x128xf32, #tpu.memory_space<vmem>>, vector<1x16xf32>,
          %get3A_298 = vector.shape_cast %get3A_297 : vector<1x16xf32> to vector<16xf32>
          %max3A = arith.constant 0.000000e+00 : f32
          %max3A_299 = vector.broadcast %max3A : f32 to vector<16xf32>
          %max3A_300 = arith.maximumf %get3A_298, %max3A_299 : vector<16xf32>
          %swap3A_301 = arith.index_cast %scan3A_294 : i32 to index
          %swap3A_302 = arith.constant 0 : index
          %swap3A_303 = tpu.vector_load %arg21[%swap3A_301, %swap3A_302] {strides = array<i32>} : memref<128x128xf32, #tpu.memory_space<vmem>>, vector<1x16xf32>,
          %swap3A_304 = vector.shape_cast %swap3A_303 : vector<1x16xf32> to vector<16xf32>
          %swap3A_305 = vector.shape_cast %max3A_300 : vector<16xf32> to vector<1x16xf32>
          tpu.vector_store %arg21[%swap3A_301, %swap3A_302], %swap3A_305 {strides = array<i32>} : memref<128x128xf32, #tpu.memory_space<vmem>>, vector<1x16xf32>,
          %get3A_306 = arith.index_cast %scan3A_294 : i32 to index
          %get3A_307 = arith.constant 16 : index
          %get3A_308 = tpu.vector_load %arg21[%get3A_306, %get3A_307] {strides = array<i32>} : memref<128x128xf32, #tpu.memory_space<vmem>>, vector<1x16xf32>,
          %get3A_309 = vector.shape_cast %get3A_308 : vector<1x16xf32> to vector<16xf32>
          %max3A_310 = arith.constant 0.000000e+00 : f32
          %max3A_311 = vector.broadcast %max3A_310 : f32 to vector<16xf32>
          %max3A_312 = arith.maximumf %get3A_309, %max3A_311 : vector<16xf32>
          %swap3A_313 = arith.index_cast %scan3A_294 : i32 to index
          %swap3A_314 = arith.constant 16 : index
          %swap3A_315 = tpu.vector_load %arg21[%swap3A_313, %swap3A_314] {strides = array<i32>} : memref<128x128xf32, #tpu.memory_space<vmem>>, vector<1x16xf32>,
          %swap3A_316 = vector.shape_cast %swap3A_315 : vector<1x16xf32> to vector<16xf32>
          %swap3A_317 = vector.shape_cast %max3A_312 : vector<16xf32> to vector<1x16xf32>
          tpu.vector_store %arg21[%swap3A_313, %swap3A_314], %swap3A_317 {strides = array<i32>} : memref<128x128xf32, #tpu.memory_space<vmem>>, vector<1x16xf32>,
          %get3A_318 = arith.index_cast %scan3A_294 : i32 to index
          %get3A_319 = arith.constant 32 : index
          %get3A_320 = tpu.vector_load %arg21[%get3A_318, %get3A_319] {strides = array<i32>} : memref<128x128xf32, #tpu.memory_space<vmem>>, vector<1x16xf32>,
          %get3A_321 = vector.shape_cast %get3A_320 : vector<1x16xf32> to vector<16xf32>
          %max3A_322 = arith.constant 0.000000e+00 : f32
          %max3A_323 = vector.broadcast %max3A_322 : f32 to vector<16xf32>
          %max3A_324 = arith.maximumf %get3A_321, %max3A_323 : vector<16xf32>
          %swap3A_325 = arith.index_cast %scan3A_294 : i32 to index
          %swap3A_326 = arith.constant 32 : index
          %swap3A_327 = tpu.vector_load %arg21[%swap3A_325, %swap3A_326] {strides = array<i32>} : memref<128x128xf32, #tpu.memory_space<vmem>>, vector<1x16xf32>,
          %swap3A_328 = vector.shape_cast %swap3A_327 : vector<1x16xf32> to vector<16xf32>
          %swap3A_329 = vector.shape_cast %max3A_324 : vector<16xf32> to vector<1x16xf32>
          tpu.vector_store %arg21[%swap3A_325, %swap3A_326], %swap3A_329 {strides = array<i32>} : memref<128x128xf32, #tpu.memory_space<vmem>>, vector<1x16xf32>,
          %get3A_330 = arith.index_cast %scan3A_294 : i32 to index
          %get3A_331 = arith.constant 48 : index
          %get3A_332 = tpu.vector_load %arg21[%get3A_330, %get3A_331] {strides = array<i32>} : memref<128x128xf32, #tpu.memory_space<vmem>>, vector<1x16xf32>,
          %get3A_333 = vector.shape_cast %get3A_332 : vector<1x16xf32> to vector<16xf32>
          %max3A_334 = arith.constant 0.000000e+00 : f32
          %max3A_335 = vector.broadcast %max3A_334 : f32 to vector<16xf32>
          %max3A_336 = arith.maximumf %get3A_333, %max3A_335 : vector<16xf32>
          %swap3A_337 = arith.index_cast %scan3A_294 : i32 to index
          %swap3A_338 = arith.constant 48 : index
          %swap3A_339 = tpu.vector_load %arg21[%swap3A_337, %swap3A_338] {strides = array<i32>} : memref<128x128xf32, #tpu.memory_space<vmem>>, vector<1x16xf32>,
          %swap3A_340 = vector.shape_cast %swap3A_339 : vector<1x16xf32> to vector<16xf32>
          %swap3A_341 = vector.shape_cast %max3A_336 : vector<16xf32> to vector<1x16xf32>
          tpu.vector_store %arg21[%swap3A_337, %swap3A_338], %swap3A_341 {strides = array<i32>} : memref<128x128xf32, #tpu.memory_space<vmem>>, vector<1x16xf32>,
          %get3A_342 = arith.index_cast %scan3A_294 : i32 to index
          %get3A_343 = arith.constant 64 : index
          %get3A_344 = tpu.vector_load %arg21[%get3A_342, %get3A_343] {strides = array<i32>} : memref<128x128xf32, #tpu.memory_space<vmem>>, vector<1x16xf32>,
          %get3A_345 = vector.shape_cast %get3A_344 : vector<1x16xf32> to vector<16xf32>
          %max3A_346 = arith.constant 0.000000e+00 : f32
          %max3A_347 = vector.broadcast %max3A_346 : f32 to vector<16xf32>
          %max3A_348 = arith.maximumf %get3A_345, %max3A_347 : vector<16xf32>
          %swap3A_349 = arith.index_cast %scan3A_294 : i32 to index
          %swap3A_350 = arith.constant 64 : index
          %swap3A_351 = tpu.vector_load %arg21[%swap3A_349, %swap3A_350] {strides = array<i32>} : memref<128x128xf32, #tpu.memory_space<vmem>>, vector<1x16xf32>,
          %swap3A_352 = vector.shape_cast %swap3A_351 : vector<1x16xf32> to vector<16xf32>
          %swap3A_353 = vector.shape_cast %max3A_348 : vector<16xf32> to vector<1x16xf32>
          tpu.vector_store %arg21[%swap3A_349, %swap3A_350], %swap3A_353 {strides = array<i32>} : memref<128x128xf32, #tpu.memory_space<vmem>>, vector<1x16xf32>,
          %get3A_354 = arith.index_cast %scan3A_294 : i32 to index
          %get3A_355 = arith.constant 80 : index
          %get3A_356 = tpu.vector_load %arg21[%get3A_354, %get3A_355] {strides = array<i32>} : memref<128x128xf32, #tpu.memory_space<vmem>>, vector<1x16xf32>,
          %get3A_357 = vector.shape_cast %get3A_356 : vector<1x16xf32> to vector<16xf32>
          %max3A_358 = arith.constant 0.000000e+00 : f32
          %max3A_359 = vector.broadcast %max3A_358 : f32 to vector<16xf32>
          %max3A_360 = arith.maximumf %get3A_357, %max3A_359 : vector<16xf32>
          %swap3A_361 = arith.index_cast %scan3A_294 : i32 to index
          %swap3A_362 = arith.constant 80 : index
          %swap3A_363 = tpu.vector_load %arg21[%swap3A_361, %swap3A_362] {strides = array<i32>} : memref<128x128xf32, #tpu.memory_space<vmem>>, vector<1x16xf32>,
          %swap3A_364 = vector.shape_cast %swap3A_363 : vector<1x16xf32> to vector<16xf32>
          %swap3A_365 = vector.shape_cast %max3A_360 : vector<16xf32> to vector<1x16xf32>
          tpu.vector_store %arg21[%swap3A_361, %swap3A_362], %swap3A_365 {strides = array<i32>} : memref<128x128xf32, #tpu.memory_space<vmem>>, vector<1x16xf32>,
          %get3A_366 = arith.index_cast %scan3A_294 : i32 to index
          %get3A_367 = arith.constant 96 : index
          %get3A_368 = tpu.vector_load %arg21[%get3A_366, %get3A_367] {strides = array<i32>} : memref<128x128xf32, #tpu.memory_space<vmem>>, vector<1x16xf32>,
          %get3A_369 = vector.shape_cast %get3A_368 : vector<1x16xf32> to vector<16xf32>
          %max3A_370 = arith.constant 0.000000e+00 : f32
          %max3A_371 = vector.broadcast %max3A_370 : f32 to vector<16xf32>
          %max3A_372 = arith.maximumf %get3A_369, %max3A_371 : vector<16xf32>
          %swap3A_373 = arith.index_cast %scan3A_294 : i32 to index
          %swap3A_374 = arith.constant 96 : index
          %swap3A_375 = tpu.vector_load %arg21[%swap3A_373, %swap3A_374] {strides = array<i32>} : memref<128x128xf32, #tpu.memory_space<vmem>>, vector<1x16xf32>,
          %swap3A_376 = vector.shape_cast %swap3A_375 : vector<1x16xf32> to vector<16xf32>
          %swap3A_377 = vector.shape_cast %max3A_372 : vector<16xf32> to vector<1x16xf32>
          tpu.vector_store %arg21[%swap3A_373, %swap3A_374], %swap3A_377 {strides = array<i32>} : memref<128x128xf32, #tpu.memory_space<vmem>>, vector<1x16xf32>,
          %get3A_378 = arith.index_cast %scan3A_294 : i32 to index
          %get3A_379 = arith.constant 112 : index
          %get3A_380 = tpu.vector_load %arg21[%get3A_378, %get3A_379] {strides = array<i32>} : memref<128x128xf32, #tpu.memory_space<vmem>>, vector<1x16xf32>,
          %get3A_381 = vector.shape_cast %get3A_380 : vector<1x16xf32> to vector<16xf32>
          %max3A_382 = arith.constant 0.000000e+00 : f32
          %max3A_383 = vector.broadcast %max3A_382 : f32 to vector<16xf32>
          %max3A_384 = arith.maximumf %get3A_381, %max3A_383 : vector<16xf32>
          %swap3A_385 = arith.index_cast %scan3A_294 : i32 to index
          %swap3A_386 = arith.constant 112 : index
          %swap3A_387 = tpu.vector_load %arg21[%swap3A_385, %swap3A_386] {strides = array<i32>} : memref<128x128xf32, #tpu.memory_space<vmem>>, vector<1x16xf32>,
          %swap3A_388 = vector.shape_cast %swap3A_387 : vector<1x16xf32> to vector<16xf32>
          %swap3A_389 = vector.shape_cast %max3A_384 : vector<16xf32> to vector<1x16xf32>
          tpu.vector_store %arg21[%swap3A_385, %swap3A_386], %swap3A_389 {strides = array<i32>} : memref<128x128xf32, #tpu.memory_space<vmem>>, vector<1x16xf32>,
          %scan3A_390 = arith.constant 1 : i32
          %scan3A_391 = arith.addi %scan3A_294, %scan3A_390 : i32
          %get3A_392 = arith.index_cast %scan3A_391 : i32 to index
          %get3A_393 = arith.constant 0 : index
          %get3A_394 = tpu.vector_load %arg21[%get3A_392, %get3A_393] {strides = array<i32>} : memref<128x128xf32, #tpu.memory_space<vmem>>, vector<1x16xf32>,
          %get3A_395 = vector.shape_cast %get3A_394 : vector<1x16xf32> to vector<16xf32>
          %max3A_396 = arith.constant 0.000000e+00 : f32
          %max3A_397 = vector.broadcast %max3A_396 : f32 to vector<16xf32>
          %max3A_398 = arith.maximumf %get3A_395, %max3A_397 : vector<16xf32>
          %swap3A_399 = arith.index_cast %scan3A_391 : i32 to index
          %swap3A_400 = arith.constant 0 : index
          %swap3A_401 = tpu.vector_load %arg21[%swap3A_399, %swap3A_400] {strides = array<i32>} : memref<128x128xf32, #tpu.memory_space<vmem>>, vector<1x16xf32>,
          %swap3A_402 = vector.shape_cast %swap3A_401 : vector<1x16xf32> to vector<16xf32>
          %swap3A_403 = vector.shape_cast %max3A_398 : vector<16xf32> to vector<1x16xf32>
          tpu.vector_store %arg21[%swap3A_399, %swap3A_400], %swap3A_403 {strides = array<i32>} : memref<128x128xf32, #tpu.memory_space<vmem>>, vector<1x16xf32>,
          %get3A_404 = arith.index_cast %scan3A_391 : i32 to index
          %get3A_405 = arith.constant 16 : index
          %get3A_406 = tpu.vector_load %arg21[%get3A_404, %get3A_405] {strides = array<i32>} : memref<128x128xf32, #tpu.memory_space<vmem>>, vector<1x16xf32>,
          %get3A_407 = vector.shape_cast %get3A_406 : vector<1x16xf32> to vector<16xf32>
          %max3A_408 = arith.constant 0.000000e+00 : f32
          %max3A_409 = vector.broadcast %max3A_408 : f32 to vector<16xf32>
          %max3A_410 = arith.maximumf %get3A_407, %max3A_409 : vector<16xf32>
          %swap3A_411 = arith.index_cast %scan3A_391 : i32 to index
          %swap3A_412 = arith.constant 16 : index
          %swap3A_413 = tpu.vector_load %arg21[%swap3A_411, %swap3A_412] {strides = array<i32>} : memref<128x128xf32, #tpu.memory_space<vmem>>, vector<1x16xf32>,
          %swap3A_414 = vector.shape_cast %swap3A_413 : vector<1x16xf32> to vector<16xf32>
          %swap3A_415 = vector.shape_cast %max3A_410 : vector<16xf32> to vector<1x16xf32>
          tpu.vector_store %arg21[%swap3A_411, %swap3A_412], %swap3A_415 {strides = array<i32>} : memref<128x128xf32, #tpu.memory_space<vmem>>, vector<1x16xf32>,
          %get3A_416 = arith.index_cast %scan3A_391 : i32 to index
          %get3A_417 = arith.constant 32 : index
          %get3A_418 = tpu.vector_load %arg21[%get3A_416, %get3A_417] {strides = array<i32>} : memref<128x128xf32, #tpu.memory_space<vmem>>, vector<1x16xf32>,
          %get3A_419 = vector.shape_cast %get3A_418 : vector<1x16xf32> to vector<16xf32>
          %max3A_420 = arith.constant 0.000000e+00 : f32
          %max3A_421 = vector.broadcast %max3A_420 : f32 to vector<16xf32>
          %max3A_422 = arith.maximumf %get3A_419, %max3A_421 : vector<16xf32>
          %swap3A_423 = arith.index_cast %scan3A_391 : i32 to index
          %swap3A_424 = arith.constant 32 : index
          %swap3A_425 = tpu.vector_load %arg21[%swap3A_423, %swap3A_424] {strides = array<i32>} : memref<128x128xf32, #tpu.memory_space<vmem>>, vector<1x16xf32>,
          %swap3A_426 = vector.shape_cast %swap3A_425 : vector<1x16xf32> to vector<16xf32>
          %swap3A_427 = vector.shape_cast %max3A_422 : vector<16xf32> to vector<1x16xf32>
          tpu.vector_store %arg21[%swap3A_423, %swap3A_424], %swap3A_427 {strides = array<i32>} : memref<128x128xf32, #tpu.memory_space<vmem>>, vector<1x16xf32>,
          %get3A_428 = arith.index_cast %scan3A_391 : i32 to index
          %get3A_429 = arith.constant 48 : index
          %get3A_430 = tpu.vector_load %arg21[%get3A_428, %get3A_429] {strides = array<i32>} : memref<128x128xf32, #tpu.memory_space<vmem>>, vector<1x16xf32>,
          %get3A_431 = vector.shape_cast %get3A_430 : vector<1x16xf32> to vector<16xf32>
          %max3A_432 = arith.constant 0.000000e+00 : f32
          %max3A_433 = vector.broadcast %max3A_432 : f32 to vector<16xf32>
          %max3A_434 = arith.maximumf %get3A_431, %max3A_433 : vector<16xf32>
          %swap3A_435 = arith.index_cast %scan3A_391 : i32 to index
          %swap3A_436 = arith.constant 48 : index
          %swap3A_437 = tpu.vector_load %arg21[%swap3A_435, %swap3A_436] {strides = array<i32>} : memref<128x128xf32, #tpu.memory_space<vmem>>, vector<1x16xf32>,
          %swap3A_438 = vector.shape_cast %swap3A_437 : vector<1x16xf32> to vector<16xf32>
          %swap3A_439 = vector.shape_cast %max3A_434 : vector<16xf32> to vector<1x16xf32>
          tpu.vector_store %arg21[%swap3A_435, %swap3A_436], %swap3A_439 {strides = array<i32>} : memref<128x128xf32, #tpu.memory_space<vmem>>, vector<1x16xf32>,
          %get3A_440 = arith.index_cast %scan3A_391 : i32 to index
          %get3A_441 = arith.constant 64 : index
          %get3A_442 = tpu.vector_load %arg21[%get3A_440, %get3A_441] {strides = array<i32>} : memref<128x128xf32, #tpu.memory_space<vmem>>, vector<1x16xf32>,
          %get3A_443 = vector.shape_cast %get3A_442 : vector<1x16xf32> to vector<16xf32>
          %max3A_444 = arith.constant 0.000000e+00 : f32
          %max3A_445 = vector.broadcast %max3A_444 : f32 to vector<16xf32>
          %max3A_446 = arith.maximumf %get3A_443, %max3A_445 : vector<16xf32>
          %swap3A_447 = arith.index_cast %scan3A_391 : i32 to index
          %swap3A_448 = arith.constant 64 : index
          %swap3A_449 = tpu.vector_load %arg21[%swap3A_447, %swap3A_448] {strides = array<i32>} : memref<128x128xf32, #tpu.memory_space<vmem>>, vector<1x16xf32>,
          %swap3A_450 = vector.shape_cast %swap3A_449 : vector<1x16xf32> to vector<16xf32>
          %swap3A_451 = vector.shape_cast %max3A_446 : vector<16xf32> to vector<1x16xf32>
          tpu.vector_store %arg21[%swap3A_447, %swap3A_448], %swap3A_451 {strides = array<i32>} : memref<128x128xf32, #tpu.memory_space<vmem>>, vector<1x16xf32>,
          %get3A_452 = arith.index_cast %scan3A_391 : i32 to index
          %get3A_453 = arith.constant 80 : index
          %get3A_454 = tpu.vector_load %arg21[%get3A_452, %get3A_453] {strides = array<i32>} : memref<128x128xf32, #tpu.memory_space<vmem>>, vector<1x16xf32>,
          %get3A_455 = vector.shape_cast %get3A_454 : vector<1x16xf32> to vector<16xf32>
          %max3A_456 = arith.constant 0.000000e+00 : f32
          %max3A_457 = vector.broadcast %max3A_456 : f32 to vector<16xf32>
          %max3A_458 = arith.maximumf %get3A_455, %max3A_457 : vector<16xf32>
          %swap3A_459 = arith.index_cast %scan3A_391 : i32 to index
          %swap3A_460 = arith.constant 80 : index
          %swap3A_461 = tpu.vector_load %arg21[%swap3A_459, %swap3A_460] {strides = array<i32>} : memref<128x128xf32, #tpu.memory_space<vmem>>, vector<1x16xf32>,
          %swap3A_462 = vector.shape_cast %swap3A_461 : vector<1x16xf32> to vector<16xf32>
          %swap3A_463 = vector.shape_cast %max3A_458 : vector<16xf32> to vector<1x16xf32>
          tpu.vector_store %arg21[%swap3A_459, %swap3A_460], %swap3A_463 {strides = array<i32>} : memref<128x128xf32, #tpu.memory_space<vmem>>, vector<1x16xf32>,
          %get3A_464 = arith.index_cast %scan3A_391 : i32 to index
          %get3A_465 = arith.constant 96 : index
          %get3A_466 = tpu.vector_load %arg21[%get3A_464, %get3A_465] {strides = array<i32>} : memref<128x128xf32, #tpu.memory_space<vmem>>, vector<1x16xf32>,
          %get3A_467 = vector.shape_cast %get3A_466 : vector<1x16xf32> to vector<16xf32>
          %max3A_468 = arith.constant 0.000000e+00 : f32
          %max3A_469 = vector.broadcast %max3A_468 : f32 to vector<16xf32>
          %max3A_470 = arith.maximumf %get3A_467, %max3A_469 : vector<16xf32>
          %swap3A_471 = arith.index_cast %scan3A_391 : i32 to index
          %swap3A_472 = arith.constant 96 : index
          %swap3A_473 = tpu.vector_load %arg21[%swap3A_471, %swap3A_472] {strides = array<i32>} : memref<128x128xf32, #tpu.memory_space<vmem>>, vector<1x16xf32>,
          %swap3A_474 = vector.shape_cast %swap3A_473 : vector<1x16xf32> to vector<16xf32>
          %swap3A_475 = vector.shape_cast %max3A_470 : vector<16xf32> to vector<1x16xf32>
          tpu.vector_store %arg21[%swap3A_471, %swap3A_472], %swap3A_475 {strides = array<i32>} : memref<128x128xf32, #tpu.memory_space<vmem>>, vector<1x16xf32>,
          %get3A_476 = arith.index_cast %scan3A_391 : i32 to index
          %get3A_477 = arith.constant 112 : index
          %get3A_478 = tpu.vector_load %arg21[%get3A_476, %get3A_477] {strides = array<i32>} : memref<128x128xf32, #tpu.memory_space<vmem>>, vector<1x16xf32>,
          %get3A_479 = vector.shape_cast %get3A_478 : vector<1x16xf32> to vector<16xf32>
          %max3A_480 = arith.constant 0.000000e+00 : f32
          %max3A_481 = vector.broadcast %max3A_480 : f32 to vector<16xf32>
          %max3A_482 = arith.maximumf %get3A_479, %max3A_481 : vector<16xf32>
          %swap3A_483 = arith.index_cast %scan3A_391 : i32 to index
          %swap3A_484 = arith.constant 112 : index
          %swap3A_485 = tpu.vector_load %arg21[%swap3A_483, %swap3A_484] {strides = array<i32>} : memref<128x128xf32, #tpu.memory_space<vmem>>, vector<1x16xf32>,
          %swap3A_486 = vector.shape_cast %swap3A_485 : vector<1x16xf32> to vector<16xf32>
          %swap3A_487 = vector.shape_cast %max3A_482 : vector<16xf32> to vector<1x16xf32>
          tpu.vector_store %arg21[%swap3A_483, %swap3A_484], %swap3A_487 {strides = array<i32>} : memref<128x128xf32, #tpu.memory_space<vmem>>, vector<1x16xf32>,
        }
        %scan3A_284 = arith.constant 128 : i32
        %dma_start3A_285 = arith.constant 0 : i32
        %dma_start3A_286 = arith.constant 0 : i32
        %dma_start3A_287 = tpu.memref_slice %arg24[%dma_start3A_285, %dma_start3A_286] : memref<10000x128xf32, #tpu.memory_space<vmem_shared>> -> memref<10000x128xf32, #tpu.memory_space<vmem_shared>>
        tpu.enqueue_indirect_dma source(%arg21 : memref<128x128xf32, #tpu.memory_space<vmem>>) target(%dma_start3A_287 : memref<10000x128xf32, #tpu.memory_space<vmem_shared>>) offsets(%arg18 : memref<128xi32, #tpu.memory_space<vmem>>) semaphore(%arg34 : memref<!tpu.dma_semaphore, #tpu.memory_space<semaphore_mem>>) {add = true}
        %add3A_288 = arith.constant 3 : i32
        %add3A_289 = arith.addi %mul3A_189, %add3A_288 : i32
        %lt3A_290 = arith.cmpi slt, %add3A_289, %add3A_14 : i32
        %convert_element_type3A_291 = arith.extui %lt3A_290 : i1 to i32
        %cond3A_292 = arith.constant 0 : i32
        %cond3A_293 = arith.cmpi ne, %convert_element_type3A_291, %cond3A_292 : i32
        scf.if %cond3A_293 {
          %add3A_294 = arith.constant 3 : i32
          %add3A_295 = arith.addi %mul3A_189, %add3A_294 : i32
          %mul3A_296 = arith.constant 32 : i32
          %mul3A_297 = arith.muli %add3A_295, %mul3A_296 : i32
          %add3A_298 = arith.addi %mul3A_297, %add3A : i32
          %mul3A_299 = arith.constant 128 : i32
          %mul3A_300 = arith.muli %add3A_298, %mul3A_299 : i32
          %dma_start3A_301 = tpu.memref_slice %arg5[%mul3A_300] : memref<320000xi32, #tpu.memory_space<hbm>> -> memref<128xi32, #tpu.memory_space<hbm>>
          %dma_start3A_302 = tpu.memref_slice %arg5[%mul3A_300] : memref<320000xi32, #tpu.memory_space<hbm>> -> memref<128xi32, #tpu.memory_space<hbm>>
          tpu.enqueue_dma source(%dma_start3A_302 : memref<128xi32, #tpu.memory_space<hbm>>) target(%arg9 : memref<128xi32, #tpu.memory_space<vmem>>) target_semaphore(%arg25 : memref<!tpu.dma_semaphore, #tpu.memory_space<semaphore_mem>>)
          %mul3A_303 = arith.constant 32 : i32
          %mul3A_304 = arith.muli %add3A_295, %mul3A_303 : i32
          %add3A_305 = arith.addi %mul3A_304, %add3A : i32
          %mul3A_306 = arith.constant 128 : i32
          %mul3A_307 = arith.muli %add3A_305, %mul3A_306 : i32
          %dma_start3A_308 = tpu.memref_slice %arg6[%mul3A_307] : memref<320000xi32, #tpu.memory_space<hbm>> -> memref<128xi32, #tpu.memory_space<hbm>>
          %dma_start3A_309 = tpu.memref_slice %arg6[%mul3A_307] : memref<320000xi32, #tpu.memory_space<hbm>> -> memref<128xi32, #tpu.memory_space<hbm>>
          tpu.enqueue_dma source(%dma_start3A_309 : memref<128xi32, #tpu.memory_space<hbm>>) target(%arg12 : memref<128xi32, #tpu.memory_space<vmem>>) target_semaphore(%arg25 : memref<!tpu.dma_semaphore, #tpu.memory_space<semaphore_mem>>)
        } else {
        }
      } else {
      }
      %add3A_194 = arith.constant 1 : i32
      %add3A_195 = arith.addi %mul3A_189, %add3A_194 : i32
      %lt3A_196 = arith.cmpi slt, %add3A_195, %add3A_14 : i32
      %convert_element_type3A_197 = arith.extui %lt3A_196 : i1 to i32
      %cond3A_198 = arith.constant 0 : i32
      %cond3A_199 = arith.cmpi ne, %convert_element_type3A_197, %cond3A_198 : i32
      scf.if %cond3A_199 {
        %add3A_206 = arith.constant 1 : i32
        %add3A_207 = arith.addi %mul3A_189, %add3A_206 : i32
        %add3A_208 = arith.constant 2 : i32
        %add3A_209 = arith.addi %add3A_207, %add3A_208 : i32
        %lt3A_210 = arith.cmpi slt, %add3A_209, %add3A_14 : i32
        %convert_element_type3A_211 = arith.extui %lt3A_210 : i1 to i32
        %cond3A_212 = arith.constant 0 : i32
        %cond3A_213 = arith.cmpi ne, %convert_element_type3A_211, %cond3A_212 : i32
        scf.if %cond3A_213 {
          %add3A_296 = arith.constant 2 : i32
          %add3A_297 = arith.addi %add3A_207, %add3A_296 : i32
          %mul3A_298 = arith.constant 32 : i32
          %mul3A_299 = arith.muli %add3A_297, %mul3A_298 : i32
          %add3A_300 = arith.addi %mul3A_299, %add3A : i32
          %mul3A_301 = arith.constant 128 : i32
          %mul3A_302 = arith.muli %add3A_300, %mul3A_301 : i32
          %dma_wait3A_303 = tpu.memref_slice %arg5[%mul3A_302] : memref<320000xi32, #tpu.memory_space<hbm>> -> memref<128xi32, #tpu.memory_space<hbm>>
          %dma_wait3A_304 = tpu.memref_slice %arg5[%mul3A_302] : memref<320000xi32, #tpu.memory_space<hbm>> -> memref<128xi32, #tpu.memory_space<hbm>>
          tpu.wait_dma2 semaphore(%arg25 : memref<!tpu.dma_semaphore, #tpu.memory_space<semaphore_mem>>) src(%dma_wait3A_304 : memref<128xi32, #tpu.memory_space<hbm>>) dst(%arg9 : memref<128xi32, #tpu.memory_space<vmem>>)
          %mul3A_305 = arith.constant 32 : i32
          %mul3A_306 = arith.muli %add3A_297, %mul3A_305 : i32
          %add3A_307 = arith.addi %mul3A_306, %add3A : i32
          %mul3A_308 = arith.constant 128 : i32
          %mul3A_309 = arith.muli %add3A_307, %mul3A_308 : i32
          %dma_wait3A_310 = tpu.memref_slice %arg6[%mul3A_309] : memref<320000xi32, #tpu.memory_space<hbm>> -> memref<128xi32, #tpu.memory_space<hbm>>
          %dma_wait3A_311 = tpu.memref_slice %arg6[%mul3A_309] : memref<320000xi32, #tpu.memory_space<hbm>> -> memref<128xi32, #tpu.memory_space<hbm>>
          tpu.wait_dma2 semaphore(%arg25 : memref<!tpu.dma_semaphore, #tpu.memory_space<semaphore_mem>>) src(%dma_wait3A_311 : memref<128xi32, #tpu.memory_space<hbm>>) dst(%arg12 : memref<128xi32, #tpu.memory_space<vmem>>)
          %ge3A = arith.constant 1 : i32
          %ge3A_312 = arith.cmpi sge, %add3A_207, %ge3A : i32
          %convert_element_type3A_313 = arith.extui %ge3A_312 : i1 to i32
          %cond3A_314 = arith.constant 0 : i32
          %cond3A_315 = arith.cmpi ne, %convert_element_type3A_313, %cond3A_314 : i32
          scf.if %cond3A_315 {
            %dma_wait3A_321 = arith.constant 0 : i32
            %dma_wait3A_322 = arith.constant 0 : i32
            %dma_wait3A_323 = tpu.memref_slice %arg24[%dma_wait3A_321, %dma_wait3A_322] : memref<10000x128xf32, #tpu.memory_space<vmem_shared>> -> memref<10000x128xf32, #tpu.memory_space<vmem_shared>>
            tpu.wait_indirect_dma semaphore(%arg34 : memref<!tpu.dma_semaphore, #tpu.memory_space<semaphore_mem>>) src(%arg21 : memref<128x128xf32, #tpu.memory_space<vmem>>) dst(%dma_wait3A_323 : memref<10000x128xf32, #tpu.memory_space<vmem_shared>>)
          } else {
          }
          %add3A_316 = arith.constant 2 : i32
          %add3A_317 = arith.addi %add3A_207, %add3A_316 : i32
          %dma_start3A_318 = arith.constant 0 : i32
          %dma_start3A_319 = arith.constant 0 : i32
          %dma_start3A_320 = tpu.memref_slice %arg2[%dma_start3A_318, %dma_start3A_319] : memref<10000x128xf32, #tpu.memory_space<hbm>> -> memref<10000x128xf32, #tpu.memory_space<hbm>>
          tpu.enqueue_indirect_dma source(%dma_start3A_320 : memref<10000x128xf32, #tpu.memory_space<hbm>>) target(%arg21 : memref<128x128xf32, #tpu.memory_space<vmem>>) offsets(%arg9 : memref<128xi32, #tpu.memory_space<vmem>>) semaphore(%arg28 : memref<!tpu.dma_semaphore, #tpu.memory_space<semaphore_mem>>)
        } else {
        }
        %add3A_214 = arith.constant 1 : i32
        %add3A_215 = arith.addi %add3A_207, %add3A_214 : i32
        %lt3A_216 = arith.cmpi slt, %add3A_215, %add3A_14 : i32
        %convert_element_type3A_217 = arith.extui %lt3A_216 : i1 to i32
        %cond3A_218 = arith.constant 0 : i32
        %cond3A_219 = arith.cmpi ne, %convert_element_type3A_217, %cond3A_218 : i32
        scf.if %cond3A_219 {
          %add3A_296 = arith.constant 1 : i32
          %add3A_297 = arith.addi %add3A_207, %add3A_296 : i32
          %dma_wait3A_298 = arith.constant 0 : i32
          %dma_wait3A_299 = arith.constant 0 : i32
          %dma_wait3A_300 = tpu.memref_slice %arg2[%dma_wait3A_298, %dma_wait3A_299] : memref<10000x128xf32, #tpu.memory_space<hbm>> -> memref<10000x128xf32, #tpu.memory_space<hbm>>
          tpu.wait_indirect_dma semaphore(%arg30 : memref<!tpu.dma_semaphore, #tpu.memory_space<semaphore_mem>>) src(%dma_wait3A_300 : memref<10000x128xf32, #tpu.memory_space<hbm>>) dst(%arg23 : memref<128x128xf32, #tpu.memory_space<vmem>>)
          %add3A_301 = arith.constant 1 : i32
          %add3A_302 = arith.addi %add3A_207, %add3A_301 : i32
          %mul3A_303 = arith.constant 32 : i32
          %mul3A_304 = arith.muli %add3A_302, %mul3A_303 : i32
          %add3A_305 = arith.addi %mul3A_304, %add3A : i32
          %mul3A_306 = arith.constant 128 : i32
          %mul3A_307 = arith.muli %add3A_305, %mul3A_306 : i32
          %add3A_308 = arith.constant 0 : i32
          %add3A_309 = arith.addi %mul3A_307, %add3A_308 : i32
          %add3A_310 = vector.broadcast %add3A_309 : i32 to vector<16xi32>
          %add3A_311 = arith.addi %add3A_310, %iota3A : vector<16xi32>
          %swap3A_312 = arith.constant 0 : index
          %swap3A_313 = tpu.vector_load %arg17[%swap3A_312] {strides = array<i32>} : memref<128xi32, #tpu.memory_space<vmem>>, vector<16xi32>,
          %swap3A_314 = vector.shape_cast %swap3A_313 : vector<16xi32> to vector<16xi32>
          %swap3A_315 = vector.shape_cast %add3A_311 : vector<16xi32> to vector<16xi32>
          tpu.vector_store %arg17[%swap3A_312], %swap3A_315 {strides = array<i32>} : memref<128xi32, #tpu.memory_space<vmem>>, vector<16xi32>,
          %add3A_316 = arith.constant 16 : i32
          %add3A_317 = arith.addi %mul3A_307, %add3A_316 : i32
          %add3A_318 = vector.broadcast %add3A_317 : i32 to vector<16xi32>
          %add3A_319 = arith.addi %add3A_318, %iota3A : vector<16xi32>
          %swap3A_320 = arith.constant 16 : index
          %swap3A_321 = tpu.vector_load %arg17[%swap3A_320] {strides = array<i32>} : memref<128xi32, #tpu.memory_space<vmem>>, vector<16xi32>,
          %swap3A_322 = vector.shape_cast %swap3A_321 : vector<16xi32> to vector<16xi32>
          %swap3A_323 = vector.shape_cast %add3A_319 : vector<16xi32> to vector<16xi32>
          tpu.vector_store %arg17[%swap3A_320], %swap3A_323 {strides = array<i32>} : memref<128xi32, #tpu.memory_space<vmem>>, vector<16xi32>,
          %add3A_324 = arith.constant 32 : i32
          %add3A_325 = arith.addi %mul3A_307, %add3A_324 : i32
          %add3A_326 = vector.broadcast %add3A_325 : i32 to vector<16xi32>
          %add3A_327 = arith.addi %add3A_326, %iota3A : vector<16xi32>
          %swap3A_328 = arith.constant 32 : index
          %swap3A_329 = tpu.vector_load %arg17[%swap3A_328] {strides = array<i32>} : memref<128xi32, #tpu.memory_space<vmem>>, vector<16xi32>,
          %swap3A_330 = vector.shape_cast %swap3A_329 : vector<16xi32> to vector<16xi32>
          %swap3A_331 = vector.shape_cast %add3A_327 : vector<16xi32> to vector<16xi32>
          tpu.vector_store %arg17[%swap3A_328], %swap3A_331 {strides = array<i32>} : memref<128xi32, #tpu.memory_space<vmem>>, vector<16xi32>,
          %add3A_332 = arith.constant 48 : i32
          %add3A_333 = arith.addi %mul3A_307, %add3A_332 : i32
          %add3A_334 = vector.broadcast %add3A_333 : i32 to vector<16xi32>
          %add3A_335 = arith.addi %add3A_334, %iota3A : vector<16xi32>
          %swap3A_336 = arith.constant 48 : index
          %swap3A_337 = tpu.vector_load %arg17[%swap3A_336] {strides = array<i32>} : memref<128xi32, #tpu.memory_space<vmem>>, vector<16xi32>,
          %swap3A_338 = vector.shape_cast %swap3A_337 : vector<16xi32> to vector<16xi32>
          %swap3A_339 = vector.shape_cast %add3A_335 : vector<16xi32> to vector<16xi32>
          tpu.vector_store %arg17[%swap3A_336], %swap3A_339 {strides = array<i32>} : memref<128xi32, #tpu.memory_space<vmem>>, vector<16xi32>,
          %add3A_340 = arith.constant 64 : i32
          %add3A_341 = arith.addi %mul3A_307, %add3A_340 : i32
          %add3A_342 = vector.broadcast %add3A_341 : i32 to vector<16xi32>
          %add3A_343 = arith.addi %add3A_342, %iota3A : vector<16xi32>
          %swap3A_344 = arith.constant 64 : index
          %swap3A_345 = tpu.vector_load %arg17[%swap3A_344] {strides = array<i32>} : memref<128xi32, #tpu.memory_space<vmem>>, vector<16xi32>,
          %swap3A_346 = vector.shape_cast %swap3A_345 : vector<16xi32> to vector<16xi32>
          %swap3A_347 = vector.shape_cast %add3A_343 : vector<16xi32> to vector<16xi32>
          tpu.vector_store %arg17[%swap3A_344], %swap3A_347 {strides = array<i32>} : memref<128xi32, #tpu.memory_space<vmem>>, vector<16xi32>,
          %add3A_348 = arith.constant 80 : i32
          %add3A_349 = arith.addi %mul3A_307, %add3A_348 : i32
          %add3A_350 = vector.broadcast %add3A_349 : i32 to vector<16xi32>
          %add3A_351 = arith.addi %add3A_350, %iota3A : vector<16xi32>
          %swap3A_352 = arith.constant 80 : index
          %swap3A_353 = tpu.vector_load %arg17[%swap3A_352] {strides = array<i32>} : memref<128xi32, #tpu.memory_space<vmem>>, vector<16xi32>,
          %swap3A_354 = vector.shape_cast %swap3A_353 : vector<16xi32> to vector<16xi32>
          %swap3A_355 = vector.shape_cast %add3A_351 : vector<16xi32> to vector<16xi32>
          tpu.vector_store %arg17[%swap3A_352], %swap3A_355 {strides = array<i32>} : memref<128xi32, #tpu.memory_space<vmem>>, vector<16xi32>,
          %add3A_356 = arith.constant 96 : i32
          %add3A_357 = arith.addi %mul3A_307, %add3A_356 : i32
          %add3A_358 = vector.broadcast %add3A_357 : i32 to vector<16xi32>
          %add3A_359 = arith.addi %add3A_358, %iota3A : vector<16xi32>
          %swap3A_360 = arith.constant 96 : index
          %swap3A_361 = tpu.vector_load %arg17[%swap3A_360] {strides = array<i32>} : memref<128xi32, #tpu.memory_space<vmem>>, vector<16xi32>,
          %swap3A_362 = vector.shape_cast %swap3A_361 : vector<16xi32> to vector<16xi32>
          %swap3A_363 = vector.shape_cast %add3A_359 : vector<16xi32> to vector<16xi32>
          tpu.vector_store %arg17[%swap3A_360], %swap3A_363 {strides = array<i32>} : memref<128xi32, #tpu.memory_space<vmem>>, vector<16xi32>,
          %add3A_364 = arith.constant 112 : i32
          %add3A_365 = arith.addi %mul3A_307, %add3A_364 : i32
          %add3A_366 = vector.broadcast %add3A_365 : i32 to vector<16xi32>
          %add3A_367 = arith.addi %add3A_366, %iota3A : vector<16xi32>
          %swap3A_368 = arith.constant 112 : index
          %swap3A_369 = tpu.vector_load %arg17[%swap3A_368] {strides = array<i32>} : memref<128xi32, #tpu.memory_space<vmem>>, vector<16xi32>,
          %swap3A_370 = vector.shape_cast %swap3A_369 : vector<16xi32> to vector<16xi32>
          %swap3A_371 = vector.shape_cast %add3A_367 : vector<16xi32> to vector<16xi32>
          tpu.vector_store %arg17[%swap3A_368], %swap3A_371 {strides = array<i32>} : memref<128xi32, #tpu.memory_space<vmem>>, vector<16xi32>,
          %dma_start3A_372 = arith.constant 0 : i32
          %dma_start3A_373 = arith.constant 0 : i32
          %dma_start3A_374 = tpu.memref_slice %arg3[%dma_start3A_372, %dma_start3A_373] : memref<10000x128xf32, #tpu.memory_space<hbm>> -> memref<10000x128xf32, #tpu.memory_space<hbm>>
          tpu.enqueue_indirect_dma source(%dma_start3A_374 : memref<10000x128xf32, #tpu.memory_space<hbm>>) target(%arg23 : memref<128x128xf32, #tpu.memory_space<vmem>>) offsets(%arg14 : memref<128xi32, #tpu.memory_space<vmem>>) semaphore(%arg33 : memref<!tpu.dma_semaphore, #tpu.memory_space<semaphore_mem>>) {add = true}
          %dma_start3A_375 = arith.constant 0 : i32
          %dma_start3A_376 = arith.constant 0 : i32
          %dma_start3A_377 = tpu.memref_slice %arg4[%dma_start3A_375, %dma_start3A_376] : memref<320000x128xf32, #tpu.memory_space<hbm>> -> memref<320000x128xf32, #tpu.memory_space<hbm>>
          tpu.enqueue_indirect_dma source(%dma_start3A_377 : memref<320000x128xf32, #tpu.memory_space<hbm>>) target(%arg23 : memref<128x128xf32, #tpu.memory_space<vmem>>) offsets(%arg17 : memref<128xi32, #tpu.memory_space<vmem>>) semaphore(%arg33 : memref<!tpu.dma_semaphore, #tpu.memory_space<semaphore_mem>>) {add = true}
        } else {
        }
        %dma_wait3A_220 = arith.constant 0 : i32
        %dma_wait3A_221 = arith.constant 0 : i32
        %dma_wait3A_222 = tpu.memref_slice %arg3[%dma_wait3A_220, %dma_wait3A_221] : memref<10000x128xf32, #tpu.memory_space<hbm>> -> memref<10000x128xf32, #tpu.memory_space<hbm>>
        tpu.wait_indirect_dma semaphore(%arg32 : memref<!tpu.dma_semaphore, #tpu.memory_space<semaphore_mem>>) src(%dma_wait3A_222 : memref<10000x128xf32, #tpu.memory_space<hbm>>) dst(%arg22 : memref<128x128xf32, #tpu.memory_space<vmem>>)
        %dma_wait3A_223 = arith.constant 0 : i32
        %dma_wait3A_224 = arith.constant 0 : i32
        %dma_wait3A_225 = tpu.memref_slice %arg4[%dma_wait3A_223, %dma_wait3A_224] : memref<320000x128xf32, #tpu.memory_space<hbm>> -> memref<320000x128xf32, #tpu.memory_space<hbm>>
        tpu.wait_indirect_dma semaphore(%arg32 : memref<!tpu.dma_semaphore, #tpu.memory_space<semaphore_mem>>) src(%dma_wait3A_225 : memref<320000x128xf32, #tpu.memory_space<hbm>>) dst(%arg22 : memref<128x128xf32, #tpu.memory_space<vmem>>)
        %get3A = arith.constant 0 : index
        %get3A_226 = tpu.vector_load %arg13[%get3A] {strides = array<i32>} : memref<128xi32, #tpu.memory_space<vmem>>, vector<16xi32>,
        %get3A_227 = vector.shape_cast %get3A_226 : vector<16xi32> to vector<16xi32>
        %swap3A_228 = arith.constant 0 : index
        %swap3A_229 = tpu.vector_load %arg19[%swap3A_228] {strides = array<i32>} : memref<128xi32, #tpu.memory_space<vmem>>, vector<16xi32>,
        %swap3A_230 = vector.shape_cast %swap3A_229 : vector<16xi32> to vector<16xi32>
        %swap3A_231 = vector.shape_cast %get3A_227 : vector<16xi32> to vector<16xi32>
        tpu.vector_store %arg19[%swap3A_228], %swap3A_231 {strides = array<i32>} : memref<128xi32, #tpu.memory_space<vmem>>, vector<16xi32>,
        %get3A_232 = arith.constant 16 : index
        %get3A_233 = tpu.vector_load %arg13[%get3A_232] {strides = array<i32>} : memref<128xi32, #tpu.memory_space<vmem>>, vector<16xi32>,
        %get3A_234 = vector.shape_cast %get3A_233 : vector<16xi32> to vector<16xi32>
        %swap3A_235 = arith.constant 16 : index
        %swap3A_236 = tpu.vector_load %arg19[%swap3A_235] {strides = array<i32>} : memref<128xi32, #tpu.memory_space<vmem>>, vector<16xi32>,
        %swap3A_237 = vector.shape_cast %swap3A_236 : vector<16xi32> to vector<16xi32>
        %swap3A_238 = vector.shape_cast %get3A_234 : vector<16xi32> to vector<16xi32>
        tpu.vector_store %arg19[%swap3A_235], %swap3A_238 {strides = array<i32>} : memref<128xi32, #tpu.memory_space<vmem>>, vector<16xi32>,
        %get3A_239 = arith.constant 32 : index
        %get3A_240 = tpu.vector_load %arg13[%get3A_239] {strides = array<i32>} : memref<128xi32, #tpu.memory_space<vmem>>, vector<16xi32>,
        %get3A_241 = vector.shape_cast %get3A_240 : vector<16xi32> to vector<16xi32>
        %swap3A_242 = arith.constant 32 : index
        %swap3A_243 = tpu.vector_load %arg19[%swap3A_242] {strides = array<i32>} : memref<128xi32, #tpu.memory_space<vmem>>, vector<16xi32>,
        %swap3A_244 = vector.shape_cast %swap3A_243 : vector<16xi32> to vector<16xi32>
        %swap3A_245 = vector.shape_cast %get3A_241 : vector<16xi32> to vector<16xi32>
        tpu.vector_store %arg19[%swap3A_242], %swap3A_245 {strides = array<i32>} : memref<128xi32, #tpu.memory_space<vmem>>, vector<16xi32>,
        %get3A_246 = arith.constant 48 : index
        %get3A_247 = tpu.vector_load %arg13[%get3A_246] {strides = array<i32>} : memref<128xi32, #tpu.memory_space<vmem>>, vector<16xi32>,
        %get3A_248 = vector.shape_cast %get3A_247 : vector<16xi32> to vector<16xi32>
        %swap3A_249 = arith.constant 48 : index
        %swap3A_250 = tpu.vector_load %arg19[%swap3A_249] {strides = array<i32>} : memref<128xi32, #tpu.memory_space<vmem>>, vector<16xi32>,
        %swap3A_251 = vector.shape_cast %swap3A_250 : vector<16xi32> to vector<16xi32>
        %swap3A_252 = vector.shape_cast %get3A_248 : vector<16xi32> to vector<16xi32>
        tpu.vector_store %arg19[%swap3A_249], %swap3A_252 {strides = array<i32>} : memref<128xi32, #tpu.memory_space<vmem>>, vector<16xi32>,
        %get3A_253 = arith.constant 64 : index
        %get3A_254 = tpu.vector_load %arg13[%get3A_253] {strides = array<i32>} : memref<128xi32, #tpu.memory_space<vmem>>, vector<16xi32>,
        %get3A_255 = vector.shape_cast %get3A_254 : vector<16xi32> to vector<16xi32>
        %swap3A_256 = arith.constant 64 : index
        %swap3A_257 = tpu.vector_load %arg19[%swap3A_256] {strides = array<i32>} : memref<128xi32, #tpu.memory_space<vmem>>, vector<16xi32>,
        %swap3A_258 = vector.shape_cast %swap3A_257 : vector<16xi32> to vector<16xi32>
        %swap3A_259 = vector.shape_cast %get3A_255 : vector<16xi32> to vector<16xi32>
        tpu.vector_store %arg19[%swap3A_256], %swap3A_259 {strides = array<i32>} : memref<128xi32, #tpu.memory_space<vmem>>, vector<16xi32>,
        %get3A_260 = arith.constant 80 : index
        %get3A_261 = tpu.vector_load %arg13[%get3A_260] {strides = array<i32>} : memref<128xi32, #tpu.memory_space<vmem>>, vector<16xi32>,
        %get3A_262 = vector.shape_cast %get3A_261 : vector<16xi32> to vector<16xi32>
        %swap3A_263 = arith.constant 80 : index
        %swap3A_264 = tpu.vector_load %arg19[%swap3A_263] {strides = array<i32>} : memref<128xi32, #tpu.memory_space<vmem>>, vector<16xi32>,
        %swap3A_265 = vector.shape_cast %swap3A_264 : vector<16xi32> to vector<16xi32>
        %swap3A_266 = vector.shape_cast %get3A_262 : vector<16xi32> to vector<16xi32>
        tpu.vector_store %arg19[%swap3A_263], %swap3A_266 {strides = array<i32>} : memref<128xi32, #tpu.memory_space<vmem>>, vector<16xi32>,
        %get3A_267 = arith.constant 96 : index
        %get3A_268 = tpu.vector_load %arg13[%get3A_267] {strides = array<i32>} : memref<128xi32, #tpu.memory_space<vmem>>, vector<16xi32>,
        %get3A_269 = vector.shape_cast %get3A_268 : vector<16xi32> to vector<16xi32>
        %swap3A_270 = arith.constant 96 : index
        %swap3A_271 = tpu.vector_load %arg19[%swap3A_270] {strides = array<i32>} : memref<128xi32, #tpu.memory_space<vmem>>, vector<16xi32>,
        %swap3A_272 = vector.shape_cast %swap3A_271 : vector<16xi32> to vector<16xi32>
        %swap3A_273 = vector.shape_cast %get3A_269 : vector<16xi32> to vector<16xi32>
        tpu.vector_store %arg19[%swap3A_270], %swap3A_273 {strides = array<i32>} : memref<128xi32, #tpu.memory_space<vmem>>, vector<16xi32>,
        %get3A_274 = arith.constant 112 : index
        %get3A_275 = tpu.vector_load %arg13[%get3A_274] {strides = array<i32>} : memref<128xi32, #tpu.memory_space<vmem>>, vector<16xi32>,
        %get3A_276 = vector.shape_cast %get3A_275 : vector<16xi32> to vector<16xi32>
        %swap3A_277 = arith.constant 112 : index
        %swap3A_278 = tpu.vector_load %arg19[%swap3A_277] {strides = array<i32>} : memref<128xi32, #tpu.memory_space<vmem>>, vector<16xi32>,
        %swap3A_279 = vector.shape_cast %swap3A_278 : vector<16xi32> to vector<16xi32>
        %swap3A_280 = vector.shape_cast %get3A_276 : vector<16xi32> to vector<16xi32>
        tpu.vector_store %arg19[%swap3A_277], %swap3A_280 {strides = array<i32>} : memref<128xi32, #tpu.memory_space<vmem>>, vector<16xi32>,
        %scan3A_281 = arith.constant 0 : i32
        %scan3A_282 = arith.constant 0 : i32
        %scan3A_283 = arith.constant 128 : i32
        %scan3A_284 = arith.addi %scan3A_282, %scan3A_283 : i32
        %scan3A_285 = arith.constant 2 : i32
        scf.for %scan3A_296 = %scan3A_282 to %scan3A_284 step %scan3A_285  : i32 {
          %get3A_297 = arith.index_cast %scan3A_296 : i32 to index
          %get3A_298 = arith.constant 0 : index
          %get3A_299 = tpu.vector_load %arg22[%get3A_297, %get3A_298] {strides = array<i32>} : memref<128x128xf32, #tpu.memory_space<vmem>>, vector<1x16xf32>,
          %get3A_300 = vector.shape_cast %get3A_299 : vector<1x16xf32> to vector<16xf32>
          %max3A = arith.constant 0.000000e+00 : f32
          %max3A_301 = vector.broadcast %max3A : f32 to vector<16xf32>
          %max3A_302 = arith.maximumf %get3A_300, %max3A_301 : vector<16xf32>
          %swap3A_303 = arith.index_cast %scan3A_296 : i32 to index
          %swap3A_304 = arith.constant 0 : index
          %swap3A_305 = tpu.vector_load %arg22[%swap3A_303, %swap3A_304] {strides = array<i32>} : memref<128x128xf32, #tpu.memory_space<vmem>>, vector<1x16xf32>,
          %swap3A_306 = vector.shape_cast %swap3A_305 : vector<1x16xf32> to vector<16xf32>
          %swap3A_307 = vector.shape_cast %max3A_302 : vector<16xf32> to vector<1x16xf32>
          tpu.vector_store %arg22[%swap3A_303, %swap3A_304], %swap3A_307 {strides = array<i32>} : memref<128x128xf32, #tpu.memory_space<vmem>>, vector<1x16xf32>,
          %get3A_308 = arith.index_cast %scan3A_296 : i32 to index
          %get3A_309 = arith.constant 16 : index
          %get3A_310 = tpu.vector_load %arg22[%get3A_308, %get3A_309] {strides = array<i32>} : memref<128x128xf32, #tpu.memory_space<vmem>>, vector<1x16xf32>,
          %get3A_311 = vector.shape_cast %get3A_310 : vector<1x16xf32> to vector<16xf32>
          %max3A_312 = arith.constant 0.000000e+00 : f32
          %max3A_313 = vector.broadcast %max3A_312 : f32 to vector<16xf32>
          %max3A_314 = arith.maximumf %get3A_311, %max3A_313 : vector<16xf32>
          %swap3A_315 = arith.index_cast %scan3A_296 : i32 to index
          %swap3A_316 = arith.constant 16 : index
          %swap3A_317 = tpu.vector_load %arg22[%swap3A_315, %swap3A_316] {strides = array<i32>} : memref<128x128xf32, #tpu.memory_space<vmem>>, vector<1x16xf32>,
          %swap3A_318 = vector.shape_cast %swap3A_317 : vector<1x16xf32> to vector<16xf32>
          %swap3A_319 = vector.shape_cast %max3A_314 : vector<16xf32> to vector<1x16xf32>
          tpu.vector_store %arg22[%swap3A_315, %swap3A_316], %swap3A_319 {strides = array<i32>} : memref<128x128xf32, #tpu.memory_space<vmem>>, vector<1x16xf32>,
          %get3A_320 = arith.index_cast %scan3A_296 : i32 to index
          %get3A_321 = arith.constant 32 : index
          %get3A_322 = tpu.vector_load %arg22[%get3A_320, %get3A_321] {strides = array<i32>} : memref<128x128xf32, #tpu.memory_space<vmem>>, vector<1x16xf32>,
          %get3A_323 = vector.shape_cast %get3A_322 : vector<1x16xf32> to vector<16xf32>
          %max3A_324 = arith.constant 0.000000e+00 : f32
          %max3A_325 = vector.broadcast %max3A_324 : f32 to vector<16xf32>
          %max3A_326 = arith.maximumf %get3A_323, %max3A_325 : vector<16xf32>
          %swap3A_327 = arith.index_cast %scan3A_296 : i32 to index
          %swap3A_328 = arith.constant 32 : index
          %swap3A_329 = tpu.vector_load %arg22[%swap3A_327, %swap3A_328] {strides = array<i32>} : memref<128x128xf32, #tpu.memory_space<vmem>>, vector<1x16xf32>,
          %swap3A_330 = vector.shape_cast %swap3A_329 : vector<1x16xf32> to vector<16xf32>
          %swap3A_331 = vector.shape_cast %max3A_326 : vector<16xf32> to vector<1x16xf32>
          tpu.vector_store %arg22[%swap3A_327, %swap3A_328], %swap3A_331 {strides = array<i32>} : memref<128x128xf32, #tpu.memory_space<vmem>>, vector<1x16xf32>,
          %get3A_332 = arith.index_cast %scan3A_296 : i32 to index
          %get3A_333 = arith.constant 48 : index
          %get3A_334 = tpu.vector_load %arg22[%get3A_332, %get3A_333] {strides = array<i32>} : memref<128x128xf32, #tpu.memory_space<vmem>>, vector<1x16xf32>,
          %get3A_335 = vector.shape_cast %get3A_334 : vector<1x16xf32> to vector<16xf32>
          %max3A_336 = arith.constant 0.000000e+00 : f32
          %max3A_337 = vector.broadcast %max3A_336 : f32 to vector<16xf32>
          %max3A_338 = arith.maximumf %get3A_335, %max3A_337 : vector<16xf32>
          %swap3A_339 = arith.index_cast %scan3A_296 : i32 to index
          %swap3A_340 = arith.constant 48 : index
          %swap3A_341 = tpu.vector_load %arg22[%swap3A_339, %swap3A_340] {strides = array<i32>} : memref<128x128xf32, #tpu.memory_space<vmem>>, vector<1x16xf32>,
          %swap3A_342 = vector.shape_cast %swap3A_341 : vector<1x16xf32> to vector<16xf32>
          %swap3A_343 = vector.shape_cast %max3A_338 : vector<16xf32> to vector<1x16xf32>
          tpu.vector_store %arg22[%swap3A_339, %swap3A_340], %swap3A_343 {strides = array<i32>} : memref<128x128xf32, #tpu.memory_space<vmem>>, vector<1x16xf32>,
          %get3A_344 = arith.index_cast %scan3A_296 : i32 to index
          %get3A_345 = arith.constant 64 : index
          %get3A_346 = tpu.vector_load %arg22[%get3A_344, %get3A_345] {strides = array<i32>} : memref<128x128xf32, #tpu.memory_space<vmem>>, vector<1x16xf32>,
          %get3A_347 = vector.shape_cast %get3A_346 : vector<1x16xf32> to vector<16xf32>
          %max3A_348 = arith.constant 0.000000e+00 : f32
          %max3A_349 = vector.broadcast %max3A_348 : f32 to vector<16xf32>
          %max3A_350 = arith.maximumf %get3A_347, %max3A_349 : vector<16xf32>
          %swap3A_351 = arith.index_cast %scan3A_296 : i32 to index
          %swap3A_352 = arith.constant 64 : index
          %swap3A_353 = tpu.vector_load %arg22[%swap3A_351, %swap3A_352] {strides = array<i32>} : memref<128x128xf32, #tpu.memory_space<vmem>>, vector<1x16xf32>,
          %swap3A_354 = vector.shape_cast %swap3A_353 : vector<1x16xf32> to vector<16xf32>
          %swap3A_355 = vector.shape_cast %max3A_350 : vector<16xf32> to vector<1x16xf32>
          tpu.vector_store %arg22[%swap3A_351, %swap3A_352], %swap3A_355 {strides = array<i32>} : memref<128x128xf32, #tpu.memory_space<vmem>>, vector<1x16xf32>,
          %get3A_356 = arith.index_cast %scan3A_296 : i32 to index
          %get3A_357 = arith.constant 80 : index
          %get3A_358 = tpu.vector_load %arg22[%get3A_356, %get3A_357] {strides = array<i32>} : memref<128x128xf32, #tpu.memory_space<vmem>>, vector<1x16xf32>,
          %get3A_359 = vector.shape_cast %get3A_358 : vector<1x16xf32> to vector<16xf32>
          %max3A_360 = arith.constant 0.000000e+00 : f32
          %max3A_361 = vector.broadcast %max3A_360 : f32 to vector<16xf32>
          %max3A_362 = arith.maximumf %get3A_359, %max3A_361 : vector<16xf32>
          %swap3A_363 = arith.index_cast %scan3A_296 : i32 to index
          %swap3A_364 = arith.constant 80 : index
          %swap3A_365 = tpu.vector_load %arg22[%swap3A_363, %swap3A_364] {strides = array<i32>} : memref<128x128xf32, #tpu.memory_space<vmem>>, vector<1x16xf32>,
          %swap3A_366 = vector.shape_cast %swap3A_365 : vector<1x16xf32> to vector<16xf32>
          %swap3A_367 = vector.shape_cast %max3A_362 : vector<16xf32> to vector<1x16xf32>
          tpu.vector_store %arg22[%swap3A_363, %swap3A_364], %swap3A_367 {strides = array<i32>} : memref<128x128xf32, #tpu.memory_space<vmem>>, vector<1x16xf32>,
          %get3A_368 = arith.index_cast %scan3A_296 : i32 to index
          %get3A_369 = arith.constant 96 : index
          %get3A_370 = tpu.vector_load %arg22[%get3A_368, %get3A_369] {strides = array<i32>} : memref<128x128xf32, #tpu.memory_space<vmem>>, vector<1x16xf32>,
          %get3A_371 = vector.shape_cast %get3A_370 : vector<1x16xf32> to vector<16xf32>
          %max3A_372 = arith.constant 0.000000e+00 : f32
          %max3A_373 = vector.broadcast %max3A_372 : f32 to vector<16xf32>
          %max3A_374 = arith.maximumf %get3A_371, %max3A_373 : vector<16xf32>
          %swap3A_375 = arith.index_cast %scan3A_296 : i32 to index
          %swap3A_376 = arith.constant 96 : index
          %swap3A_377 = tpu.vector_load %arg22[%swap3A_375, %swap3A_376] {strides = array<i32>} : memref<128x128xf32, #tpu.memory_space<vmem>>, vector<1x16xf32>,
          %swap3A_378 = vector.shape_cast %swap3A_377 : vector<1x16xf32> to vector<16xf32>
          %swap3A_379 = vector.shape_cast %max3A_374 : vector<16xf32> to vector<1x16xf32>
          tpu.vector_store %arg22[%swap3A_375, %swap3A_376], %swap3A_379 {strides = array<i32>} : memref<128x128xf32, #tpu.memory_space<vmem>>, vector<1x16xf32>,
          %get3A_380 = arith.index_cast %scan3A_296 : i32 to index
          %get3A_381 = arith.constant 112 : index
          %get3A_382 = tpu.vector_load %arg22[%get3A_380, %get3A_381] {strides = array<i32>} : memref<128x128xf32, #tpu.memory_space<vmem>>, vector<1x16xf32>,
          %get3A_383 = vector.shape_cast %get3A_382 : vector<1x16xf32> to vector<16xf32>
          %max3A_384 = arith.constant 0.000000e+00 : f32
          %max3A_385 = vector.broadcast %max3A_384 : f32 to vector<16xf32>
          %max3A_386 = arith.maximumf %get3A_383, %max3A_385 : vector<16xf32>
          %swap3A_387 = arith.index_cast %scan3A_296 : i32 to index
          %swap3A_388 = arith.constant 112 : index
          %swap3A_389 = tpu.vector_load %arg22[%swap3A_387, %swap3A_388] {strides = array<i32>} : memref<128x128xf32, #tpu.memory_space<vmem>>, vector<1x16xf32>,
          %swap3A_390 = vector.shape_cast %swap3A_389 : vector<1x16xf32> to vector<16xf32>
          %swap3A_391 = vector.shape_cast %max3A_386 : vector<16xf32> to vector<1x16xf32>
          tpu.vector_store %arg22[%swap3A_387, %swap3A_388], %swap3A_391 {strides = array<i32>} : memref<128x128xf32, #tpu.memory_space<vmem>>, vector<1x16xf32>,
          %scan3A_392 = arith.constant 1 : i32
          %scan3A_393 = arith.addi %scan3A_296, %scan3A_392 : i32
          %get3A_394 = arith.index_cast %scan3A_393 : i32 to index
          %get3A_395 = arith.constant 0 : index
          %get3A_396 = tpu.vector_load %arg22[%get3A_394, %get3A_395] {strides = array<i32>} : memref<128x128xf32, #tpu.memory_space<vmem>>, vector<1x16xf32>,
          %get3A_397 = vector.shape_cast %get3A_396 : vector<1x16xf32> to vector<16xf32>
          %max3A_398 = arith.constant 0.000000e+00 : f32
          %max3A_399 = vector.broadcast %max3A_398 : f32 to vector<16xf32>
          %max3A_400 = arith.maximumf %get3A_397, %max3A_399 : vector<16xf32>
          %swap3A_401 = arith.index_cast %scan3A_393 : i32 to index
          %swap3A_402 = arith.constant 0 : index
          %swap3A_403 = tpu.vector_load %arg22[%swap3A_401, %swap3A_402] {strides = array<i32>} : memref<128x128xf32, #tpu.memory_space<vmem>>, vector<1x16xf32>,
          %swap3A_404 = vector.shape_cast %swap3A_403 : vector<1x16xf32> to vector<16xf32>
          %swap3A_405 = vector.shape_cast %max3A_400 : vector<16xf32> to vector<1x16xf32>
          tpu.vector_store %arg22[%swap3A_401, %swap3A_402], %swap3A_405 {strides = array<i32>} : memref<128x128xf32, #tpu.memory_space<vmem>>, vector<1x16xf32>,
          %get3A_406 = arith.index_cast %scan3A_393 : i32 to index
          %get3A_407 = arith.constant 16 : index
          %get3A_408 = tpu.vector_load %arg22[%get3A_406, %get3A_407] {strides = array<i32>} : memref<128x128xf32, #tpu.memory_space<vmem>>, vector<1x16xf32>,
          %get3A_409 = vector.shape_cast %get3A_408 : vector<1x16xf32> to vector<16xf32>
          %max3A_410 = arith.constant 0.000000e+00 : f32
          %max3A_411 = vector.broadcast %max3A_410 : f32 to vector<16xf32>
          %max3A_412 = arith.maximumf %get3A_409, %max3A_411 : vector<16xf32>
          %swap3A_413 = arith.index_cast %scan3A_393 : i32 to index
          %swap3A_414 = arith.constant 16 : index
          %swap3A_415 = tpu.vector_load %arg22[%swap3A_413, %swap3A_414] {strides = array<i32>} : memref<128x128xf32, #tpu.memory_space<vmem>>, vector<1x16xf32>,
          %swap3A_416 = vector.shape_cast %swap3A_415 : vector<1x16xf32> to vector<16xf32>
          %swap3A_417 = vector.shape_cast %max3A_412 : vector<16xf32> to vector<1x16xf32>
          tpu.vector_store %arg22[%swap3A_413, %swap3A_414], %swap3A_417 {strides = array<i32>} : memref<128x128xf32, #tpu.memory_space<vmem>>, vector<1x16xf32>,
          %get3A_418 = arith.index_cast %scan3A_393 : i32 to index
          %get3A_419 = arith.constant 32 : index
          %get3A_420 = tpu.vector_load %arg22[%get3A_418, %get3A_419] {strides = array<i32>} : memref<128x128xf32, #tpu.memory_space<vmem>>, vector<1x16xf32>,
          %get3A_421 = vector.shape_cast %get3A_420 : vector<1x16xf32> to vector<16xf32>
          %max3A_422 = arith.constant 0.000000e+00 : f32
          %max3A_423 = vector.broadcast %max3A_422 : f32 to vector<16xf32>
          %max3A_424 = arith.maximumf %get3A_421, %max3A_423 : vector<16xf32>
          %swap3A_425 = arith.index_cast %scan3A_393 : i32 to index
          %swap3A_426 = arith.constant 32 : index
          %swap3A_427 = tpu.vector_load %arg22[%swap3A_425, %swap3A_426] {strides = array<i32>} : memref<128x128xf32, #tpu.memory_space<vmem>>, vector<1x16xf32>,
          %swap3A_428 = vector.shape_cast %swap3A_427 : vector<1x16xf32> to vector<16xf32>
          %swap3A_429 = vector.shape_cast %max3A_424 : vector<16xf32> to vector<1x16xf32>
          tpu.vector_store %arg22[%swap3A_425, %swap3A_426], %swap3A_429 {strides = array<i32>} : memref<128x128xf32, #tpu.memory_space<vmem>>, vector<1x16xf32>,
          %get3A_430 = arith.index_cast %scan3A_393 : i32 to index
          %get3A_431 = arith.constant 48 : index
          %get3A_432 = tpu.vector_load %arg22[%get3A_430, %get3A_431] {strides = array<i32>} : memref<128x128xf32, #tpu.memory_space<vmem>>, vector<1x16xf32>,
          %get3A_433 = vector.shape_cast %get3A_432 : vector<1x16xf32> to vector<16xf32>
          %max3A_434 = arith.constant 0.000000e+00 : f32
          %max3A_435 = vector.broadcast %max3A_434 : f32 to vector<16xf32>
          %max3A_436 = arith.maximumf %get3A_433, %max3A_435 : vector<16xf32>
          %swap3A_437 = arith.index_cast %scan3A_393 : i32 to index
          %swap3A_438 = arith.constant 48 : index
          %swap3A_439 = tpu.vector_load %arg22[%swap3A_437, %swap3A_438] {strides = array<i32>} : memref<128x128xf32, #tpu.memory_space<vmem>>, vector<1x16xf32>,
          %swap3A_440 = vector.shape_cast %swap3A_439 : vector<1x16xf32> to vector<16xf32>
          %swap3A_441 = vector.shape_cast %max3A_436 : vector<16xf32> to vector<1x16xf32>
          tpu.vector_store %arg22[%swap3A_437, %swap3A_438], %swap3A_441 {strides = array<i32>} : memref<128x128xf32, #tpu.memory_space<vmem>>, vector<1x16xf32>,
          %get3A_442 = arith.index_cast %scan3A_393 : i32 to index
          %get3A_443 = arith.constant 64 : index
          %get3A_444 = tpu.vector_load %arg22[%get3A_442, %get3A_443] {strides = array<i32>} : memref<128x128xf32, #tpu.memory_space<vmem>>, vector<1x16xf32>,
          %get3A_445 = vector.shape_cast %get3A_444 : vector<1x16xf32> to vector<16xf32>
          %max3A_446 = arith.constant 0.000000e+00 : f32
          %max3A_447 = vector.broadcast %max3A_446 : f32 to vector<16xf32>
          %max3A_448 = arith.maximumf %get3A_445, %max3A_447 : vector<16xf32>
          %swap3A_449 = arith.index_cast %scan3A_393 : i32 to index
          %swap3A_450 = arith.constant 64 : index
          %swap3A_451 = tpu.vector_load %arg22[%swap3A_449, %swap3A_450] {strides = array<i32>} : memref<128x128xf32, #tpu.memory_space<vmem>>, vector<1x16xf32>,
          %swap3A_452 = vector.shape_cast %swap3A_451 : vector<1x16xf32> to vector<16xf32>
          %swap3A_453 = vector.shape_cast %max3A_448 : vector<16xf32> to vector<1x16xf32>
          tpu.vector_store %arg22[%swap3A_449, %swap3A_450], %swap3A_453 {strides = array<i32>} : memref<128x128xf32, #tpu.memory_space<vmem>>, vector<1x16xf32>,
          %get3A_454 = arith.index_cast %scan3A_393 : i32 to index
          %get3A_455 = arith.constant 80 : index
          %get3A_456 = tpu.vector_load %arg22[%get3A_454, %get3A_455] {strides = array<i32>} : memref<128x128xf32, #tpu.memory_space<vmem>>, vector<1x16xf32>,
          %get3A_457 = vector.shape_cast %get3A_456 : vector<1x16xf32> to vector<16xf32>
          %max3A_458 = arith.constant 0.000000e+00 : f32
          %max3A_459 = vector.broadcast %max3A_458 : f32 to vector<16xf32>
          %max3A_460 = arith.maximumf %get3A_457, %max3A_459 : vector<16xf32>
          %swap3A_461 = arith.index_cast %scan3A_393 : i32 to index
          %swap3A_462 = arith.constant 80 : index
          %swap3A_463 = tpu.vector_load %arg22[%swap3A_461, %swap3A_462] {strides = array<i32>} : memref<128x128xf32, #tpu.memory_space<vmem>>, vector<1x16xf32>,
          %swap3A_464 = vector.shape_cast %swap3A_463 : vector<1x16xf32> to vector<16xf32>
          %swap3A_465 = vector.shape_cast %max3A_460 : vector<16xf32> to vector<1x16xf32>
          tpu.vector_store %arg22[%swap3A_461, %swap3A_462], %swap3A_465 {strides = array<i32>} : memref<128x128xf32, #tpu.memory_space<vmem>>, vector<1x16xf32>,
          %get3A_466 = arith.index_cast %scan3A_393 : i32 to index
          %get3A_467 = arith.constant 96 : index
          %get3A_468 = tpu.vector_load %arg22[%get3A_466, %get3A_467] {strides = array<i32>} : memref<128x128xf32, #tpu.memory_space<vmem>>, vector<1x16xf32>,
          %get3A_469 = vector.shape_cast %get3A_468 : vector<1x16xf32> to vector<16xf32>
          %max3A_470 = arith.constant 0.000000e+00 : f32
          %max3A_471 = vector.broadcast %max3A_470 : f32 to vector<16xf32>
          %max3A_472 = arith.maximumf %get3A_469, %max3A_471 : vector<16xf32>
          %swap3A_473 = arith.index_cast %scan3A_393 : i32 to index
          %swap3A_474 = arith.constant 96 : index
          %swap3A_475 = tpu.vector_load %arg22[%swap3A_473, %swap3A_474] {strides = array<i32>} : memref<128x128xf32, #tpu.memory_space<vmem>>, vector<1x16xf32>,
          %swap3A_476 = vector.shape_cast %swap3A_475 : vector<1x16xf32> to vector<16xf32>
          %swap3A_477 = vector.shape_cast %max3A_472 : vector<16xf32> to vector<1x16xf32>
          tpu.vector_store %arg22[%swap3A_473, %swap3A_474], %swap3A_477 {strides = array<i32>} : memref<128x128xf32, #tpu.memory_space<vmem>>, vector<1x16xf32>,
          %get3A_478 = arith.index_cast %scan3A_393 : i32 to index
          %get3A_479 = arith.constant 112 : index
          %get3A_480 = tpu.vector_load %arg22[%get3A_478, %get3A_479] {strides = array<i32>} : memref<128x128xf32, #tpu.memory_space<vmem>>, vector<1x16xf32>,
          %get3A_481 = vector.shape_cast %get3A_480 : vector<1x16xf32> to vector<16xf32>
          %max3A_482 = arith.constant 0.000000e+00 : f32
          %max3A_483 = vector.broadcast %max3A_482 : f32 to vector<16xf32>
          %max3A_484 = arith.maximumf %get3A_481, %max3A_483 : vector<16xf32>
          %swap3A_485 = arith.index_cast %scan3A_393 : i32 to index
          %swap3A_486 = arith.constant 112 : index
          %swap3A_487 = tpu.vector_load %arg22[%swap3A_485, %swap3A_486] {strides = array<i32>} : memref<128x128xf32, #tpu.memory_space<vmem>>, vector<1x16xf32>,
          %swap3A_488 = vector.shape_cast %swap3A_487 : vector<1x16xf32> to vector<16xf32>
          %swap3A_489 = vector.shape_cast %max3A_484 : vector<16xf32> to vector<1x16xf32>
          tpu.vector_store %arg22[%swap3A_485, %swap3A_486], %swap3A_489 {strides = array<i32>} : memref<128x128xf32, #tpu.memory_space<vmem>>, vector<1x16xf32>,
        }
        %scan3A_286 = arith.constant 128 : i32
        %dma_start3A_287 = arith.constant 0 : i32
        %dma_start3A_288 = arith.constant 0 : i32
        %dma_start3A_289 = tpu.memref_slice %arg24[%dma_start3A_287, %dma_start3A_288] : memref<10000x128xf32, #tpu.memory_space<vmem_shared>> -> memref<10000x128xf32, #tpu.memory_space<vmem_shared>>
        tpu.enqueue_indirect_dma source(%arg22 : memref<128x128xf32, #tpu.memory_space<vmem>>) target(%dma_start3A_289 : memref<10000x128xf32, #tpu.memory_space<vmem_shared>>) offsets(%arg19 : memref<128xi32, #tpu.memory_space<vmem>>) semaphore(%arg35 : memref<!tpu.dma_semaphore, #tpu.memory_space<semaphore_mem>>) {add = true}
        %add3A_290 = arith.constant 3 : i32
        %add3A_291 = arith.addi %add3A_207, %add3A_290 : i32
        %lt3A_292 = arith.cmpi slt, %add3A_291, %add3A_14 : i32
        %convert_element_type3A_293 = arith.extui %lt3A_292 : i1 to i32
        %cond3A_294 = arith.constant 0 : i32
        %cond3A_295 = arith.cmpi ne, %convert_element_type3A_293, %cond3A_294 : i32
        scf.if %cond3A_295 {
          %add3A_296 = arith.constant 3 : i32
          %add3A_297 = arith.addi %add3A_207, %add3A_296 : i32
          %mul3A_298 = arith.constant 32 : i32
          %mul3A_299 = arith.muli %add3A_297, %mul3A_298 : i32
          %add3A_300 = arith.addi %mul3A_299, %add3A : i32
          %mul3A_301 = arith.constant 128 : i32
          %mul3A_302 = arith.muli %add3A_300, %mul3A_301 : i32
          %dma_start3A_303 = tpu.memref_slice %arg5[%mul3A_302] : memref<320000xi32, #tpu.memory_space<hbm>> -> memref<128xi32, #tpu.memory_space<hbm>>
          %dma_start3A_304 = tpu.memref_slice %arg5[%mul3A_302] : memref<320000xi32, #tpu.memory_space<hbm>> -> memref<128xi32, #tpu.memory_space<hbm>>
          tpu.enqueue_dma source(%dma_start3A_304 : memref<128xi32, #tpu.memory_space<hbm>>) target(%arg10 : memref<128xi32, #tpu.memory_space<vmem>>) target_semaphore(%arg26 : memref<!tpu.dma_semaphore, #tpu.memory_space<semaphore_mem>>)
          %mul3A_305 = arith.constant 32 : i32
          %mul3A_306 = arith.muli %add3A_297, %mul3A_305 : i32
          %add3A_307 = arith.addi %mul3A_306, %add3A : i32
          %mul3A_308 = arith.constant 128 : i32
          %mul3A_309 = arith.muli %add3A_307, %mul3A_308 : i32
          %dma_start3A_310 = tpu.memref_slice %arg6[%mul3A_309] : memref<320000xi32, #tpu.memory_space<hbm>> -> memref<128xi32, #tpu.memory_space<hbm>>
          %dma_start3A_311 = tpu.memref_slice %arg6[%mul3A_309] : memref<320000xi32, #tpu.memory_space<hbm>> -> memref<128xi32, #tpu.memory_space<hbm>>
          tpu.enqueue_dma source(%dma_start3A_311 : memref<128xi32, #tpu.memory_space<hbm>>) target(%arg13 : memref<128xi32, #tpu.memory_space<vmem>>) target_semaphore(%arg26 : memref<!tpu.dma_semaphore, #tpu.memory_space<semaphore_mem>>)
        } else {
        }
      } else {
      }
      %add3A_200 = arith.constant 2 : i32
      %add3A_201 = arith.addi %mul3A_189, %add3A_200 : i32
      %lt3A_202 = arith.cmpi slt, %add3A_201, %add3A_14 : i32
      %convert_element_type3A_203 = arith.extui %lt3A_202 : i1 to i32
      %cond3A_204 = arith.constant 0 : i32
      %cond3A_205 = arith.cmpi ne, %convert_element_type3A_203, %cond3A_204 : i32
      scf.if %cond3A_205 {
        %add3A_206 = arith.constant 2 : i32
        %add3A_207 = arith.addi %mul3A_189, %add3A_206 : i32
        %add3A_208 = arith.constant 2 : i32
        %add3A_209 = arith.addi %add3A_207, %add3A_208 : i32
        %lt3A_210 = arith.cmpi slt, %add3A_209, %add3A_14 : i32
        %convert_element_type3A_211 = arith.extui %lt3A_210 : i1 to i32
        %cond3A_212 = arith.constant 0 : i32
        %cond3A_213 = arith.cmpi ne, %convert_element_type3A_211, %cond3A_212 : i32
        scf.if %cond3A_213 {
          %add3A_296 = arith.constant 2 : i32
          %add3A_297 = arith.addi %add3A_207, %add3A_296 : i32
          %mul3A_298 = arith.constant 32 : i32
          %mul3A_299 = arith.muli %add3A_297, %mul3A_298 : i32
          %add3A_300 = arith.addi %mul3A_299, %add3A : i32
          %mul3A_301 = arith.constant 128 : i32
          %mul3A_302 = arith.muli %add3A_300, %mul3A_301 : i32
          %dma_wait3A_303 = tpu.memref_slice %arg5[%mul3A_302] : memref<320000xi32, #tpu.memory_space<hbm>> -> memref<128xi32, #tpu.memory_space<hbm>>
          %dma_wait3A_304 = tpu.memref_slice %arg5[%mul3A_302] : memref<320000xi32, #tpu.memory_space<hbm>> -> memref<128xi32, #tpu.memory_space<hbm>>
          tpu.wait_dma2 semaphore(%arg26 : memref<!tpu.dma_semaphore, #tpu.memory_space<semaphore_mem>>) src(%dma_wait3A_304 : memref<128xi32, #tpu.memory_space<hbm>>) dst(%arg10 : memref<128xi32, #tpu.memory_space<vmem>>)
          %mul3A_305 = arith.constant 32 : i32
          %mul3A_306 = arith.muli %add3A_297, %mul3A_305 : i32
          %add3A_307 = arith.addi %mul3A_306, %add3A : i32
          %mul3A_308 = arith.constant 128 : i32
          %mul3A_309 = arith.muli %add3A_307, %mul3A_308 : i32
          %dma_wait3A_310 = tpu.memref_slice %arg6[%mul3A_309] : memref<320000xi32, #tpu.memory_space<hbm>> -> memref<128xi32, #tpu.memory_space<hbm>>
          %dma_wait3A_311 = tpu.memref_slice %arg6[%mul3A_309] : memref<320000xi32, #tpu.memory_space<hbm>> -> memref<128xi32, #tpu.memory_space<hbm>>
          tpu.wait_dma2 semaphore(%arg26 : memref<!tpu.dma_semaphore, #tpu.memory_space<semaphore_mem>>) src(%dma_wait3A_311 : memref<128xi32, #tpu.memory_space<hbm>>) dst(%arg13 : memref<128xi32, #tpu.memory_space<vmem>>)
          %ge3A = arith.constant 1 : i32
          %ge3A_312 = arith.cmpi sge, %add3A_207, %ge3A : i32
          %convert_element_type3A_313 = arith.extui %ge3A_312 : i1 to i32
          %cond3A_314 = arith.constant 0 : i32
          %cond3A_315 = arith.cmpi ne, %convert_element_type3A_313, %cond3A_314 : i32
          scf.if %cond3A_315 {
            %dma_wait3A_321 = arith.constant 0 : i32
            %dma_wait3A_322 = arith.constant 0 : i32
            %dma_wait3A_323 = tpu.memref_slice %arg24[%dma_wait3A_321, %dma_wait3A_322] : memref<10000x128xf32, #tpu.memory_space<vmem_shared>> -> memref<10000x128xf32, #tpu.memory_space<vmem_shared>>
            tpu.wait_indirect_dma semaphore(%arg35 : memref<!tpu.dma_semaphore, #tpu.memory_space<semaphore_mem>>) src(%arg22 : memref<128x128xf32, #tpu.memory_space<vmem>>) dst(%dma_wait3A_323 : memref<10000x128xf32, #tpu.memory_space<vmem_shared>>)
          } else {
          }
          %add3A_316 = arith.constant 2 : i32
          %add3A_317 = arith.addi %add3A_207, %add3A_316 : i32
          %dma_start3A_318 = arith.constant 0 : i32
          %dma_start3A_319 = arith.constant 0 : i32
          %dma_start3A_320 = tpu.memref_slice %arg2[%dma_start3A_318, %dma_start3A_319] : memref<10000x128xf32, #tpu.memory_space<hbm>> -> memref<10000x128xf32, #tpu.memory_space<hbm>>
          tpu.enqueue_indirect_dma source(%dma_start3A_320 : memref<10000x128xf32, #tpu.memory_space<hbm>>) target(%arg22 : memref<128x128xf32, #tpu.memory_space<vmem>>) offsets(%arg10 : memref<128xi32, #tpu.memory_space<vmem>>) semaphore(%arg29 : memref<!tpu.dma_semaphore, #tpu.memory_space<semaphore_mem>>)
        } else {
        }
        %add3A_214 = arith.constant 1 : i32
        %add3A_215 = arith.addi %add3A_207, %add3A_214 : i32
        %lt3A_216 = arith.cmpi slt, %add3A_215, %add3A_14 : i32
        %convert_element_type3A_217 = arith.extui %lt3A_216 : i1 to i32
        %cond3A_218 = arith.constant 0 : i32
        %cond3A_219 = arith.cmpi ne, %convert_element_type3A_217, %cond3A_218 : i32
        scf.if %cond3A_219 {
          %add3A_296 = arith.constant 1 : i32
          %add3A_297 = arith.addi %add3A_207, %add3A_296 : i32
          %dma_wait3A_298 = arith.constant 0 : i32
          %dma_wait3A_299 = arith.constant 0 : i32
          %dma_wait3A_300 = tpu.memref_slice %arg2[%dma_wait3A_298, %dma_wait3A_299] : memref<10000x128xf32, #tpu.memory_space<hbm>> -> memref<10000x128xf32, #tpu.memory_space<hbm>>
          tpu.wait_indirect_dma semaphore(%arg28 : memref<!tpu.dma_semaphore, #tpu.memory_space<semaphore_mem>>) src(%dma_wait3A_300 : memref<10000x128xf32, #tpu.memory_space<hbm>>) dst(%arg21 : memref<128x128xf32, #tpu.memory_space<vmem>>)
          %add3A_301 = arith.constant 1 : i32
          %add3A_302 = arith.addi %add3A_207, %add3A_301 : i32
          %mul3A_303 = arith.constant 32 : i32
          %mul3A_304 = arith.muli %add3A_302, %mul3A_303 : i32
          %add3A_305 = arith.addi %mul3A_304, %add3A : i32
          %mul3A_306 = arith.constant 128 : i32
          %mul3A_307 = arith.muli %add3A_305, %mul3A_306 : i32
          %add3A_308 = arith.constant 0 : i32
          %add3A_309 = arith.addi %mul3A_307, %add3A_308 : i32
          %add3A_310 = vector.broadcast %add3A_309 : i32 to vector<16xi32>
          %add3A_311 = arith.addi %add3A_310, %iota3A : vector<16xi32>
          %swap3A_312 = arith.constant 0 : index
          %swap3A_313 = tpu.vector_load %arg15[%swap3A_312] {strides = array<i32>} : memref<128xi32, #tpu.memory_space<vmem>>, vector<16xi32>,
          %swap3A_314 = vector.shape_cast %swap3A_313 : vector<16xi32> to vector<16xi32>
          %swap3A_315 = vector.shape_cast %add3A_311 : vector<16xi32> to vector<16xi32>
          tpu.vector_store %arg15[%swap3A_312], %swap3A_315 {strides = array<i32>} : memref<128xi32, #tpu.memory_space<vmem>>, vector<16xi32>,
          %add3A_316 = arith.constant 16 : i32
          %add3A_317 = arith.addi %mul3A_307, %add3A_316 : i32
          %add3A_318 = vector.broadcast %add3A_317 : i32 to vector<16xi32>
          %add3A_319 = arith.addi %add3A_318, %iota3A : vector<16xi32>
          %swap3A_320 = arith.constant 16 : index
          %swap3A_321 = tpu.vector_load %arg15[%swap3A_320] {strides = array<i32>} : memref<128xi32, #tpu.memory_space<vmem>>, vector<16xi32>,
          %swap3A_322 = vector.shape_cast %swap3A_321 : vector<16xi32> to vector<16xi32>
          %swap3A_323 = vector.shape_cast %add3A_319 : vector<16xi32> to vector<16xi32>
          tpu.vector_store %arg15[%swap3A_320], %swap3A_323 {strides = array<i32>} : memref<128xi32, #tpu.memory_space<vmem>>, vector<16xi32>,
          %add3A_324 = arith.constant 32 : i32
          %add3A_325 = arith.addi %mul3A_307, %add3A_324 : i32
          %add3A_326 = vector.broadcast %add3A_325 : i32 to vector<16xi32>
          %add3A_327 = arith.addi %add3A_326, %iota3A : vector<16xi32>
          %swap3A_328 = arith.constant 32 : index
          %swap3A_329 = tpu.vector_load %arg15[%swap3A_328] {strides = array<i32>} : memref<128xi32, #tpu.memory_space<vmem>>, vector<16xi32>,
          %swap3A_330 = vector.shape_cast %swap3A_329 : vector<16xi32> to vector<16xi32>
          %swap3A_331 = vector.shape_cast %add3A_327 : vector<16xi32> to vector<16xi32>
          tpu.vector_store %arg15[%swap3A_328], %swap3A_331 {strides = array<i32>} : memref<128xi32, #tpu.memory_space<vmem>>, vector<16xi32>,
          %add3A_332 = arith.constant 48 : i32
          %add3A_333 = arith.addi %mul3A_307, %add3A_332 : i32
          %add3A_334 = vector.broadcast %add3A_333 : i32 to vector<16xi32>
          %add3A_335 = arith.addi %add3A_334, %iota3A : vector<16xi32>
          %swap3A_336 = arith.constant 48 : index
          %swap3A_337 = tpu.vector_load %arg15[%swap3A_336] {strides = array<i32>} : memref<128xi32, #tpu.memory_space<vmem>>, vector<16xi32>,
          %swap3A_338 = vector.shape_cast %swap3A_337 : vector<16xi32> to vector<16xi32>
          %swap3A_339 = vector.shape_cast %add3A_335 : vector<16xi32> to vector<16xi32>
          tpu.vector_store %arg15[%swap3A_336], %swap3A_339 {strides = array<i32>} : memref<128xi32, #tpu.memory_space<vmem>>, vector<16xi32>,
          %add3A_340 = arith.constant 64 : i32
          %add3A_341 = arith.addi %mul3A_307, %add3A_340 : i32
          %add3A_342 = vector.broadcast %add3A_341 : i32 to vector<16xi32>
          %add3A_343 = arith.addi %add3A_342, %iota3A : vector<16xi32>
          %swap3A_344 = arith.constant 64 : index
          %swap3A_345 = tpu.vector_load %arg15[%swap3A_344] {strides = array<i32>} : memref<128xi32, #tpu.memory_space<vmem>>, vector<16xi32>,
          %swap3A_346 = vector.shape_cast %swap3A_345 : vector<16xi32> to vector<16xi32>
          %swap3A_347 = vector.shape_cast %add3A_343 : vector<16xi32> to vector<16xi32>
          tpu.vector_store %arg15[%swap3A_344], %swap3A_347 {strides = array<i32>} : memref<128xi32, #tpu.memory_space<vmem>>, vector<16xi32>,
          %add3A_348 = arith.constant 80 : i32
          %add3A_349 = arith.addi %mul3A_307, %add3A_348 : i32
          %add3A_350 = vector.broadcast %add3A_349 : i32 to vector<16xi32>
          %add3A_351 = arith.addi %add3A_350, %iota3A : vector<16xi32>
          %swap3A_352 = arith.constant 80 : index
          %swap3A_353 = tpu.vector_load %arg15[%swap3A_352] {strides = array<i32>} : memref<128xi32, #tpu.memory_space<vmem>>, vector<16xi32>,
          %swap3A_354 = vector.shape_cast %swap3A_353 : vector<16xi32> to vector<16xi32>
          %swap3A_355 = vector.shape_cast %add3A_351 : vector<16xi32> to vector<16xi32>
          tpu.vector_store %arg15[%swap3A_352], %swap3A_355 {strides = array<i32>} : memref<128xi32, #tpu.memory_space<vmem>>, vector<16xi32>,
          %add3A_356 = arith.constant 96 : i32
          %add3A_357 = arith.addi %mul3A_307, %add3A_356 : i32
          %add3A_358 = vector.broadcast %add3A_357 : i32 to vector<16xi32>
          %add3A_359 = arith.addi %add3A_358, %iota3A : vector<16xi32>
          %swap3A_360 = arith.constant 96 : index
          %swap3A_361 = tpu.vector_load %arg15[%swap3A_360] {strides = array<i32>} : memref<128xi32, #tpu.memory_space<vmem>>, vector<16xi32>,
          %swap3A_362 = vector.shape_cast %swap3A_361 : vector<16xi32> to vector<16xi32>
          %swap3A_363 = vector.shape_cast %add3A_359 : vector<16xi32> to vector<16xi32>
          tpu.vector_store %arg15[%swap3A_360], %swap3A_363 {strides = array<i32>} : memref<128xi32, #tpu.memory_space<vmem>>, vector<16xi32>,
          %add3A_364 = arith.constant 112 : i32
          %add3A_365 = arith.addi %mul3A_307, %add3A_364 : i32
          %add3A_366 = vector.broadcast %add3A_365 : i32 to vector<16xi32>
          %add3A_367 = arith.addi %add3A_366, %iota3A : vector<16xi32>
          %swap3A_368 = arith.constant 112 : index
          %swap3A_369 = tpu.vector_load %arg15[%swap3A_368] {strides = array<i32>} : memref<128xi32, #tpu.memory_space<vmem>>, vector<16xi32>,
          %swap3A_370 = vector.shape_cast %swap3A_369 : vector<16xi32> to vector<16xi32>
          %swap3A_371 = vector.shape_cast %add3A_367 : vector<16xi32> to vector<16xi32>
          tpu.vector_store %arg15[%swap3A_368], %swap3A_371 {strides = array<i32>} : memref<128xi32, #tpu.memory_space<vmem>>, vector<16xi32>,
          %dma_start3A_372 = arith.constant 0 : i32
          %dma_start3A_373 = arith.constant 0 : i32
          %dma_start3A_374 = tpu.memref_slice %arg3[%dma_start3A_372, %dma_start3A_373] : memref<10000x128xf32, #tpu.memory_space<hbm>> -> memref<10000x128xf32, #tpu.memory_space<hbm>>
          tpu.enqueue_indirect_dma source(%dma_start3A_374 : memref<10000x128xf32, #tpu.memory_space<hbm>>) target(%arg21 : memref<128x128xf32, #tpu.memory_space<vmem>>) offsets(%arg12 : memref<128xi32, #tpu.memory_space<vmem>>) semaphore(%arg31 : memref<!tpu.dma_semaphore, #tpu.memory_space<semaphore_mem>>) {add = true}
          %dma_start3A_375 = arith.constant 0 : i32
          %dma_start3A_376 = arith.constant 0 : i32
          %dma_start3A_377 = tpu.memref_slice %arg4[%dma_start3A_375, %dma_start3A_376] : memref<320000x128xf32, #tpu.memory_space<hbm>> -> memref<320000x128xf32, #tpu.memory_space<hbm>>
          tpu.enqueue_indirect_dma source(%dma_start3A_377 : memref<320000x128xf32, #tpu.memory_space<hbm>>) target(%arg21 : memref<128x128xf32, #tpu.memory_space<vmem>>) offsets(%arg15 : memref<128xi32, #tpu.memory_space<vmem>>) semaphore(%arg31 : memref<!tpu.dma_semaphore, #tpu.memory_space<semaphore_mem>>) {add = true}
        } else {
        }
        %dma_wait3A_220 = arith.constant 0 : i32
        %dma_wait3A_221 = arith.constant 0 : i32
        %dma_wait3A_222 = tpu.memref_slice %arg3[%dma_wait3A_220, %dma_wait3A_221] : memref<10000x128xf32, #tpu.memory_space<hbm>> -> memref<10000x128xf32, #tpu.memory_space<hbm>>
        tpu.wait_indirect_dma semaphore(%arg33 : memref<!tpu.dma_semaphore, #tpu.memory_space<semaphore_mem>>) src(%dma_wait3A_222 : memref<10000x128xf32, #tpu.memory_space<hbm>>) dst(%arg23 : memref<128x128xf32, #tpu.memory_space<vmem>>)
        %dma_wait3A_223 = arith.constant 0 : i32
        %dma_wait3A_224 = arith.constant 0 : i32
        %dma_wait3A_225 = tpu.memref_slice %arg4[%dma_wait3A_223, %dma_wait3A_224] : memref<320000x128xf32, #tpu.memory_space<hbm>> -> memref<320000x128xf32, #tpu.memory_space<hbm>>
        tpu.wait_indirect_dma semaphore(%arg33 : memref<!tpu.dma_semaphore, #tpu.memory_space<semaphore_mem>>) src(%dma_wait3A_225 : memref<320000x128xf32, #tpu.memory_space<hbm>>) dst(%arg23 : memref<128x128xf32, #tpu.memory_space<vmem>>)
        %get3A = arith.constant 0 : index
        %get3A_226 = tpu.vector_load %arg14[%get3A] {strides = array<i32>} : memref<128xi32, #tpu.memory_space<vmem>>, vector<16xi32>,
        %get3A_227 = vector.shape_cast %get3A_226 : vector<16xi32> to vector<16xi32>
        %swap3A_228 = arith.constant 0 : index
        %swap3A_229 = tpu.vector_load %arg20[%swap3A_228] {strides = array<i32>} : memref<128xi32, #tpu.memory_space<vmem>>, vector<16xi32>,
        %swap3A_230 = vector.shape_cast %swap3A_229 : vector<16xi32> to vector<16xi32>
        %swap3A_231 = vector.shape_cast %get3A_227 : vector<16xi32> to vector<16xi32>
        tpu.vector_store %arg20[%swap3A_228], %swap3A_231 {strides = array<i32>} : memref<128xi32, #tpu.memory_space<vmem>>, vector<16xi32>,
        %get3A_232 = arith.constant 16 : index
        %get3A_233 = tpu.vector_load %arg14[%get3A_232] {strides = array<i32>} : memref<128xi32, #tpu.memory_space<vmem>>, vector<16xi32>,
        %get3A_234 = vector.shape_cast %get3A_233 : vector<16xi32> to vector<16xi32>
        %swap3A_235 = arith.constant 16 : index
        %swap3A_236 = tpu.vector_load %arg20[%swap3A_235] {strides = array<i32>} : memref<128xi32, #tpu.memory_space<vmem>>, vector<16xi32>,
        %swap3A_237 = vector.shape_cast %swap3A_236 : vector<16xi32> to vector<16xi32>
        %swap3A_238 = vector.shape_cast %get3A_234 : vector<16xi32> to vector<16xi32>
        tpu.vector_store %arg20[%swap3A_235], %swap3A_238 {strides = array<i32>} : memref<128xi32, #tpu.memory_space<vmem>>, vector<16xi32>,
        %get3A_239 = arith.constant 32 : index
        %get3A_240 = tpu.vector_load %arg14[%get3A_239] {strides = array<i32>} : memref<128xi32, #tpu.memory_space<vmem>>, vector<16xi32>,
        %get3A_241 = vector.shape_cast %get3A_240 : vector<16xi32> to vector<16xi32>
        %swap3A_242 = arith.constant 32 : index
        %swap3A_243 = tpu.vector_load %arg20[%swap3A_242] {strides = array<i32>} : memref<128xi32, #tpu.memory_space<vmem>>, vector<16xi32>,
        %swap3A_244 = vector.shape_cast %swap3A_243 : vector<16xi32> to vector<16xi32>
        %swap3A_245 = vector.shape_cast %get3A_241 : vector<16xi32> to vector<16xi32>
        tpu.vector_store %arg20[%swap3A_242], %swap3A_245 {strides = array<i32>} : memref<128xi32, #tpu.memory_space<vmem>>, vector<16xi32>,
        %get3A_246 = arith.constant 48 : index
        %get3A_247 = tpu.vector_load %arg14[%get3A_246] {strides = array<i32>} : memref<128xi32, #tpu.memory_space<vmem>>, vector<16xi32>,
        %get3A_248 = vector.shape_cast %get3A_247 : vector<16xi32> to vector<16xi32>
        %swap3A_249 = arith.constant 48 : index
        %swap3A_250 = tpu.vector_load %arg20[%swap3A_249] {strides = array<i32>} : memref<128xi32, #tpu.memory_space<vmem>>, vector<16xi32>,
        %swap3A_251 = vector.shape_cast %swap3A_250 : vector<16xi32> to vector<16xi32>
        %swap3A_252 = vector.shape_cast %get3A_248 : vector<16xi32> to vector<16xi32>
        tpu.vector_store %arg20[%swap3A_249], %swap3A_252 {strides = array<i32>} : memref<128xi32, #tpu.memory_space<vmem>>, vector<16xi32>,
        %get3A_253 = arith.constant 64 : index
        %get3A_254 = tpu.vector_load %arg14[%get3A_253] {strides = array<i32>} : memref<128xi32, #tpu.memory_space<vmem>>, vector<16xi32>,
        %get3A_255 = vector.shape_cast %get3A_254 : vector<16xi32> to vector<16xi32>
        %swap3A_256 = arith.constant 64 : index
        %swap3A_257 = tpu.vector_load %arg20[%swap3A_256] {strides = array<i32>} : memref<128xi32, #tpu.memory_space<vmem>>, vector<16xi32>,
        %swap3A_258 = vector.shape_cast %swap3A_257 : vector<16xi32> to vector<16xi32>
        %swap3A_259 = vector.shape_cast %get3A_255 : vector<16xi32> to vector<16xi32>
        tpu.vector_store %arg20[%swap3A_256], %swap3A_259 {strides = array<i32>} : memref<128xi32, #tpu.memory_space<vmem>>, vector<16xi32>,
        %get3A_260 = arith.constant 80 : index
        %get3A_261 = tpu.vector_load %arg14[%get3A_260] {strides = array<i32>} : memref<128xi32, #tpu.memory_space<vmem>>, vector<16xi32>,
        %get3A_262 = vector.shape_cast %get3A_261 : vector<16xi32> to vector<16xi32>
        %swap3A_263 = arith.constant 80 : index
        %swap3A_264 = tpu.vector_load %arg20[%swap3A_263] {strides = array<i32>} : memref<128xi32, #tpu.memory_space<vmem>>, vector<16xi32>,
        %swap3A_265 = vector.shape_cast %swap3A_264 : vector<16xi32> to vector<16xi32>
        %swap3A_266 = vector.shape_cast %get3A_262 : vector<16xi32> to vector<16xi32>
        tpu.vector_store %arg20[%swap3A_263], %swap3A_266 {strides = array<i32>} : memref<128xi32, #tpu.memory_space<vmem>>, vector<16xi32>,
        %get3A_267 = arith.constant 96 : index
        %get3A_268 = tpu.vector_load %arg14[%get3A_267] {strides = array<i32>} : memref<128xi32, #tpu.memory_space<vmem>>, vector<16xi32>,
        %get3A_269 = vector.shape_cast %get3A_268 : vector<16xi32> to vector<16xi32>
        %swap3A_270 = arith.constant 96 : index
        %swap3A_271 = tpu.vector_load %arg20[%swap3A_270] {strides = array<i32>} : memref<128xi32, #tpu.memory_space<vmem>>, vector<16xi32>,
        %swap3A_272 = vector.shape_cast %swap3A_271 : vector<16xi32> to vector<16xi32>
        %swap3A_273 = vector.shape_cast %get3A_269 : vector<16xi32> to vector<16xi32>
        tpu.vector_store %arg20[%swap3A_270], %swap3A_273 {strides = array<i32>} : memref<128xi32, #tpu.memory_space<vmem>>, vector<16xi32>,
        %get3A_274 = arith.constant 112 : index
        %get3A_275 = tpu.vector_load %arg14[%get3A_274] {strides = array<i32>} : memref<128xi32, #tpu.memory_space<vmem>>, vector<16xi32>,
        %get3A_276 = vector.shape_cast %get3A_275 : vector<16xi32> to vector<16xi32>
        %swap3A_277 = arith.constant 112 : index
        %swap3A_278 = tpu.vector_load %arg20[%swap3A_277] {strides = array<i32>} : memref<128xi32, #tpu.memory_space<vmem>>, vector<16xi32>,
        %swap3A_279 = vector.shape_cast %swap3A_278 : vector<16xi32> to vector<16xi32>
        %swap3A_280 = vector.shape_cast %get3A_276 : vector<16xi32> to vector<16xi32>
        tpu.vector_store %arg20[%swap3A_277], %swap3A_280 {strides = array<i32>} : memref<128xi32, #tpu.memory_space<vmem>>, vector<16xi32>,
        %scan3A_281 = arith.constant 0 : i32
        %scan3A_282 = arith.constant 0 : i32
        %scan3A_283 = arith.constant 128 : i32
        %scan3A_284 = arith.addi %scan3A_282, %scan3A_283 : i32
        %scan3A_285 = arith.constant 2 : i32
        scf.for %scan3A_296 = %scan3A_282 to %scan3A_284 step %scan3A_285  : i32 {
          %get3A_297 = arith.index_cast %scan3A_296 : i32 to index
          %get3A_298 = arith.constant 0 : index
          %get3A_299 = tpu.vector_load %arg23[%get3A_297, %get3A_298] {strides = array<i32>} : memref<128x128xf32, #tpu.memory_space<vmem>>, vector<1x16xf32>,
          %get3A_300 = vector.shape_cast %get3A_299 : vector<1x16xf32> to vector<16xf32>
          %max3A = arith.constant 0.000000e+00 : f32
          %max3A_301 = vector.broadcast %max3A : f32 to vector<16xf32>
          %max3A_302 = arith.maximumf %get3A_300, %max3A_301 : vector<16xf32>
          %swap3A_303 = arith.index_cast %scan3A_296 : i32 to index
          %swap3A_304 = arith.constant 0 : index
          %swap3A_305 = tpu.vector_load %arg23[%swap3A_303, %swap3A_304] {strides = array<i32>} : memref<128x128xf32, #tpu.memory_space<vmem>>, vector<1x16xf32>,
          %swap3A_306 = vector.shape_cast %swap3A_305 : vector<1x16xf32> to vector<16xf32>
          %swap3A_307 = vector.shape_cast %max3A_302 : vector<16xf32> to vector<1x16xf32>
          tpu.vector_store %arg23[%swap3A_303, %swap3A_304], %swap3A_307 {strides = array<i32>} : memref<128x128xf32, #tpu.memory_space<vmem>>, vector<1x16xf32>,
          %get3A_308 = arith.index_cast %scan3A_296 : i32 to index
          %get3A_309 = arith.constant 16 : index
          %get3A_310 = tpu.vector_load %arg23[%get3A_308, %get3A_309] {strides = array<i32>} : memref<128x128xf32, #tpu.memory_space<vmem>>, vector<1x16xf32>,
          %get3A_311 = vector.shape_cast %get3A_310 : vector<1x16xf32> to vector<16xf32>
          %max3A_312 = arith.constant 0.000000e+00 : f32
          %max3A_313 = vector.broadcast %max3A_312 : f32 to vector<16xf32>
          %max3A_314 = arith.maximumf %get3A_311, %max3A_313 : vector<16xf32>
          %swap3A_315 = arith.index_cast %scan3A_296 : i32 to index
          %swap3A_316 = arith.constant 16 : index
          %swap3A_317 = tpu.vector_load %arg23[%swap3A_315, %swap3A_316] {strides = array<i32>} : memref<128x128xf32, #tpu.memory_space<vmem>>, vector<1x16xf32>,
          %swap3A_318 = vector.shape_cast %swap3A_317 : vector<1x16xf32> to vector<16xf32>
          %swap3A_319 = vector.shape_cast %max3A_314 : vector<16xf32> to vector<1x16xf32>
          tpu.vector_store %arg23[%swap3A_315, %swap3A_316], %swap3A_319 {strides = array<i32>} : memref<128x128xf32, #tpu.memory_space<vmem>>, vector<1x16xf32>,
          %get3A_320 = arith.index_cast %scan3A_296 : i32 to index
          %get3A_321 = arith.constant 32 : index
          %get3A_322 = tpu.vector_load %arg23[%get3A_320, %get3A_321] {strides = array<i32>} : memref<128x128xf32, #tpu.memory_space<vmem>>, vector<1x16xf32>,
          %get3A_323 = vector.shape_cast %get3A_322 : vector<1x16xf32> to vector<16xf32>
          %max3A_324 = arith.constant 0.000000e+00 : f32
          %max3A_325 = vector.broadcast %max3A_324 : f32 to vector<16xf32>
          %max3A_326 = arith.maximumf %get3A_323, %max3A_325 : vector<16xf32>
          %swap3A_327 = arith.index_cast %scan3A_296 : i32 to index
          %swap3A_328 = arith.constant 32 : index
          %swap3A_329 = tpu.vector_load %arg23[%swap3A_327, %swap3A_328] {strides = array<i32>} : memref<128x128xf32, #tpu.memory_space<vmem>>, vector<1x16xf32>,
          %swap3A_330 = vector.shape_cast %swap3A_329 : vector<1x16xf32> to vector<16xf32>
          %swap3A_331 = vector.shape_cast %max3A_326 : vector<16xf32> to vector<1x16xf32>
          tpu.vector_store %arg23[%swap3A_327, %swap3A_328], %swap3A_331 {strides = array<i32>} : memref<128x128xf32, #tpu.memory_space<vmem>>, vector<1x16xf32>,
          %get3A_332 = arith.index_cast %scan3A_296 : i32 to index
          %get3A_333 = arith.constant 48 : index
          %get3A_334 = tpu.vector_load %arg23[%get3A_332, %get3A_333] {strides = array<i32>} : memref<128x128xf32, #tpu.memory_space<vmem>>, vector<1x16xf32>,
          %get3A_335 = vector.shape_cast %get3A_334 : vector<1x16xf32> to vector<16xf32>
          %max3A_336 = arith.constant 0.000000e+00 : f32
          %max3A_337 = vector.broadcast %max3A_336 : f32 to vector<16xf32>
          %max3A_338 = arith.maximumf %get3A_335, %max3A_337 : vector<16xf32>
          %swap3A_339 = arith.index_cast %scan3A_296 : i32 to index
          %swap3A_340 = arith.constant 48 : index
          %swap3A_341 = tpu.vector_load %arg23[%swap3A_339, %swap3A_340] {strides = array<i32>} : memref<128x128xf32, #tpu.memory_space<vmem>>, vector<1x16xf32>,
          %swap3A_342 = vector.shape_cast %swap3A_341 : vector<1x16xf32> to vector<16xf32>
          %swap3A_343 = vector.shape_cast %max3A_338 : vector<16xf32> to vector<1x16xf32>
          tpu.vector_store %arg23[%swap3A_339, %swap3A_340], %swap3A_343 {strides = array<i32>} : memref<128x128xf32, #tpu.memory_space<vmem>>, vector<1x16xf32>,
          %get3A_344 = arith.index_cast %scan3A_296 : i32 to index
          %get3A_345 = arith.constant 64 : index
          %get3A_346 = tpu.vector_load %arg23[%get3A_344, %get3A_345] {strides = array<i32>} : memref<128x128xf32, #tpu.memory_space<vmem>>, vector<1x16xf32>,
          %get3A_347 = vector.shape_cast %get3A_346 : vector<1x16xf32> to vector<16xf32>
          %max3A_348 = arith.constant 0.000000e+00 : f32
          %max3A_349 = vector.broadcast %max3A_348 : f32 to vector<16xf32>
          %max3A_350 = arith.maximumf %get3A_347, %max3A_349 : vector<16xf32>
          %swap3A_351 = arith.index_cast %scan3A_296 : i32 to index
          %swap3A_352 = arith.constant 64 : index
          %swap3A_353 = tpu.vector_load %arg23[%swap3A_351, %swap3A_352] {strides = array<i32>} : memref<128x128xf32, #tpu.memory_space<vmem>>, vector<1x16xf32>,
          %swap3A_354 = vector.shape_cast %swap3A_353 : vector<1x16xf32> to vector<16xf32>
          %swap3A_355 = vector.shape_cast %max3A_350 : vector<16xf32> to vector<1x16xf32>
          tpu.vector_store %arg23[%swap3A_351, %swap3A_352], %swap3A_355 {strides = array<i32>} : memref<128x128xf32, #tpu.memory_space<vmem>>, vector<1x16xf32>,
          %get3A_356 = arith.index_cast %scan3A_296 : i32 to index
          %get3A_357 = arith.constant 80 : index
          %get3A_358 = tpu.vector_load %arg23[%get3A_356, %get3A_357] {strides = array<i32>} : memref<128x128xf32, #tpu.memory_space<vmem>>, vector<1x16xf32>,
          %get3A_359 = vector.shape_cast %get3A_358 : vector<1x16xf32> to vector<16xf32>
          %max3A_360 = arith.constant 0.000000e+00 : f32
          %max3A_361 = vector.broadcast %max3A_360 : f32 to vector<16xf32>
          %max3A_362 = arith.maximumf %get3A_359, %max3A_361 : vector<16xf32>
          %swap3A_363 = arith.index_cast %scan3A_296 : i32 to index
          %swap3A_364 = arith.constant 80 : index
          %swap3A_365 = tpu.vector_load %arg23[%swap3A_363, %swap3A_364] {strides = array<i32>} : memref<128x128xf32, #tpu.memory_space<vmem>>, vector<1x16xf32>,
          %swap3A_366 = vector.shape_cast %swap3A_365 : vector<1x16xf32> to vector<16xf32>
          %swap3A_367 = vector.shape_cast %max3A_362 : vector<16xf32> to vector<1x16xf32>
          tpu.vector_store %arg23[%swap3A_363, %swap3A_364], %swap3A_367 {strides = array<i32>} : memref<128x128xf32, #tpu.memory_space<vmem>>, vector<1x16xf32>,
          %get3A_368 = arith.index_cast %scan3A_296 : i32 to index
          %get3A_369 = arith.constant 96 : index
          %get3A_370 = tpu.vector_load %arg23[%get3A_368, %get3A_369] {strides = array<i32>} : memref<128x128xf32, #tpu.memory_space<vmem>>, vector<1x16xf32>,
          %get3A_371 = vector.shape_cast %get3A_370 : vector<1x16xf32> to vector<16xf32>
          %max3A_372 = arith.constant 0.000000e+00 : f32
          %max3A_373 = vector.broadcast %max3A_372 : f32 to vector<16xf32>
          %max3A_374 = arith.maximumf %get3A_371, %max3A_373 : vector<16xf32>
          %swap3A_375 = arith.index_cast %scan3A_296 : i32 to index
          %swap3A_376 = arith.constant 96 : index
          %swap3A_377 = tpu.vector_load %arg23[%swap3A_375, %swap3A_376] {strides = array<i32>} : memref<128x128xf32, #tpu.memory_space<vmem>>, vector<1x16xf32>,
          %swap3A_378 = vector.shape_cast %swap3A_377 : vector<1x16xf32> to vector<16xf32>
          %swap3A_379 = vector.shape_cast %max3A_374 : vector<16xf32> to vector<1x16xf32>
          tpu.vector_store %arg23[%swap3A_375, %swap3A_376], %swap3A_379 {strides = array<i32>} : memref<128x128xf32, #tpu.memory_space<vmem>>, vector<1x16xf32>,
          %get3A_380 = arith.index_cast %scan3A_296 : i32 to index
          %get3A_381 = arith.constant 112 : index
          %get3A_382 = tpu.vector_load %arg23[%get3A_380, %get3A_381] {strides = array<i32>} : memref<128x128xf32, #tpu.memory_space<vmem>>, vector<1x16xf32>,
          %get3A_383 = vector.shape_cast %get3A_382 : vector<1x16xf32> to vector<16xf32>
          %max3A_384 = arith.constant 0.000000e+00 : f32
          %max3A_385 = vector.broadcast %max3A_384 : f32 to vector<16xf32>
          %max3A_386 = arith.maximumf %get3A_383, %max3A_385 : vector<16xf32>
          %swap3A_387 = arith.index_cast %scan3A_296 : i32 to index
          %swap3A_388 = arith.constant 112 : index
          %swap3A_389 = tpu.vector_load %arg23[%swap3A_387, %swap3A_388] {strides = array<i32>} : memref<128x128xf32, #tpu.memory_space<vmem>>, vector<1x16xf32>,
          %swap3A_390 = vector.shape_cast %swap3A_389 : vector<1x16xf32> to vector<16xf32>
          %swap3A_391 = vector.shape_cast %max3A_386 : vector<16xf32> to vector<1x16xf32>
          tpu.vector_store %arg23[%swap3A_387, %swap3A_388], %swap3A_391 {strides = array<i32>} : memref<128x128xf32, #tpu.memory_space<vmem>>, vector<1x16xf32>,
          %scan3A_392 = arith.constant 1 : i32
          %scan3A_393 = arith.addi %scan3A_296, %scan3A_392 : i32
          %get3A_394 = arith.index_cast %scan3A_393 : i32 to index
          %get3A_395 = arith.constant 0 : index
          %get3A_396 = tpu.vector_load %arg23[%get3A_394, %get3A_395] {strides = array<i32>} : memref<128x128xf32, #tpu.memory_space<vmem>>, vector<1x16xf32>,
          %get3A_397 = vector.shape_cast %get3A_396 : vector<1x16xf32> to vector<16xf32>
          %max3A_398 = arith.constant 0.000000e+00 : f32
          %max3A_399 = vector.broadcast %max3A_398 : f32 to vector<16xf32>
          %max3A_400 = arith.maximumf %get3A_397, %max3A_399 : vector<16xf32>
          %swap3A_401 = arith.index_cast %scan3A_393 : i32 to index
          %swap3A_402 = arith.constant 0 : index
          %swap3A_403 = tpu.vector_load %arg23[%swap3A_401, %swap3A_402] {strides = array<i32>} : memref<128x128xf32, #tpu.memory_space<vmem>>, vector<1x16xf32>,
          %swap3A_404 = vector.shape_cast %swap3A_403 : vector<1x16xf32> to vector<16xf32>
          %swap3A_405 = vector.shape_cast %max3A_400 : vector<16xf32> to vector<1x16xf32>
          tpu.vector_store %arg23[%swap3A_401, %swap3A_402], %swap3A_405 {strides = array<i32>} : memref<128x128xf32, #tpu.memory_space<vmem>>, vector<1x16xf32>,
          %get3A_406 = arith.index_cast %scan3A_393 : i32 to index
          %get3A_407 = arith.constant 16 : index
          %get3A_408 = tpu.vector_load %arg23[%get3A_406, %get3A_407] {strides = array<i32>} : memref<128x128xf32, #tpu.memory_space<vmem>>, vector<1x16xf32>,
          %get3A_409 = vector.shape_cast %get3A_408 : vector<1x16xf32> to vector<16xf32>
          %max3A_410 = arith.constant 0.000000e+00 : f32
          %max3A_411 = vector.broadcast %max3A_410 : f32 to vector<16xf32>
          %max3A_412 = arith.maximumf %get3A_409, %max3A_411 : vector<16xf32>
          %swap3A_413 = arith.index_cast %scan3A_393 : i32 to index
          %swap3A_414 = arith.constant 16 : index
          %swap3A_415 = tpu.vector_load %arg23[%swap3A_413, %swap3A_414] {strides = array<i32>} : memref<128x128xf32, #tpu.memory_space<vmem>>, vector<1x16xf32>,
          %swap3A_416 = vector.shape_cast %swap3A_415 : vector<1x16xf32> to vector<16xf32>
          %swap3A_417 = vector.shape_cast %max3A_412 : vector<16xf32> to vector<1x16xf32>
          tpu.vector_store %arg23[%swap3A_413, %swap3A_414], %swap3A_417 {strides = array<i32>} : memref<128x128xf32, #tpu.memory_space<vmem>>, vector<1x16xf32>,
          %get3A_418 = arith.index_cast %scan3A_393 : i32 to index
          %get3A_419 = arith.constant 32 : index
          %get3A_420 = tpu.vector_load %arg23[%get3A_418, %get3A_419] {strides = array<i32>} : memref<128x128xf32, #tpu.memory_space<vmem>>, vector<1x16xf32>,
          %get3A_421 = vector.shape_cast %get3A_420 : vector<1x16xf32> to vector<16xf32>
          %max3A_422 = arith.constant 0.000000e+00 : f32
          %max3A_423 = vector.broadcast %max3A_422 : f32 to vector<16xf32>
          %max3A_424 = arith.maximumf %get3A_421, %max3A_423 : vector<16xf32>
          %swap3A_425 = arith.index_cast %scan3A_393 : i32 to index
          %swap3A_426 = arith.constant 32 : index
          %swap3A_427 = tpu.vector_load %arg23[%swap3A_425, %swap3A_426] {strides = array<i32>} : memref<128x128xf32, #tpu.memory_space<vmem>>, vector<1x16xf32>,
          %swap3A_428 = vector.shape_cast %swap3A_427 : vector<1x16xf32> to vector<16xf32>
          %swap3A_429 = vector.shape_cast %max3A_424 : vector<16xf32> to vector<1x16xf32>
          tpu.vector_store %arg23[%swap3A_425, %swap3A_426], %swap3A_429 {strides = array<i32>} : memref<128x128xf32, #tpu.memory_space<vmem>>, vector<1x16xf32>,
          %get3A_430 = arith.index_cast %scan3A_393 : i32 to index
          %get3A_431 = arith.constant 48 : index
          %get3A_432 = tpu.vector_load %arg23[%get3A_430, %get3A_431] {strides = array<i32>} : memref<128x128xf32, #tpu.memory_space<vmem>>, vector<1x16xf32>,
          %get3A_433 = vector.shape_cast %get3A_432 : vector<1x16xf32> to vector<16xf32>
          %max3A_434 = arith.constant 0.000000e+00 : f32
          %max3A_435 = vector.broadcast %max3A_434 : f32 to vector<16xf32>
          %max3A_436 = arith.maximumf %get3A_433, %max3A_435 : vector<16xf32>
          %swap3A_437 = arith.index_cast %scan3A_393 : i32 to index
          %swap3A_438 = arith.constant 48 : index
          %swap3A_439 = tpu.vector_load %arg23[%swap3A_437, %swap3A_438] {strides = array<i32>} : memref<128x128xf32, #tpu.memory_space<vmem>>, vector<1x16xf32>,
          %swap3A_440 = vector.shape_cast %swap3A_439 : vector<1x16xf32> to vector<16xf32>
          %swap3A_441 = vector.shape_cast %max3A_436 : vector<16xf32> to vector<1x16xf32>
          tpu.vector_store %arg23[%swap3A_437, %swap3A_438], %swap3A_441 {strides = array<i32>} : memref<128x128xf32, #tpu.memory_space<vmem>>, vector<1x16xf32>,
          %get3A_442 = arith.index_cast %scan3A_393 : i32 to index
          %get3A_443 = arith.constant 64 : index
          %get3A_444 = tpu.vector_load %arg23[%get3A_442, %get3A_443] {strides = array<i32>} : memref<128x128xf32, #tpu.memory_space<vmem>>, vector<1x16xf32>,
          %get3A_445 = vector.shape_cast %get3A_444 : vector<1x16xf32> to vector<16xf32>
          %max3A_446 = arith.constant 0.000000e+00 : f32
          %max3A_447 = vector.broadcast %max3A_446 : f32 to vector<16xf32>
          %max3A_448 = arith.maximumf %get3A_445, %max3A_447 : vector<16xf32>
          %swap3A_449 = arith.index_cast %scan3A_393 : i32 to index
          %swap3A_450 = arith.constant 64 : index
          %swap3A_451 = tpu.vector_load %arg23[%swap3A_449, %swap3A_450] {strides = array<i32>} : memref<128x128xf32, #tpu.memory_space<vmem>>, vector<1x16xf32>,
          %swap3A_452 = vector.shape_cast %swap3A_451 : vector<1x16xf32> to vector<16xf32>
          %swap3A_453 = vector.shape_cast %max3A_448 : vector<16xf32> to vector<1x16xf32>
          tpu.vector_store %arg23[%swap3A_449, %swap3A_450], %swap3A_453 {strides = array<i32>} : memref<128x128xf32, #tpu.memory_space<vmem>>, vector<1x16xf32>,
          %get3A_454 = arith.index_cast %scan3A_393 : i32 to index
          %get3A_455 = arith.constant 80 : index
          %get3A_456 = tpu.vector_load %arg23[%get3A_454, %get3A_455] {strides = array<i32>} : memref<128x128xf32, #tpu.memory_space<vmem>>, vector<1x16xf32>,
          %get3A_457 = vector.shape_cast %get3A_456 : vector<1x16xf32> to vector<16xf32>
          %max3A_458 = arith.constant 0.000000e+00 : f32
          %max3A_459 = vector.broadcast %max3A_458 : f32 to vector<16xf32>
          %max3A_460 = arith.maximumf %get3A_457, %max3A_459 : vector<16xf32>
          %swap3A_461 = arith.index_cast %scan3A_393 : i32 to index
          %swap3A_462 = arith.constant 80 : index
          %swap3A_463 = tpu.vector_load %arg23[%swap3A_461, %swap3A_462] {strides = array<i32>} : memref<128x128xf32, #tpu.memory_space<vmem>>, vector<1x16xf32>,
          %swap3A_464 = vector.shape_cast %swap3A_463 : vector<1x16xf32> to vector<16xf32>
          %swap3A_465 = vector.shape_cast %max3A_460 : vector<16xf32> to vector<1x16xf32>
          tpu.vector_store %arg23[%swap3A_461, %swap3A_462], %swap3A_465 {strides = array<i32>} : memref<128x128xf32, #tpu.memory_space<vmem>>, vector<1x16xf32>,
          %get3A_466 = arith.index_cast %scan3A_393 : i32 to index
          %get3A_467 = arith.constant 96 : index
          %get3A_468 = tpu.vector_load %arg23[%get3A_466, %get3A_467] {strides = array<i32>} : memref<128x128xf32, #tpu.memory_space<vmem>>, vector<1x16xf32>,
          %get3A_469 = vector.shape_cast %get3A_468 : vector<1x16xf32> to vector<16xf32>
          %max3A_470 = arith.constant 0.000000e+00 : f32
          %max3A_471 = vector.broadcast %max3A_470 : f32 to vector<16xf32>
          %max3A_472 = arith.maximumf %get3A_469, %max3A_471 : vector<16xf32>
          %swap3A_473 = arith.index_cast %scan3A_393 : i32 to index
          %swap3A_474 = arith.constant 96 : index
          %swap3A_475 = tpu.vector_load %arg23[%swap3A_473, %swap3A_474] {strides = array<i32>} : memref<128x128xf32, #tpu.memory_space<vmem>>, vector<1x16xf32>,
          %swap3A_476 = vector.shape_cast %swap3A_475 : vector<1x16xf32> to vector<16xf32>
          %swap3A_477 = vector.shape_cast %max3A_472 : vector<16xf32> to vector<1x16xf32>
          tpu.vector_store %arg23[%swap3A_473, %swap3A_474], %swap3A_477 {strides = array<i32>} : memref<128x128xf32, #tpu.memory_space<vmem>>, vector<1x16xf32>,
          %get3A_478 = arith.index_cast %scan3A_393 : i32 to index
          %get3A_479 = arith.constant 112 : index
          %get3A_480 = tpu.vector_load %arg23[%get3A_478, %get3A_479] {strides = array<i32>} : memref<128x128xf32, #tpu.memory_space<vmem>>, vector<1x16xf32>,
          %get3A_481 = vector.shape_cast %get3A_480 : vector<1x16xf32> to vector<16xf32>
          %max3A_482 = arith.constant 0.000000e+00 : f32
          %max3A_483 = vector.broadcast %max3A_482 : f32 to vector<16xf32>
          %max3A_484 = arith.maximumf %get3A_481, %max3A_483 : vector<16xf32>
          %swap3A_485 = arith.index_cast %scan3A_393 : i32 to index
          %swap3A_486 = arith.constant 112 : index
          %swap3A_487 = tpu.vector_load %arg23[%swap3A_485, %swap3A_486] {strides = array<i32>} : memref<128x128xf32, #tpu.memory_space<vmem>>, vector<1x16xf32>,
          %swap3A_488 = vector.shape_cast %swap3A_487 : vector<1x16xf32> to vector<16xf32>
          %swap3A_489 = vector.shape_cast %max3A_484 : vector<16xf32> to vector<1x16xf32>
          tpu.vector_store %arg23[%swap3A_485, %swap3A_486], %swap3A_489 {strides = array<i32>} : memref<128x128xf32, #tpu.memory_space<vmem>>, vector<1x16xf32>,
        }
        %scan3A_286 = arith.constant 128 : i32
        %dma_start3A_287 = arith.constant 0 : i32
        %dma_start3A_288 = arith.constant 0 : i32
        %dma_start3A_289 = tpu.memref_slice %arg24[%dma_start3A_287, %dma_start3A_288] : memref<10000x128xf32, #tpu.memory_space<vmem_shared>> -> memref<10000x128xf32, #tpu.memory_space<vmem_shared>>
        tpu.enqueue_indirect_dma source(%arg23 : memref<128x128xf32, #tpu.memory_space<vmem>>) target(%dma_start3A_289 : memref<10000x128xf32, #tpu.memory_space<vmem_shared>>) offsets(%arg20 : memref<128xi32, #tpu.memory_space<vmem>>) semaphore(%arg36 : memref<!tpu.dma_semaphore, #tpu.memory_space<semaphore_mem>>) {add = true}
        %add3A_290 = arith.constant 3 : i32
        %add3A_291 = arith.addi %add3A_207, %add3A_290 : i32
        %lt3A_292 = arith.cmpi slt, %add3A_291, %add3A_14 : i32
        %convert_element_type3A_293 = arith.extui %lt3A_292 : i1 to i32
        %cond3A_294 = arith.constant 0 : i32
        %cond3A_295 = arith.cmpi ne, %convert_element_type3A_293, %cond3A_294 : i32
        scf.if %cond3A_295 {
          %add3A_296 = arith.constant 3 : i32
          %add3A_297 = arith.addi %add3A_207, %add3A_296 : i32
          %mul3A_298 = arith.constant 32 : i32
          %mul3A_299 = arith.muli %add3A_297, %mul3A_298 : i32
          %add3A_300 = arith.addi %mul3A_299, %add3A : i32
          %mul3A_301 = arith.constant 128 : i32
          %mul3A_302 = arith.muli %add3A_300, %mul3A_301 : i32
          %dma_start3A_303 = tpu.memref_slice %arg5[%mul3A_302] : memref<320000xi32, #tpu.memory_space<hbm>> -> memref<128xi32, #tpu.memory_space<hbm>>
          %dma_start3A_304 = tpu.memref_slice %arg5[%mul3A_302] : memref<320000xi32, #tpu.memory_space<hbm>> -> memref<128xi32, #tpu.memory_space<hbm>>
          tpu.enqueue_dma source(%dma_start3A_304 : memref<128xi32, #tpu.memory_space<hbm>>) target(%arg11 : memref<128xi32, #tpu.memory_space<vmem>>) target_semaphore(%arg27 : memref<!tpu.dma_semaphore, #tpu.memory_space<semaphore_mem>>)
          %mul3A_305 = arith.constant 32 : i32
          %mul3A_306 = arith.muli %add3A_297, %mul3A_305 : i32
          %add3A_307 = arith.addi %mul3A_306, %add3A : i32
          %mul3A_308 = arith.constant 128 : i32
          %mul3A_309 = arith.muli %add3A_307, %mul3A_308 : i32
          %dma_start3A_310 = tpu.memref_slice %arg6[%mul3A_309] : memref<320000xi32, #tpu.memory_space<hbm>> -> memref<128xi32, #tpu.memory_space<hbm>>
          %dma_start3A_311 = tpu.memref_slice %arg6[%mul3A_309] : memref<320000xi32, #tpu.memory_space<hbm>> -> memref<128xi32, #tpu.memory_space<hbm>>
          tpu.enqueue_dma source(%dma_start3A_311 : memref<128xi32, #tpu.memory_space<hbm>>) target(%arg14 : memref<128xi32, #tpu.memory_space<vmem>>) target_semaphore(%arg27 : memref<!tpu.dma_semaphore, #tpu.memory_space<semaphore_mem>>)
        } else {
        }
      } else {
      }
    }
    %scan3A_161 = arith.constant 27 : i32
    %dma_wait3A_162 = arith.constant 0 : i32
    %dma_wait3A_163 = arith.constant 0 : i32
    %dma_wait3A_164 = tpu.memref_slice %arg24[%dma_wait3A_162, %dma_wait3A_163] : memref<10000x128xf32, #tpu.memory_space<vmem_shared>> -> memref<10000x128xf32, #tpu.memory_space<vmem_shared>>
    tpu.wait_indirect_dma semaphore(%arg34 : memref<!tpu.dma_semaphore, #tpu.memory_space<semaphore_mem>>) src(%arg21 : memref<128x128xf32, #tpu.memory_space<vmem>>) dst(%dma_wait3A_164 : memref<10000x128xf32, #tpu.memory_space<vmem_shared>>)
    %dma_wait3A_165 = arith.constant 0 : i32
    %dma_wait3A_166 = arith.constant 0 : i32
    %dma_wait3A_167 = tpu.memref_slice %arg24[%dma_wait3A_165, %dma_wait3A_166] : memref<10000x128xf32, #tpu.memory_space<vmem_shared>> -> memref<10000x128xf32, #tpu.memory_space<vmem_shared>>
    tpu.wait_indirect_dma semaphore(%arg35 : memref<!tpu.dma_semaphore, #tpu.memory_space<semaphore_mem>>) src(%arg22 : memref<128x128xf32, #tpu.memory_space<vmem>>) dst(%dma_wait3A_167 : memref<10000x128xf32, #tpu.memory_space<vmem_shared>>)
    %dma_wait3A_168 = arith.constant 0 : i32
    %dma_wait3A_169 = arith.constant 0 : i32
    %dma_wait3A_170 = tpu.memref_slice %arg24[%dma_wait3A_168, %dma_wait3A_169] : memref<10000x128xf32, #tpu.memory_space<vmem_shared>> -> memref<10000x128xf32, #tpu.memory_space<vmem_shared>>
    tpu.wait_indirect_dma semaphore(%arg36 : memref<!tpu.dma_semaphore, #tpu.memory_space<semaphore_mem>>) src(%arg23 : memref<128x128xf32, #tpu.memory_space<vmem>>) dst(%dma_wait3A_170 : memref<10000x128xf32, #tpu.memory_space<vmem_shared>>)
    %barrier3A_171 = arith.constant 0 : index
    tpu.barrier barrier_id(%barrier3A_171)
    %dma_start3A_172 = arith.constant 0 : i32
    %dma_start3A_173 = tpu.memref_slice %arg8[%arg0, %mul3A_2, %dma_start3A_172] : memref<2x10000x128xf32, #tpu.memory_space<hbm>> -> memref<1x624x128xf32, #tpu.memory_space<hbm>>
    %dma_start3A_174 = tpu.memref_squeeze %dma_start3A_173 : memref<1x624x128xf32, #tpu.memory_space<hbm>> -> memref<624x128xf32, #tpu.memory_space<hbm>>
    %dma_start3A_175 = arith.constant 0 : i32
    %dma_start3A_176 = tpu.memref_slice %arg24[%mul3A_2, %dma_start3A_175] : memref<10000x128xf32, #tpu.memory_space<vmem_shared>> -> memref<624x128xf32, #tpu.memory_space<vmem_shared>>
    tpu.enqueue_dma source(%dma_start3A_176 : memref<624x128xf32, #tpu.memory_space<vmem_shared>>) target(%dma_start3A_174 : memref<624x128xf32, #tpu.memory_space<hbm>>) target_semaphore(%arg37 : memref<!tpu.dma_semaphore, #tpu.memory_space<semaphore_mem>>)
    %dma_wait3A_177 = arith.constant 0 : i32
    %dma_wait3A_178 = tpu.memref_slice %arg8[%arg0, %mul3A_2, %dma_wait3A_177] : memref<2x10000x128xf32, #tpu.memory_space<hbm>> -> memref<1x624x128xf32, #tpu.memory_space<hbm>>
    %dma_wait3A_179 = tpu.memref_squeeze %dma_wait3A_178 : memref<1x624x128xf32, #tpu.memory_space<hbm>> -> memref<624x128xf32, #tpu.memory_space<hbm>>
    %dma_wait3A_180 = arith.constant 0 : i32
    %dma_wait3A_181 = tpu.memref_slice %arg24[%mul3A_2, %dma_wait3A_180] : memref<10000x128xf32, #tpu.memory_space<vmem_shared>> -> memref<624x128xf32, #tpu.memory_space<vmem_shared>>
    tpu.wait_dma2 semaphore(%arg37 : memref<!tpu.dma_semaphore, #tpu.memory_space<semaphore_mem>>) src(%dma_wait3A_181 : memref<624x128xf32, #tpu.memory_space<vmem_shared>>) dst(%dma_wait3A_179 : memref<624x128xf32, #tpu.memory_space<hbm>>)
    %eq3A_182 = arith.constant 0 : i32
    %eq3A_183 = arith.cmpi eq, %arg1, %eq3A_182 : i32
    %convert_element_type3A_184 = arith.extui %eq3A_183 : i1 to i32
    %cond3A_185 = arith.constant 0 : i32
    %cond3A_186 = arith.cmpi ne, %convert_element_type3A_184, %cond3A_185 : i32
    scf.if %cond3A_186 {
      %dma_start3A_187 = arith.constant 9984 : i32
      %dma_start3A_188 = arith.constant 0 : i32
      %dma_start3A_189 = tpu.memref_slice %arg8[%arg0, %dma_start3A_187, %dma_start3A_188] : memref<2x10000x128xf32, #tpu.memory_space<hbm>> -> memref<1x16x128xf32, #tpu.memory_space<hbm>>
      %dma_start3A_190 = tpu.memref_squeeze %dma_start3A_189 : memref<1x16x128xf32, #tpu.memory_space<hbm>> -> memref<16x128xf32, #tpu.memory_space<hbm>>
      %dma_start3A_191 = arith.constant 9984 : i32
      %dma_start3A_192 = arith.constant 0 : i32
      %dma_start3A_193 = tpu.memref_slice %arg24[%dma_start3A_191, %dma_start3A_192] : memref<10000x128xf32, #tpu.memory_space<vmem_shared>> -> memref<16x128xf32, #tpu.memory_space<vmem_shared>>
      tpu.enqueue_dma source(%dma_start3A_193 : memref<16x128xf32, #tpu.memory_space<vmem_shared>>) target(%dma_start3A_190 : memref<16x128xf32, #tpu.memory_space<hbm>>) target_semaphore(%arg37 : memref<!tpu.dma_semaphore, #tpu.memory_space<semaphore_mem>>)
      %dma_wait3A_194 = arith.constant 9984 : i32
      %dma_wait3A_195 = arith.constant 0 : i32
      %dma_wait3A_196 = tpu.memref_slice %arg8[%arg0, %dma_wait3A_194, %dma_wait3A_195] : memref<2x10000x128xf32, #tpu.memory_space<hbm>> -> memref<1x16x128xf32, #tpu.memory_space<hbm>>
      %dma_wait3A_197 = tpu.memref_squeeze %dma_wait3A_196 : memref<1x16x128xf32, #tpu.memory_space<hbm>> -> memref<16x128xf32, #tpu.memory_space<hbm>>
      %dma_wait3A_198 = arith.constant 9984 : i32
      %dma_wait3A_199 = arith.constant 0 : i32
      %dma_wait3A_200 = tpu.memref_slice %arg24[%dma_wait3A_198, %dma_wait3A_199] : memref<10000x128xf32, #tpu.memory_space<vmem_shared>> -> memref<16x128xf32, #tpu.memory_space<vmem_shared>>
      tpu.wait_dma2 semaphore(%arg37 : memref<!tpu.dma_semaphore, #tpu.memory_space<semaphore_mem>>) src(%dma_wait3A_200 : memref<16x128xf32, #tpu.memory_space<vmem_shared>>) dst(%dma_wait3A_197 : memref<16x128xf32, #tpu.memory_space<hbm>>)
    } else {
    }
    return
  }
}

module attributes {stable_mosaic.version = 14 : i64} {
  func.func @_efc_body(%arg0: i32, %arg1: memref<4000x128xf32, #tpu.memory_space<vmem>>, %arg2: memref<128x128xf32, #tpu.memory_space<vmem>>, %arg3: memref<1x128xf32, #tpu.memory_space<vmem>>, %arg4: memref<4000x128xf32, #tpu.memory_space<vmem>>) attributes {dimension_semantics = [#tpu.dimension_semantics<arbitrary>], iteration_bounds = array<i64: 80>, scalar_prefetch = 0 : i64, scratch_operands = 0 : i64, tpu.core_type = #tpu.core_type<tc>, window_params = [{transform_indices = @transform_0, window_bounds = array<i64: 4000, 128>}, {pipeline_mode = #tpu.pipeline_mode<synchronous>, transform_indices = @transform_1, window_bounds = array<i64: 128, 128>}, {pipeline_mode = #tpu.pipeline_mode<synchronous>, transform_indices = @transform_2, window_bounds = array<i64: 1, 128>}, {transform_indices = @transform_3, window_bounds = array<i64: 4000, 128>}]} {
    %get3A = arith.constant 0 : index
    %get3A_0 = arith.constant 0 : index
    %get3A_1 = vector.load %arg1[%get3A, %get3A_0] : memref<4000x128xf32, #tpu.memory_space<vmem>>, vector<4000x128xf32>
    %get3A_2 = arith.constant 0 : index
    %get3A_3 = arith.constant 0 : index
    %get3A_4 = vector.load %arg2[%get3A_2, %get3A_3] : memref<128x128xf32, #tpu.memory_space<vmem>>, vector<128x128xf32>
    %dot_general3A = arith.constant dense<0.000000e+00> : vector<4000x128xf32>
    %dot_general3A_5 = tpu.matmul %get3A_1, %get3A_4, %dot_general3A {dimension_numbers = #tpu.dot_dimension_numbers<[1], [0], [0], [1], [0, 0, 1, 1], [], []>, transpose_lhs_hint = false} : vector<4000x128xf32>, vector<128x128xf32>, vector<4000x128xf32> -> vector<4000x128xf32>
    %get3A_6 = arith.constant 0 : index
    %get3A_7 = arith.constant 0 : index
    %get3A_8 = vector.load %arg3[%get3A_6, %get3A_7] : memref<1x128xf32, #tpu.memory_space<vmem>>, vector<1x128xf32>
    %add3A = vector.broadcast %get3A_8 : vector<1x128xf32> to vector<4000x128xf32>
    %add3A_9 = arith.addf %dot_general3A_5, %add3A : vector<4000x128xf32>
    %swap3A = arith.constant 0 : index
    %swap3A_10 = arith.constant 0 : index
    %swap3A_11 = vector.load %arg4[%swap3A, %swap3A_10] : memref<4000x128xf32, #tpu.memory_space<vmem>>, vector<4000x128xf32>
    tpu.vector_store %arg4[%swap3A, %swap3A_10], %add3A_9 {strides = array<i32>} : memref<4000x128xf32, #tpu.memory_space<vmem>>, vector<4000x128xf32>,
    return
  }
  func.func @transform_0(%arg0: i32) -> (i32, i32) {
    %c0_i32 = arith.constant 0 : i32
    %c0_i32_0 = arith.constant 0 : i32
    return %arg0, %c0_i32 : i32, i32
  }
  func.func @transform_1(%arg0: i32) -> (i32, i32) {
    %c0_i32 = arith.constant 0 : i32
    %c0_i32_0 = arith.constant 0 : i32
    %c0_i32_1 = arith.constant 0 : i32
    return %c0_i32, %c0_i32_0 : i32, i32
  }
  func.func @transform_2(%arg0: i32) -> (i32, i32) {
    %c0_i32 = arith.constant 0 : i32
    %c0_i32_0 = arith.constant 0 : i32
    %c0_i32_1 = arith.constant 0 : i32
    return %c0_i32, %c0_i32_0 : i32, i32
  }
  func.func @transform_3(%arg0: i32) -> (i32, i32) {
    %c0_i32 = arith.constant 0 : i32
    %c0_i32_0 = arith.constant 0 : i32
    return %arg0, %c0_i32 : i32, i32
  }
}

module attributes {stable_mosaic.version = 14 : i64} {
  func.func @_tables_body(%arg0: memref<10000x128xf32, #tpu.memory_space<vmem>>, %arg1: memref<128x128xf32, #tpu.memory_space<vmem>>, %arg2: memref<128x128xf32, #tpu.memory_space<vmem>>, %arg3: memref<10000x128xf32, #tpu.memory_space<vmem>>, %arg4: memref<10000x128xf32, #tpu.memory_space<vmem>>, %arg5: memref<10000x128xf32, #tpu.memory_space<vmem>>) attributes {dimension_semantics = [], scalar_prefetch = 0 : i64, scratch_operands = 0 : i64, tpu.core_type = #tpu.core_type<tc>} {
    %get3A = arith.constant 0 : index
    %get3A_0 = arith.constant 0 : index
    %get3A_1 = vector.load %arg0[%get3A, %get3A_0] : memref<10000x128xf32, #tpu.memory_space<vmem>>, vector<10000x128xf32>
    %get3A_2 = arith.constant 0 : index
    %get3A_3 = arith.constant 0 : index
    %get3A_4 = vector.load %arg1[%get3A_2, %get3A_3] : memref<128x128xf32, #tpu.memory_space<vmem>>, vector<128x128xf32>
    %dot_general3A = arith.constant dense<0.000000e+00> : vector<10000x128xf32>
    %dot_general3A_5 = tpu.matmul %get3A_1, %get3A_4, %dot_general3A {dimension_numbers = #tpu.dot_dimension_numbers<[1], [0], [0], [1], [0, 0, 1, 1], [], []>, transpose_lhs_hint = false} : vector<10000x128xf32>, vector<128x128xf32>, vector<10000x128xf32> -> vector<10000x128xf32>
    %swap3A = arith.constant 0 : index
    %swap3A_6 = arith.constant 0 : index
    %swap3A_7 = vector.load %arg3[%swap3A, %swap3A_6] : memref<10000x128xf32, #tpu.memory_space<vmem>>, vector<10000x128xf32>
    tpu.vector_store %arg3[%swap3A, %swap3A_6], %dot_general3A_5 {strides = array<i32>} : memref<10000x128xf32, #tpu.memory_space<vmem>>, vector<10000x128xf32>,
    %get3A_8 = arith.constant 0 : index
    %get3A_9 = arith.constant 0 : index
    %get3A_10 = vector.load %arg2[%get3A_8, %get3A_9] : memref<128x128xf32, #tpu.memory_space<vmem>>, vector<128x128xf32>
    %dot_general3A_11 = arith.constant dense<0.000000e+00> : vector<10000x128xf32>
    %dot_general3A_12 = tpu.matmul %get3A_1, %get3A_10, %dot_general3A_11 {dimension_numbers = #tpu.dot_dimension_numbers<[1], [0], [0], [1], [0, 0, 1, 1], [], []>, transpose_lhs_hint = false} : vector<10000x128xf32>, vector<128x128xf32>, vector<10000x128xf32> -> vector<10000x128xf32>
    %swap3A_13 = arith.constant 0 : index
    %swap3A_14 = arith.constant 0 : index
    %swap3A_15 = vector.load %arg4[%swap3A_13, %swap3A_14] : memref<10000x128xf32, #tpu.memory_space<vmem>>, vector<10000x128xf32>
    tpu.vector_store %arg4[%swap3A_13, %swap3A_14], %dot_general3A_12 {strides = array<i32>} : memref<10000x128xf32, #tpu.memory_space<vmem>>, vector<10000x128xf32>,
    %mul3A = arith.constant 5.000000e-01 : f32
    %mul3A_16 = vector.broadcast %mul3A : f32 to vector<10000x128xf32>
    %mul3A_17 = arith.mulf %get3A_1, %mul3A_16 : vector<10000x128xf32>
    %swap3A_18 = arith.constant 0 : index
    %swap3A_19 = arith.constant 0 : index
    %swap3A_20 = vector.load %arg5[%swap3A_18, %swap3A_19] : memref<10000x128xf32, #tpu.memory_space<vmem>>, vector<10000x128xf32>
    tpu.vector_store %arg5[%swap3A_18, %swap3A_19], %mul3A_17 {strides = array<i32>} : memref<10000x128xf32, #tpu.memory_space<vmem>>, vector<10000x128xf32>,
    return
  }
}

module attributes {stable_mosaic.version = 14 : i64} {
  func.func @_combine_body(%arg0: i32, %arg1: memref<2x2000x128xf32, #tpu.memory_space<vmem>>, %arg2: memref<2000x128xf32, #tpu.memory_space<vmem>>) attributes {dimension_semantics = [#tpu.dimension_semantics<arbitrary>], iteration_bounds = array<i64: 5>, scalar_prefetch = 0 : i64, scratch_operands = 0 : i64, tpu.core_type = #tpu.core_type<tc>, window_params = [{transform_indices = @transform_0, window_bounds = array<i64: 2, 2000, 128>}, {transform_indices = @transform_1, window_bounds = array<i64: 2000, 128>}]} {
    %get3A = arith.constant 0 : index
    %get3A_0 = arith.constant 0 : index
    %get3A_1 = arith.constant 0 : index
    %get3A_2 = vector.load %arg1[%get3A, %get3A_0, %get3A_1] : memref<2x2000x128xf32, #tpu.memory_space<vmem>>, vector<1x2000x128xf32>
    %get3A_3 = vector.shape_cast %get3A_2 : vector<1x2000x128xf32> to vector<2000x128xf32>
    %get3A_4 = arith.constant 1 : index
    %get3A_5 = arith.constant 0 : index
    %get3A_6 = arith.constant 0 : index
    %get3A_7 = vector.load %arg1[%get3A_4, %get3A_5, %get3A_6] : memref<2x2000x128xf32, #tpu.memory_space<vmem>>, vector<1x2000x128xf32>
    %get3A_8 = vector.shape_cast %get3A_7 : vector<1x2000x128xf32> to vector<2000x128xf32>
    %add3A = arith.addf %get3A_3, %get3A_8 : vector<2000x128xf32>
    %swap3A = arith.constant 0 : index
    %swap3A_9 = arith.constant 0 : index
    %swap3A_10 = vector.load %arg2[%swap3A, %swap3A_9] : memref<2000x128xf32, #tpu.memory_space<vmem>>, vector<2000x128xf32>
    tpu.vector_store %arg2[%swap3A, %swap3A_9], %add3A {strides = array<i32>} : memref<2000x128xf32, #tpu.memory_space<vmem>>, vector<2000x128xf32>,
    return
  }
  func.func @transform_0(%arg0: i32) -> (i32, i32, i32) {
    %c0_i32 = arith.constant 0 : i32
    %c0_i32_0 = arith.constant 0 : i32
    %c0_i32_1 = arith.constant 0 : i32
    return %c0_i32, %arg0, %c0_i32_0 : i32, i32, i32
  }
  func.func @transform_1(%arg0: i32) -> (i32, i32) {
    %c0_i32 = arith.constant 0 : i32
    %c0_i32_0 = arith.constant 0 : i32
    return %arg0, %c0_i32 : i32, i32
  }
}

</mosaic_0001>

<sc_bundles>
// kernel: kernel.6.cloned.1.call-start
scs
__scs_entry_jumppad:
0x0: {  	(pc) =	sbr.rel $0x88, $3  }
0x1: {  	(tag) =	ssettag $0x0;
	lr =	simm.s32 $0x1  }
0x2: {  	[smem:$0x3F9B] =	sst lr;
	_ =	strace $0xD0000000  }
0x3: {  	_ = 	snop  }
0x4: {  	_ = 	snop  }
0x5: {  	_ = 	snop  }
0x6: {  	_ = 	snop  }
0x7: {  	_ = 	snop  }
__scs_overlays_trampoline_lowered:
0x8: {  	[smem:$0x3FAA] =	sst s0  }
0x9: {  	[smem:$0x3FAB] =	sst s1  }
0xa: {  	[smem:$0x3FAC] =	sst s2  }
0xb: {  	[smem:$0x3FAD] =	sst s3  }
0xc: {  	[smem:$0x3FAE] =	sst s4  }
0xd: {  	[smem:$0x3FAF] =	sst s5  }
0xe: {  	[smem:$0x3FB0] =	sst s6  }
0xf: {  	[smem:$0x3FB1] =	sst s7  }
0x10: {  	[smem:$0x3FB2] =	sst s8  }
0x11: {  	[smem:$0x3FB3] =	sst s9;
	s0 =	simm.s32 @!p0 $0x0  }
0x12: {  	s1 =	sld [smem:$0x3F99];
	s0 =	simm.s32 @p0 $0x1  }
0x13: {  	[smem:$0x3FB4] =	sst s0;
	s0 =	simm.s32 @!p1 $0x0  }
0x14: {  	s2 =	sld [smem:$0x3F98];
	s0 =	simm.s32 @p1 $0x1  }
0x15: {  	[smem:$0x3FB5] =	sst s0;
	s0 =	simm.s32 @!p2 $0x0  }
0x16: {  	s3 =	sld [smem:$0x3FDB];
	s0 =	simm.s32 @p2 $0x1  }
0x17: {  	s4 =	simm.s32 $0x1BF5;
	[smem:$0x3FB7] =	sst s0  }
0x18: {  	s0 =	sld [smem:$0x3F9A];
	_ =	swait.ge [sflag:s4], $0x0  }
0x19: {  	s7 =	sld [smem:$0x3F9B]  }
0x1a: {  	s8 =	sadd.s32 $0xFFFFE003, lr  }
0x1b: {  	s9 =	sadd.s32 $0xFFFFFEF7, lr;
	s5 =	simm.s32 $0xFFFFFFFF;
	p2 =	slt.u32 s8, $0xFFFFF086  }
0x1c: {  	p1 =	slt.u32 s9, $0xF7A;
	s5 =	simm.s32 @!p2 $0x0  }
0x1d: {  	s5 =	simm.s32 @p1 $0x1;
	p0 =	seq.s32 s7, s2  }
0x1e: {  	s7 =	smul.u32 @!p0 $0xF7A, s2;
	p2 =	seq.s32 @!p0 s5, $0x0  }
0x1f: {  	s9 =	smul.u32 $0xF7A, s1;
	s8 =	simm.s32 @!p0 $0x1BF5;
	p2 =	por !p2, p0  }
0x20: {  	[sflag:s8] =	ssyncset.s32 @!p0 $0xFFFFF086;
	s6 =	sadd.s32 @!p0 s3, s7;
	s7 =	simm.s32 @!p0 $0x108  }
0x21: {  	s3 =	sadd.s32 s3, s9;
	s6 =	sadd.s32 @!p0 $0x88, s6;
	s7 =	simm.s32 @p2 $0x1082  }
0x22: {  	[simem:s7], [sflag:s8] =	dma.local @!p0 [hbm:s6], $0xF7A  }
0x23: {  	s9 =	sor.u32 $0xD0000000, s2;
	s6 =	simm.s32 $0x108;
	_ =	swait.ge @!p0 [sflag:s8], $0x0  }
0x24: {  	s3 =	sadd.s32 $0x88, s3;
	s6 =	simm.s32 @!p1 $0x1082;
	[sflag:s4] =	ssyncset.s32 $0xFFFFF086  }
0x25: {  	[simem:s6], [sflag:s4] =	dma.local [hbm:s3], $0xF7A  }
0x26: {  	[smem:$0x3F9B] =	sst s1;
	(tag) =	ssettag s2;
	_ =	strace s9  }
0x27: {  	s1 =	sld [smem:$0x3FAB]  }
0x28: {  	s2 =	sld [smem:$0x3FAC]  }
0x29: {  	s4 =	sld [smem:$0x3FAE]  }
0x2a: {  	p0 =	seq.s32 s5, $0x0;
	s5 =	sld [smem:$0x3FAF]  }
0x2b: {  	s6 =	sld [smem:$0x3FB0]  }
0x2c: {  	s7 =	sld [smem:$0x3FB1]  }
0x2d: {  	s3 =	simm.s32 $0x108;
	s8 =	sld [smem:$0x3FB2]  }
0x2e: {  	s3 =	simm.s32 @!p0 $0x1082;
	s9 =	sld [smem:$0x3FB3]  }
0x2f: {  	lr =	sadd.s32 s0, s3;
	s0 =	sld [smem:$0x3FAA]  }
0x30: {  	s3 =	sld [smem:$0x3FAD]  }
0x31: {  	[smem:$0x3FB6] =	sst s10  }
0x32: {  	s10 =	sld [smem:$0x3FB4];
	_ =	sdelay $0x3  }
0x33: {  	p0 =	seq.s32 s10, $0x1;
	s10 =	sld [smem:$0x3FB6];
	_ =	sdelay $0x3  }
0x34: {  	[smem:$0x3FB6] =	sst s10  }
0x35: {  	s10 =	sld [smem:$0x3FB5];
	_ =	sdelay $0x3  }
0x36: {  	p1 =	seq.s32 s10, $0x1;
	s10 =	sld [smem:$0x3FB6];
	_ =	sdelay $0x3  }
0x37: {  	[smem:$0x3FB6] =	sst s10  }
0x38: {  	s10 =	sld [smem:$0x3FB7]  }
0x39: {  	_ = 	snop;
	(pc) =	sbr.ind lr, $3  }
0x3a: {  	_ = 	snop  }
0x3b: {  	_ = 	snop  }
0x3c: {  	p2 =	seq.s32 s10, $0x1;
	s10 =	sld [smem:$0x3FB6]  }
0x3d: {  	_ =	shalt  }
0x3e: {  	_ =	shalt  }
0x3f: {  	_ =	shalt  }
0x40: {  	_ =	shalt  }
0x41: {  	_ =	shalt  }
0x42: {  	_ =	shalt  }
0x43: {  	_ =	shalt  }
0x44: {  	_ =	shalt  }
0x45: {  	_ =	shalt  }
0x46: {  	_ =	shalt  }
0x47: {  	_ =	shalt  }
0x48: {  	_ =	shalt  }
0x49: {  	_ =	shalt  }
0x4a: {  	_ =	shalt  }
0x4b: {  	_ =	shalt  }
0x4c: {  	_ =	shalt  }
0x4d: {  	_ =	shalt  }
0x4e: {  	_ =	shalt  }
0x4f: {  	_ =	shalt  }
0x50: {  	_ =	shalt  }
0x51: {  	_ =	shalt  }
0x52: {  	_ =	shalt  }
0x53: {  	_ =	shalt  }
0x54: {  	_ =	shalt  }
0x55: {  	_ =	shalt  }
0x56: {  	_ =	shalt  }
0x57: {  	_ =	shalt  }
0x58: {  	_ =	shalt  }
0x59: {  	_ =	shalt  }
0x5a: {  	_ =	shalt  }
0x5b: {  	_ =	shalt  }
0x5c: {  	_ =	shalt  }
0x5d: {  	_ =	shalt  }
0x5e: {  	_ =	shalt  }
0x5f: {  	_ =	shalt  }
0x60: {  	_ =	shalt  }
0x61: {  	_ =	shalt  }
0x62: {  	_ =	shalt  }
0x63: {  	_ =	shalt  }
0x64: {  	_ =	shalt  }
0x65: {  	_ =	shalt  }
0x66: {  	_ =	shalt  }
0x67: {  	_ =	shalt  }
0x68: {  	_ =	shalt  }
0x69: {  	_ =	shalt  }
0x6a: {  	_ =	shalt  }
0x6b: {  	_ =	shalt  }
0x6c: {  	_ =	shalt  }
0x6d: {  	_ =	shalt  }
0x6e: {  	_ =	shalt  }
0x6f: {  	_ =	shalt  }
0x70: {  	_ =	shalt  }
0x71: {  	_ =	shalt  }
0x72: {  	_ =	shalt  }
0x73: {  	_ =	shalt  }
0x74: {  	_ =	shalt  }
0x75: {  	_ =	shalt  }
0x76: {  	_ =	shalt  }
0x77: {  	_ =	shalt  }
0x78: {  	_ =	shalt  }
0x79: {  	_ =	shalt  }
0x7a: {  	_ =	shalt  }
0x7b: {  	_ =	shalt  }
0x7c: {  	_ =	shalt  }
0x7d: {  	_ =	shalt  }
0x7e: {  	_ =	shalt  }
0x7f: {  	_ =	shalt  }
0x80: {  	_ =	shalt  }
0x81: {  	_ =	shalt  }
0x82: {  	_ =	shalt  }
0x83: {  	_ =	shalt  }
0x84: {  	_ =	shalt  }
0x85: {  	_ =	shalt  }
0x86: {  	_ =	shalt  }
0x87: {  	_ =	shalt  }
.Lfunc_end0:
.L_simem_size_0:
called_computation_lowered:
.L_overlay_start_0:
0x88: {  	s2 =	sld [smem:$0x3FD9]  }
0x89: {  	s3 =	sld [smem:$0x3FFE];
	_ =	sdelay $0x1  }
0x8a: {  	s1 =	srdreg.scid  }
0x8b: {  	s0 =	sand.u32 $0x1, s1  }
0x8c: {  	s17 =	sshll.u32 s0, $0xA;
	s2 =	sadd.s32 s3, s2  }
0x8d: {  	s2 =	sadd.s32 s2, s17  }
0x8e: {  	[smem:$0x3FC2] =	sst s2  }
0x8f: {  	_ = 	snop  }
0x90: {  	s2 =	sld [smem:$0x3FC8]  }
0x91: {  	s18 =	sld [smem:$0x3FC7]  }
0x92: {  	s4 =	sld [smem:$0x3FD0];
	(tm) =	ssettm $0x1  }
0x93: {  	s5 =	sld [smem:$0x3FFB];
	_ =	sdelay $0x3  }
0x94: {  	_ =	strace s5  }
0x95: {  	s5 =	sld [smem:$0x3FFC];
	_ =	sdelay $0x3  }
0x96: {  	_ =	strace s5  }
0x97: {  	s5 =	sld [smem:$0x3FFD];
	_ =	sdelay $0x3  }
0x98: {  	_ =	strace s5  }
0x99: {  	_ =	strace $0x8FFFFFFF  }
0x9a: {  	s19 =	sld [smem:$0x3FDB];
	_ =	sdelay $0x1  }
0x9b: {  	s6 =	simm.s32 $_scs_section_size  }
0x9c: {  	s7 =	simm.s32 $_size__tile_overlayer_lowered;
	s8 =	simm.s32 $_tile_overlayer_lowered  }
0x9d: {  	s22 =	simm.s32 $0x1BFF;
	s21 =	sshll.u32 s8, $0x1;
	s5 =	sadd.s32 s6, s19  }
0x9e: {  	s9 =	simm.s32 $0x0;
	s20 =	sshll.u32 s7, $0x1;
	s7 =	sadd.s32 s21, s5  }
0x9f: {  	[timem:s9], [sflag:s22] =	dma.local [hbm:s7], s20  }
0xa0: {  	_ =	swait.ge [sflag:s22], s20  }
0xa1: {  	s6 =	ssub.s32 $0x0, s20;
	[sflag:s22] =	ssyncset.done $0x0  }
0xa2: {  	[sflag:s22] =	ssyncadd.s32 s6;
	_ =	sdelay $0x1  }
0xa3: {  	s23 =	simm.s32 $0x1B8B  }
0xa4: {  	_ =	swait.ge [sflag:s23], $0x1  }
0xa5: {  	[sflag:s23] =	ssyncset.done $0x0  }
0xa6: {  	s25 =	simm.s32 $0x1B8E;
	s24 =	sld [smem:$0x3FFE];
	[sflag:s23] =	ssyncadd.s32 $0xFFFFFFFF  }
0xa7: {  	s26 =	simm.s32 $execute0_lowered;
	[smem:$0x3FD2] =	sst s25  }
0xa8: {  	s7 =	sshll.u32 s26, $0x1;
	_ =	strace $0x80000046;
	[dreg:$0x1] =	wrdreg $0xFFFFFFFF  }
0xa9: {  	s28 =	simm.s32 $_size_execute0_lowered;
	s5 =	sadd.s32 s5, s7;
	[dreg:$0x0] =	wrdreg $0x0  }
0xaa: {  	s7 =	sshll.u32 s28, $0x1;
	[dreg:$0x2] =	wrdreg s5  }
0xab: {  	[dreg:$0x3] =	wrdreg s7  }
0xac: {  	[dreg:$0x4] =	wrdreg $0xC0  }
0xad: {  	_ =	task [dreg:s9], $0x5FFFF  }
0xae: {  	[dreg:$0x1] =	wrdreg $0xFFFFFFFF  }
0xaf: {  	[dreg:$0x0] =	wrdreg $0x60  }
0xb0: {  	[dreg:$0x2] =	wrdreg s4  }
0xb1: {  	[dreg:$0x3] =	wrdreg s24  }
0xb2: {  	[dreg:$0x4] =	wrdreg s2  }
0xb3: {  	[dreg:$0x5] =	wrdreg s18  }
0xb4: {  	[dreg:$0x6] =	wrdreg $0xC6000  }
0xb5: {  	[dreg:$0x7] =	wrdreg $0x9  }
0xb6: {  	_ =	task.clear_ibuf [dreg:s9], $0x8FFFF;
	_ =	strace $0x90000046  }
0xb7: {  	s29 =	simm.s32 $0x9;
	_ =	strace $0x80000048  }
0xb8: {  	_ =	swait.ge [sflag:s29], $0x1  }
0xb9: {  	[sflag:s29] =	ssyncadd.s32 $0xFFFFFFFF  }
0xba: {  	_ =	strace $0x90000048  }
0xbb: {  	_ =	sfence  }
0xbc: {  	s30 =	sld [smem:$0x0];
	_ =	sdelay $0x2  }
0xbd: {  	s31 =	sshll.u32 s1, $0xD;
	s1 =	sshrl.u32 s1, $0x2  }
0xbe: {  	s3 =	sand.u32 $0x4000, s31;
	s1 =	sadd.s32 s1, s30  }
0xbf: {  	s0 =	sor.u32 s3, s0;
	s1 =	sshll.u32 s1, $0x11  }
0xc0: {  	s0 =	sor.u32 s1, s0  }
0xc1: {  	s0 =	sadd.s32 $0x8F2B, s0  }
0xc2: {  	[sflag:s0] =	ssyncadd.remote.s32 $0x1  }
0xc3: {  	_ =	sfence.sel $0xFFFF  }
0xc4: {  	[dreg:$0x0] =	wrdreg $0xFFFFFFFF;
	(pc) =	sbr.abs _section_cstart, $3  }
0xc5: {  	[dreg:$0x1] =	wrdreg $0xFFFFFFFF  }
0xc6: {  	_ =	task.clear_ibuf [dreg:s9], $0x2FFFF;
	_ =	strace $0x9FFFFFFF  }
0xc7: {  	(tm) =	ssettm $0x7FFFFFFF  }
tec
execute0_lowered:
.L_overlay_start_1:
0x0: {  	(tag) =	ssettag $0x1  }
0x1: {  	s1 =	rddreg [dreg:$0x0]  }
0x2: {  	s0 =	rddreg [dreg:$0x1]  }
0x3: {  	s2 =	rddreg [dreg:$0x2]  }
0x4: {  	s3 =	rddreg [dreg:$0x3]  }
0x5: {  	s4 =	rddreg [dreg:$0x4]  }
0x6: {  	s5 =	simm.s32 $0x0;
	s8 =	stileid.u32;
	s10 =	srdreg.scid  }
0x7: {  	s31 =	simm.s32 $0x0;
	[smem:$0x7FF] =	sst s5;
	s9 =	smul.u32 $0x13800, s8  }
0x8: {  	s6 =	sadd.s32 $0x1400, s0;
	s7 =	sadd.s32 $0x4F800, s0;
	s11 =	sand.u32 $0x1, s10  }
0x9: {  	s13 =	smul.u32 $0x4E000, s8;
	s16 =	sadd.s32 $0x531800, s0;
	s18 =	sshll.u32 s8, $0x6  }
0xa: {  	s20 =	sadd.s32 $0x138000, s4;
	_ =	strace $0x80000047;
	s12 =	ssub.s32 $0x2, s11  }
0xb: {  	s15 =	sshll.u32 s11, $0x4;
	[dreg:$0x8] =	wrdreg s20;
	s21 =	smul.u32 $0x138800, s11  }
0xc: {  	s11 =	simm.s32 $0xD;
	s14 =	sshrl.u32 s9, $0x3;
	s13 =	sshrl.u32 s13, $0x2  }
0xd: {  	s15 =	sor.u32 s8, s15;
	s10 =	sadd.s32 s14, s0;
	s14 =	sshrl.u32 s12, $0x1  }
0xe: {  	s17 =	sadd.s32 s13, s4;
	s0 =	sadd.s32 $0x4F600, s0;
	p0 =	slt.u32 s15, $0x4  }
0xf: {  	s13 =	simm.s32 $0x4F;
	s9 =	sadd.s32 s9, s21;
	s12 =	ssub.s32 s12, s14  }
0x10: {  	[dreg:$0x6] =	wrdreg s17;
	s19 =	sadd.s32 $0x28600, s10;
	s10 =	sor.u32 $0x1C0D, s18  }
0x11: {  	[dreg:$0x9] =	wrdreg s0;
	s13 =	simm.s32 @!p0 $0x4E;
	s14 =	sshll.u32 s15, $0x4  }
0x12: {  	s15 =	sshll.u32 s15, $0x7;
	s9 =	sshrl.u32 s9, $0x3;
	s0 =	sshrl.u32 s21, $0x3  }
0x13: {  	p0 =	sne.s32 s8, $0x0;
	[dreg:$0x7] =	wrdreg s19;
	s22 =	sadd.s32 s2, s14  }
0x14: {  	s23 =	sor.u32 $0x200, s14;
	s24 =	sadd.s32 s3, s14;
	s30 =	sor.u32 $0x400, s14  }
0x15: {  	s9 =	sadd.s32 s16, s9;
	s0 =	sadd.s32 s16, s0;
	s19 =	sor.u32 $0x10, s15  }
0x16: {  	s20 =	smax.u32 s12, $0x1;
	s21 =	sor.u32 $0x20, s15;
	s5 =	sor.u32 $0x30, s15  }
0x17: {  	s28 =	sadd.s32 $0xFFFFFFFD, s13;
	s29 =	sadd.s32 $0xFFFFFFFC, s13;
	[dreg:$0xa] =	wrdreg s22  }
0x18: {  	s16 =	simm.s32 $0x4600;
	[dreg:$0xb] =	wrdreg s24;
	s25 =	sadd.s32 s2, s23  }
0x19: {  	s26 =	sadd.s32 s3, s23;
	[dreg:$0xe] =	wrdreg s9;
	s17 =	sadd.s32 s2, s30  }
0x1a: {  	s18 =	sadd.s32 s3, s30;
	s0 =	sadd.s32 $0x27000, s0;
	[dreg:$0x12] =	wrdreg s20  }
0x1b: {  	s22 =	sor.u32 $0x40, s15;
	s23 =	sor.u32 $0x50, s15;
	[dreg:$0xc] =	wrdreg s25  }
0x1c: {  	s24 =	sor.u32 $0x60, s15;
	s30 =	sor.u32 $0x70, s15;
	[dreg:$0xd] =	wrdreg s26  }
.Ltmp0:
0x1d: {  	v7 =	vlaneseq.u32;
	s9 =	simm.s32 $0x600;
	[dreg:$0xf] =	wrdreg s17;
	(pc) =	sbr.rel .LBB2_1-.Ltmp0, $4  }
0x1e: {  	v0 =	vor.u32 s19, v7;
	s19 =	simm.s32 $0x8;
	s20 =	simm.s32 $0x500;
	[dreg:$0x10] =	wrdreg s18  }
0x1f: {  	v1 =	vor.u32 s21, v7;
	s21 =	simm.s32 $0x9;
	[dreg:$0x11] =	wrdreg s0;
	s25 =	sadd.s32 $0xFFFFFFFE, s13  }
0x20: {  	v2 =	vor.u32 s5, v7;
	s26 =	sadd.s32 $0xFFFFFFFF, s13;
	s0 =	simm.s32 $0x80;
	s17 =	simm.s32 $0x7;
	v3 =	vor.u32 s22, v7;
	v4 =	vor.u32 s23, v7  }
0x21: {  	s18 =	simm.s32 $0x480;
	s22 =	simm.s32 $0x580;
	s23 =	simm.s32 $0x8600;
	v5 =	vor.u32 s24, v7;
	v6 =	vor.u32 s30, v7;
	v7 =	vor.u32 s15, v7  }
.LBB2_15:
0x22: {  	s5 =	simm.s32 $0xA  }
0x23: {  	_ =	swait.ge [sflag:s5], $0x4000  }
0x24: {  	[sflag:s5] =	ssyncset.done $0x0  }
0x25: {  	s11 =	simm.s32 $0xB;
	[sflag:s5] =	ssyncadd.s32 $0xFFFFC000  }
0x26: {  	_ =	swait.ge [sflag:s11], $0x4000  }
0x27: {  	[sflag:s11] =	ssyncset.done $0x0  }
0x28: {  	s12 =	simm.s32 $0xC;
	[sflag:s11] =	ssyncadd.s32 $0xFFFFC000  }
0x29: {  	_ =	swait.ge [sflag:s12], $0x4000  }
0x2a: {  	[sflag:s12] =	ssyncset.done $0x0  }
0x2b: {  	[sflag:s12] =	ssyncadd.s32 $0xFFFFC000  }
0x2c: {  	[bflag:$0x0] =	sbarrier.arrive $0xFFFF  }
0x2d: {  	s24 =	rddreg [dreg:$0xe]  }
0x2e: {  	s11 =	simm.s32 $0xD;
	s8 =	rddreg [dreg:$0x13]  }
0x2f: {  	[hbm:s24], [sflag:s10] =	dma.local [spmem:s8], $0x2700  }
0x30: {  	_ =	swait.ge [sflag:s11], $0x2700  }
0x31: {  	[sflag:s11] =	ssyncset.done $0x0;
	s5 =	rddreg [dreg:$0x11]  }
0x32: {  	s8 =	rddreg [dreg:$0x14];
	[sflag:s11] =	ssyncadd.s32 $0xFFFFD900  }
0x33: {  	[hbm:s5], [sflag:s10] =	dma.local @!p0 [spmem:s8], $0x100  }
0x34: {  	s5 =	simm.s32 @!p0 $0xD  }
0x35: {  	_ =	swait.ge @!p0 [sflag:s5], $0x100  }
0x36: {  	s31 =	sadd.s32 $0x1, s31;
	s30 =	rddreg [dreg:$0x12]  }
0x37: {  	p1 =	sne.s32 s31, s30  }
.Ltmp1:
0x38: {  	_ = 	snop;
	(pc) =	sbr.rel @!p1 .LBB2_16-.Ltmp1, $3  }
0x39: {  	_ =	sdelay $0x1  }
0x3a: {  	[sflag:s5] =	ssyncset.done @!p0 $0x0  }
0x3b: {  	[sflag:s5] =	ssyncadd.s32 @!p0 $0xFFFFFF00  }
.LBB2_1:
0x3c: {  	s5 =	rddreg [dreg:$0x6]  }
0x3d: {  	s24 =	rddreg [dreg:$0x7];
	s8 =	sshrl.u32 s5, $0x3  }
0x3e: {  	[dreg:$0x13] =	wrdreg s8  }
0x3f: {  	[spmem:s8], [sflag:s10] =	dma.local [hbm:s24], $0x2700  }
0x40: {  	_ =	swait.ge [sflag:s11], $0x2700  }
0x41: {  	s5 =	rddreg [dreg:$0x8]  }
0x42: {  	[sflag:s11] =	ssyncset.done $0x0;
	s8 =	sshrl.u32 @!p0 s5, $0x3;
	s5 =	rddreg [dreg:$0x9]  }
0x43: {  	[sflag:s11] =	ssyncadd.s32 $0xFFFFD900;
	[dreg:$0x14] =	wrdreg s8  }
0x44: {  	[spmem:s8], [sflag:s10] =	dma.local @!p0 [hbm:s5], $0x100  }
0x45: {  	s8 =	simm.s32 @!p0 $0xD  }
0x46: {  	_ =	swait.ge @!p0 [sflag:s8], $0x100  }
0x47: {  	[sflag:s8] =	ssyncset.done @!p0 $0x0  }
0x48: {  	[sflag:s8] =	ssyncadd.s32 @!p0 $0xFFFFFF00  }
0x49: {  	[bflag:$0x0] =	sbarrier.arrive $0xFFFF  }
0x4a: {  	s5 =	simm.s32 $0x0;
	s12 =	rddreg [dreg:$0xa]  }
0x4b: {  	[tilespmem:s5], [sflag:$0x1] =	stream.linear.gather [hbm4b:s12+s5], $0x80, $0x38;
	[tilespmem:$0x1FE80] =	vst v63  }
0x4c: {  	s11 =	simm.s32 $0x180;
	s24 =	rddreg [dreg:$0xb]  }
0x4d: {  	[tilespmem:s11], [sflag:$0x1] =	stream.linear.gather [hbm4b:s24+s5], $0x80, $0x38;
	[tilespmem:$0x1FE80] =	vst v63  }
0x4e: {  	s12 =	rddreg [dreg:$0xc]  }
0x4f: {  	[tilespmem:s0], [sflag:$0x2] =	stream.linear.gather [hbm4b:s12+s5], $0x80, $0x38;
	[tilespmem:$0x1FE80] =	vst v63  }
0x50: {  	s24 =	rddreg [dreg:$0xd];
	s12 =	simm.s32 $0x200  }
0x51: {  	[tilespmem:s12], [sflag:$0x2] =	stream.linear.gather [hbm4b:s24+s5], $0x80, $0x38;
	[tilespmem:$0x1FE80] =	vst v63  }
0x52: {  	s12 =	rddreg [dreg:$0xf];
	s24 =	simm.s32 $0x100  }
0x53: {  	[tilespmem:s24], [sflag:$0x3] =	stream.linear.gather [hbm4b:s12+s5], $0x80, $0x38;
	[tilespmem:$0x1FE80] =	vst v63  }
0x54: {  	s12 =	rddreg [dreg:$0x10];
	s24 =	simm.s32 $0x280  }
0x55: {  	[tilespmem:s24], [sflag:$0x3] =	stream.linear.gather [hbm4b:s12+s5], $0x80, $0x38;
	[tilespmem:$0x1FE80] =	vst v63  }
0x56: {  	s24 =	simm.s32 $0x1  }
0x57: {  	_ =	swait.ge [sflag:s24], $0x80  }
0x58: {  	[sflag:s24] =	ssyncset.done $0x0  }
0x59: {  	[sflag:s24] =	ssyncadd.s32 $0xFFFFFF80  }
0x5a: {  	_ =	swait.ge [sflag:s24], $0x80  }
0x5b: {  	[sflag:s24] =	ssyncset.done $0x0  }
0x5c: {  	s8 =	simm.s32 $0x4;
	[sflag:s24] =	ssyncadd.s32 $0xFFFFFF80  }
0x5d: {  	[tilespmem:s9], [sflag:$0x4] =	stream.indirect.gather [hbm4b:s1+s0], $0x80, s5, s0, $0xb8;
	[tilespmem:$0x1FE80] =	vst v63  }
0x5e: {  	_ =	swait.ge [sflag:s8], $0x4000  }
0x5f: {  	[sflag:s8] =	ssyncset.done $0x0  }
0x60: {  	[sflag:s8] =	ssyncadd.s32 $0xFFFFC000  }
0x61: {  	[tilespmem:$0x300] =	vst v7  }
0x62: {  	[tilespmem:$0x310] =	vst v0  }
0x63: {  	[tilespmem:$0x320] =	vst v1  }
0x64: {  	[tilespmem:$0x330] =	vst v2  }
0x65: {  	[tilespmem:$0x340] =	vst v3  }
0x66: {  	[tilespmem:$0x350] =	vst v4  }
0x67: {  	[tilespmem:$0x360] =	vst v5  }
0x68: {  	[tilespmem:$0x370] =	vst v6  }
0x69: {  	[tilespmem:s9], [sflag:$0x7] =	stream.indirect.gather.add.f32 [hbm:s6], $0x80, s11, s0, $0xb8;
	[tilespmem:$0x1FE80] =	vst v63  }
0x6a: {  	s12 =	simm.s32 $0x300;
	s24 =	simm.s32 $0x2  }
0x6b: {  	[tilespmem:s9], [sflag:$0x7] =	stream.indirect.gather.add.f32 [hbm:s7], $0x80, s12, s0, $0xb8;
	[tilespmem:$0x1FE80] =	vst v63  }
0x6c: {  	_ =	swait.ge [sflag:s24], $0x80  }
0x6d: {  	[sflag:s24] =	ssyncset.done $0x0  }
.Ltmp2:
0x6e: {  	[sflag:s24] =	ssyncadd.s32 $0xFFFFFF80;
	(pc) =	sbr.rel .LBB2_2-.Ltmp2, $4  }
0x6f: {  	_ =	swait.ge [sflag:s24], $0x80  }
0x70: {  	[sflag:s24] =	ssyncset.done $0x0  }
0x71: {  	s30 =	simm.s32 $0x0;
	[sflag:s24] =	ssyncadd.s32 $0xFFFFFF80  }
0x72: {  	[tilespmem:s16], [sflag:$0x5] =	stream.indirect.gather [hbm4b:s1+s0], $0x80, s0, s0, $0xb8;
	[tilespmem:$0x1FE80] =	vst v63  }
.LBB2_14:
0x73: {  	s30 =	sadd.s32 $0x1, s30  }
0x74: {  	p1 =	sne.s32 s30, $0x1B  }
.Ltmp3:
0x75: {  	_ = 	snop;
	(pc) =	sbr.rel @!p1 .LBB2_15-.Ltmp3, $1  }
0x76: {  	_ =	sdelay $0x3  }
.LBB2_2:
0x77: {  	s8 =	smul.u32 $0x3, s30;
	_ =	sdelay $0x1  }
0x78: {  	p2 =	sge.u32 s8, s13  }
.Ltmp4:
0x79: {  	_ = 	snop;
	(pc) =	sbr.rel @p2 .LBB2_6-.Ltmp4, $2  }
0x7a: {  	_ =	sdelay $0x2  }
0x7b: {  	p1 =	sge.u32 s8, s25  }
0x7c: {  	s11 =	simm.s32 @!p1 $0x3  }
0x7d: {  	_ =	swait.ge @!p1 [sflag:s11], $0x80  }
0x7e: {  	[sflag:s11] =	ssyncset.done @!p1 $0x0  }
0x7f: {  	[sflag:s11] =	ssyncadd.s32 @!p1 $0xFFFFFF80  }
0x80: {  	p2 =	seq.s32 @!p1 s30, $0x0;
	_ =	swait.ge @!p1 [sflag:s11], $0x80  }
0x81: {  	p2 =	por p2, p1;
	[sflag:s11] =	ssyncset.done @!p1 $0x0  }
0x82: {  	[sflag:s11] =	ssyncadd.s32 @!p1 $0xFFFFFF80;
	s11 =	simm.s32 @!p2 $0xC  }
0x83: {  	_ =	swait.ge @!p2 [sflag:s11], $0x4000  }
0x84: {  	s12 =	simm.s32 @!p1 $0x100;
	[sflag:s11] =	ssyncset.done @!p2 $0x0  }
0x85: {  	s24 =	simm.s32 @!p1 $0x8600;
	[sflag:s11] =	ssyncadd.s32 @!p2 $0xFFFFC000;
	s11 =	simm.s32 @!p1 $0x80  }
0x86: {  	[tilespmem:s24], [sflag:$0x6] =	stream.indirect.gather @!p1 [hbm4b:s1+s11], $0x80, s12, s11, $0xb8;
	[tilespmem:$0x1FE80] =	vst v63  }
0x87: {  	s11 =	sadd.s32 $0x1, s8  }
0x88: {  	p2 =	sge.u32 s11, s13  }
0x89: {  	s12 =	simm.s32 @!p2 $0x5  }
0x8a: {  	s11 =	sshll.u32 @!p2 s11, $0xC;
	_ =	swait.ge @!p2 [sflag:s12], $0x4000  }
0x8b: {  	v8 =	vlaneseq.u32 @!p2;
	s11 =	sor.u32 @!p2 s15, s11;
	[sflag:s12] =	ssyncset.done @!p2 $0x0  }
0x8c: {  	v9 =	vor.u32 @!p2 s11, v8;
	[sflag:s12] =	ssyncadd.s32 @!p2 $0xFFFFC000;
	s12 =	sor.u32 @!p2 $0x10, s11  }
0x8d: {  	[tilespmem:$0x380] =	vst @!p2 v9;
	v9 =	vor.u32 @!p2 s12, v8;
	s12 =	sor.u32 @!p2 $0x20, s11  }
0x8e: {  	[tilespmem:$0x390] =	vst @!p2 v9;
	v9 =	vor.u32 @!p2 s12, v8;
	s12 =	sor.u32 @!p2 $0x30, s11  }
0x8f: {  	[tilespmem:$0x3A0] =	vst @!p2 v9;
	v9 =	vor.u32 @!p2 s12, v8;
	s12 =	sor.u32 @!p2 $0x40, s11  }
0x90: {  	[tilespmem:$0x3B0] =	vst @!p2 v9;
	v9 =	vor.u32 @!p2 s12, v8;
	s12 =	sor.u32 @!p2 $0x50, s11  }
0x91: {  	[tilespmem:$0x3C0] =	vst @!p2 v9;
	v9 =	vor.u32 @!p2 s12, v8;
	s12 =	sor.u32 @!p2 $0x60, s11  }
0x92: {  	s11 =	sor.u32 @!p2 $0x70, s11;
	[tilespmem:$0x3D0] =	vst @!p2 v9;
	v9 =	vor.u32 @!p2 s12, v8  }
0x93: {  	v8 =	vor.u32 @!p2 s11, v8;
	[tilespmem:$0x3E0] =	vst @!p2 v9  }
0x94: {  	s24 =	simm.s32 @!p2 $0x4600;
	s11 =	simm.s32 @!p2 $0x80;
	s12 =	simm.s32 @!p2 $0x200;
	[tilespmem:$0x3F0] =	vst @!p2 v8  }
0x95: {  	[tilespmem:s24], [sflag:$0x8] =	stream.indirect.gather.add.f32 @!p2 [hbm:s6], $0x80, s12, s11, $0xb8;
	[tilespmem:$0x1FE80] =	vst v63  }
0x96: {  	s12 =	simm.s32 @!p2 $0x380  }
0x97: {  	[tilespmem:s24], [sflag:$0x8] =	stream.indirect.gather.add.f32 @!p2 [hbm:s7], $0x80, s12, s11, $0xb8;
	[tilespmem:$0x1FE80] =	vst v63  }
0x98: {  	_ =	swait.ge [sflag:s17], $0x4000  }
0x99: {  	[sflag:s17] =	ssyncset.done $0x0  }
0x9a: {  	[sflag:s17] =	ssyncadd.s32 $0xFFFFC000  }
0x9b: {  	_ =	swait.ge [sflag:s17], $0x4000  }
0x9c: {  	[sflag:s17] =	ssyncset.done $0x0  }
0x9d: {  	[sflag:s17] =	ssyncadd.s32 $0xFFFFC000  }
0x9e: {  	v8 =	vld [tilespmem:$0x180]  }
0x9f: {  	v9 =	vld [tilespmem:$0x190]  }
0xa0: {  	v10 =	vld [tilespmem:$0x1A0]  }
0xa1: {  	v11 =	vld [tilespmem:$0x1B0]  }
0xa2: {  	v12 =	vld [tilespmem:$0x1C0]  }
0xa3: {  	[tilespmem:$0x480] =	vst v8;
	v8 =	vld [tilespmem:$0x1D0]  }
0xa4: {  	[tilespmem:$0x490] =	vst v9;
	v9 =	vld [tilespmem:$0x1E0]  }
0xa5: {  	[tilespmem:$0x4A0] =	vst v10;
	v10 =	vld [tilespmem:$0x1F0]  }
0xa6: {  	[tilespmem:$0x4B0] =	vst v11  }
0xa7: {  	[tilespmem:$0x4C0] =	vst v12  }
0xa8: {  	[tilespmem:$0x4D0] =	vst v8  }
0xa9: {  	[tilespmem:$0x4E0] =	vst v9  }
0xaa: {  	s12 =	simm.s32 $0x680;
	[tilespmem:$0x4F0] =	vst v10  }
0xab: {  	v8 =	vld [tilespmem:s12+$0xFFFFFF80]  }
0xac: {  	v9 =	vld [tilespmem:s12+$0xFFFFFF90]  }
0xad: {  	v10 =	vld [tilespmem:s12+$0xFFFFFFA0]  }
0xae: {  	v11 =	vld [tilespmem:s12+$0xFFFFFFB0]  }
0xaf: {  	v12 =	vld [tilespmem:s12+$0xFFFFFFC0]  }
0xb0: {  	v13 =	vld [tilespmem:s12+$0xFFFFFFD0];
	v8 =	vmax.f32 v8, $0.0e+00  }
0xb1: {  	[tilespmem:s12+$0xFFFFFF80] =	vst v8;
	v8 =	vmax.f32 v9, $0.0e+00;
	v9 =	vld [tilespmem:s12+$0xFFFFFFE0]  }
0xb2: {  	[tilespmem:s12+$0xFFFFFF90] =	vst v8;
	v8 =	vmax.f32 v10, $0.0e+00;
	v10 =	vld [tilespmem:s12+$0x0]  }
0xb3: {  	[tilespmem:s12+$0xFFFFFFA0] =	vst v8;
	v8 =	vmax.f32 v11, $0.0e+00;
	v11 =	vld [tilespmem:s12+$0x10]  }
0xb4: {  	[tilespmem:s12+$0xFFFFFFB0] =	vst v8;
	v8 =	vmax.f32 v12, $0.0e+00;
	v12 =	vld [tilespmem:s12+$0x20]  }
0xb5: {  	[tilespmem:s12+$0xFFFFFFC0] =	vst v8;
	v8 =	vmax.f32 v13, $0.0e+00;
	v13 =	vld [tilespmem:s12+$0x30]  }
0xb6: {  	[tilespmem:s12+$0xFFFFFFD0] =	vst v8;
	v9 =	vmax.f32 v9, $0.0e+00;
	v8 =	vld [tilespmem:s12+$0x40]  }
0xb7: {  	[tilespmem:s12+$0xFFFFFFE0] =	vst v9;
	v10 =	vmax.f32 v10, $0.0e+00;
	v9 =	vld [tilespmem:s12+$0x50]  }
0xb8: {  	[tilespmem:s12+$0x0] =	vst v10;
	v11 =	vmax.f32 v11, $0.0e+00;
	v10 =	vld [tilespmem:s12+$0x60]  }
0xb9: {  	[tilespmem:s12+$0x10] =	vst v11;
	v14 =	vmax.f32 v12, $0.0e+00;
	v12 =	vld [tilespmem:s12+$0x70]  }
0xba: {  	s24 =	simm.s32 $0x0;
	s11 =	simm.s32 $0x780;
	v11 =	vld [tilespmem:s12+$0xFFFFFFF0];
	[tilespmem:s12+$0x20] =	vst v14;
	v13 =	vmax.f32 v13, $0.0e+00  }
.LBB2_4:
0xbb: {  	v14 =	vld [tilespmem:s11+$0xFFFFFF80];
	[tilespmem:s12+$0x30] =	vst v13;
	v8 =	vmax.f32 v8, $0.0e+00  }
0xbc: {  	v13 =	vld [tilespmem:s11+$0xFFFFFF90];
	[tilespmem:s12+$0x40] =	vst v8;
	v8 =	vmax.f32 v9, $0.0e+00  }
0xbd: {  	v9 =	vld [tilespmem:s11+$0xFFFFFFA0];
	[tilespmem:s12+$0x50] =	vst v8;
	v8 =	vmax.f32 v10, $0.0e+00  }
0xbe: {  	v10 =	vld [tilespmem:s11+$0xFFFFFFB0];
	[tilespmem:s12+$0x60] =	vst v8;
	v8 =	vmax.f32 v12, $0.0e+00  }
0xbf: {  	v12 =	vld [tilespmem:s11+$0xFFFFFFC0];
	v11 =	vmax.f32 v11, $0.0e+00;
	[tilespmem:s12+$0x70] =	vst v8  }
0xc0: {  	v8 =	vmax.f32 v14, $0.0e+00;
	v14 =	vld [tilespmem:s11+$0xFFFFFFD0];
	[tilespmem:s12+$0xFFFFFFF0] =	vst v11;
	s12 =	smov.u32 s11  }
0xc1: {  	[tilespmem:s11+$0xFFFFFF80] =	vst v8;
	v8 =	vmax.f32 v13, $0.0e+00;
	v11 =	vld [tilespmem:s11+$0xFFFFFFE0]  }
0xc2: {  	[tilespmem:s11+$0xFFFFFF90] =	vst v8;
	v8 =	vmax.f32 v9, $0.0e+00;
	v9 =	vld [tilespmem:s11+$0x0]  }
0xc3: {  	[tilespmem:s11+$0xFFFFFFA0] =	vst v8;
	v8 =	vmax.f32 v10, $0.0e+00;
	v10 =	vld [tilespmem:s11+$0x10]  }
0xc4: {  	s24 =	sadd.s32 $0x2, s24;
	[tilespmem:s11+$0xFFFFFFB0] =	vst v8;
	v8 =	vmax.f32 v12, $0.0e+00;
	v12 =	vld [tilespmem:s11+$0x20]  }
0xc5: {  	p2 =	slt.u32 s24, $0x7E;
	[tilespmem:s11+$0xFFFFFFC0] =	vst v8;
	v8 =	vmax.f32 v14, $0.0e+00;
	v13 =	vld [tilespmem:s11+$0x30]  }
.Ltmp5:
0xc6: {  	[tilespmem:s11+$0xFFFFFFD0] =	vst v8;
	v11 =	vmax.f32 v11, $0.0e+00;
	v8 =	vld [tilespmem:s11+$0x40];
	(pc) =	sbr.rel @p2 .LBB2_4-.Ltmp5, $4  }
0xc7: {  	[tilespmem:s11+$0xFFFFFFE0] =	vst v11;
	v11 =	vmax.f32 v9, $0.0e+00;
	v9 =	vld [tilespmem:s11+$0x50]  }
0xc8: {  	[tilespmem:s11+$0x0] =	vst v11;
	v11 =	vmax.f32 v10, $0.0e+00;
	v10 =	vld [tilespmem:s11+$0x60]  }
0xc9: {  	[tilespmem:s11+$0x10] =	vst v11;
	v14 =	vmax.f32 v12, $0.0e+00;
	v12 =	vld [tilespmem:s11+$0x70]  }
0xca: {  	s11 =	sadd.s32 $0x100, s11;
	v11 =	vld [tilespmem:s12+$0xFFFFFFF0];
	[tilespmem:s12+$0x20] =	vst v14;
	v13 =	vmax.f32 v13, $0.0e+00  }
0xcb: {  	[tilespmem:s12+$0x30] =	vst v13;
	v8 =	vmax.f32 v8, $0.0e+00  }
0xcc: {  	[tilespmem:s12+$0x40] =	vst v8;
	v8 =	vmax.f32 v9, $0.0e+00  }
0xcd: {  	s11 =	sadd.s32 $0x3, s8;
	[tilespmem:s12+$0x50] =	vst v8;
	v8 =	vmax.f32 v10, $0.0e+00  }
0xce: {  	p2 =	sge.u32 s11, s13;
	[tilespmem:s12+$0x60] =	vst v8;
	v8 =	vmax.f32 v12, $0.0e+00  }
0xcf: {  	s11 =	sshll.u32 @!p2 s11, $0x9;
	v63 =	vmax.f32 v11, $0.0e+00;
	[tilespmem:s12+$0x70] =	vst v8  }
0xd0: {  	s11 =	sor.u32 @!p2 s14, s11;
	[tilespmem:s12+$0xFFFFFFF0] =	vst v63  }
0xd1: {  	[spmem:s4] =	stream.indirect.scatter.add.f32 [tilespmem:s9], [sflag:$0xA], $0x80, s18, s0, $0xb8;
	[tilespmem:$0x1FE80] =	vst v63  }
0xd2: {  	s24 =	simm.s32 @!p2 $0x0;
	s12 =	sadd.s32 @!p2 s2, s11  }
0xd3: {  	[tilespmem:s24], [sflag:$0x1] =	stream.linear.gather @!p2 [hbm4b:s12+s24], $0x80, $0x38;
	[tilespmem:$0x1FE80] =	vst v63  }
0xd4: {  	s11 =	sadd.s32 @!p2 s3, s11;
	s12 =	simm.s32 @!p2 $0x180  }
0xd5: {  	[tilespmem:s12], [sflag:$0x1] =	stream.linear.gather @!p2 [hbm4b:s11+s24], $0x80, $0x38;
	[tilespmem:$0x1FE80] =	vst v63  }
.LBB2_6:
0xd6: {  	p2 =	sge.u32 s8, s26  }
.Ltmp6:
0xd7: {  	_ = 	snop;
	(pc) =	sbr.rel @p2 .LBB2_10-.Ltmp6, $1  }
0xd8: {  	_ =	sdelay $0x3  }
0xd9: {  	p2 =	sge.u32 s8, s28  }
0xda: {  	s11 =	simm.s32 @!p2 $0x1  }
0xdb: {  	_ =	swait.ge @!p2 [sflag:s11], $0x80  }
0xdc: {  	[sflag:s11] =	ssyncset.done @!p2 $0x0  }
0xdd: {  	[sflag:s11] =	ssyncadd.s32 @!p2 $0xFFFFFF80  }
0xde: {  	_ =	swait.ge @!p2 [sflag:s11], $0x80  }
0xdf: {  	[sflag:s11] =	ssyncset.done @!p2 $0x0  }
0xe0: {  	[sflag:s11] =	ssyncadd.s32 @!p2 $0xFFFFFF80;
	s11 =	simm.s32 @!p2 $0xA  }
0xe1: {  	_ =	swait.ge @!p2 [sflag:s11], $0x4000  }
0xe2: {  	s12 =	simm.s32 @!p2 $0x0;
	[sflag:s11] =	ssyncset.done @!p2 $0x0  }
0xe3: {  	s24 =	simm.s32 @!p2 $0x600;
	[sflag:s11] =	ssyncadd.s32 @!p2 $0xFFFFC000;
	s11 =	simm.s32 @!p2 $0x80  }
0xe4: {  	[tilespmem:s24], [sflag:$0x4] =	stream.indirect.gather @!p2 [hbm4b:s1+s11], $0x80, s12, s11, $0xb8;
	[tilespmem:$0x1FE80] =	vst v63  }
0xe5: {  	s11 =	sadd.s32 $0x2, s8  }
0xe6: {  	p2 =	sge.u32 s11, s13  }
0xe7: {  	s12 =	simm.s32 @!p2 $0x6  }
0xe8: {  	s11 =	sshll.u32 @!p2 s11, $0xC;
	_ =	swait.ge @!p2 [sflag:s12], $0x4000  }
0xe9: {  	v8 =	vlaneseq.u32 @!p2;
	s11 =	sor.u32 @!p2 s15, s11;
	[sflag:s12] =	ssyncset.done @!p2 $0x0  }
0xea: {  	v9 =	vor.u32 @!p2 s11, v8;
	[sflag:s12] =	ssyncadd.s32 @!p2 $0xFFFFC000;
	s12 =	sor.u32 @!p2 $0x10, s11  }
0xeb: {  	[tilespmem:$0x400] =	vst @!p2 v9;
	v9 =	vor.u32 @!p2 s12, v8;
	s12 =	sor.u32 @!p2 $0x20, s11  }
0xec: {  	[tilespmem:$0x410] =	vst @!p2 v9;
	v9 =	vor.u32 @!p2 s12, v8;
	s12 =	sor.u32 @!p2 $0x30, s11  }
0xed: {  	[tilespmem:$0x420] =	vst @!p2 v9;
	v9 =	vor.u32 @!p2 s12, v8;
	s12 =	sor.u32 @!p2 $0x40, s11  }
0xee: {  	[tilespmem:$0x430] =	vst @!p2 v9;
	v9 =	vor.u32 @!p2 s12, v8;
	s12 =	sor.u32 @!p2 $0x50, s11  }
0xef: {  	[tilespmem:$0x440] =	vst @!p2 v9;
	v9 =	vor.u32 @!p2 s12, v8;
	s12 =	sor.u32 @!p2 $0x60, s11  }
0xf0: {  	s11 =	sor.u32 @!p2 $0x70, s11;
	[tilespmem:$0x450] =	vst @!p2 v9;
	v9 =	vor.u32 @!p2 s12, v8  }
0xf1: {  	v8 =	vor.u32 @!p2 s11, v8;
	[tilespmem:$0x460] =	vst @!p2 v9  }
0xf2: {  	s24 =	simm.s32 @!p2 $0x8600;
	s11 =	simm.s32 @!p2 $0x80;
	s12 =	simm.s32 @!p2 $0x280;
	[tilespmem:$0x470] =	vst @!p2 v8  }
0xf3: {  	[tilespmem:s24], [sflag:$0x9] =	stream.indirect.gather.add.f32 @!p2 [hbm:s6], $0x80, s12, s11, $0xb8;
	[tilespmem:$0x1FE80] =	vst v63  }
0xf4: {  	s12 =	simm.s32 @!p2 $0x400  }
0xf5: {  	[tilespmem:s24], [sflag:$0x9] =	stream.indirect.gather.add.f32 @!p2 [hbm:s7], $0x80, s12, s11, $0xb8;
	[tilespmem:$0x1FE80] =	vst v63  }
0xf6: {  	_ =	swait.ge [sflag:s19], $0x4000  }
0xf7: {  	[sflag:s19] =	ssyncset.done $0x0  }
0xf8: {  	[sflag:s19] =	ssyncadd.s32 $0xFFFFC000  }
0xf9: {  	_ =	swait.ge [sflag:s19], $0x4000  }
0xfa: {  	[sflag:s19] =	ssyncset.done $0x0  }
0xfb: {  	[sflag:s19] =	ssyncadd.s32 $0xFFFFC000  }
0xfc: {  	v8 =	vld [tilespmem:$0x200]  }
0xfd: {  	v9 =	vld [tilespmem:$0x210]  }
0xfe: {  	v10 =	vld [tilespmem:$0x220]  }
0xff: {  	v11 =	vld [tilespmem:$0x230]  }
0x100: {  	v12 =	vld [tilespmem:$0x240]  }
0x101: {  	[tilespmem:$0x500] =	vst v8;
	v8 =	vld [tilespmem:$0x250]  }
0x102: {  	[tilespmem:$0x510] =	vst v9;
	v9 =	vld [tilespmem:$0x260]  }
0x103: {  	[tilespmem:$0x520] =	vst v10;
	v10 =	vld [tilespmem:$0x270]  }
0x104: {  	[tilespmem:$0x530] =	vst v11  }
0x105: {  	[tilespmem:$0x540] =	vst v12  }
0x106: {  	[tilespmem:$0x550] =	vst v8  }
0x107: {  	[tilespmem:$0x560] =	vst v9  }
0x108: {  	s12 =	simm.s32 $0x4680;
	[tilespmem:$0x570] =	vst v10  }
0x109: {  	v8 =	vld [tilespmem:s12+$0xFFFFFF80]  }
0x10a: {  	v9 =	vld [tilespmem:s12+$0xFFFFFF90]  }
0x10b: {  	v10 =	vld [tilespmem:s12+$0xFFFFFFA0]  }
0x10c: {  	v11 =	vld [tilespmem:s12+$0xFFFFFFB0]  }
0x10d: {  	v12 =	vld [tilespmem:s12+$0xFFFFFFC0]  }
0x10e: {  	v13 =	vld [tilespmem:s12+$0xFFFFFFD0];
	v8 =	vmax.f32 v8, $0.0e+00  }
0x10f: {  	[tilespmem:s12+$0xFFFFFF80] =	vst v8;
	v8 =	vmax.f32 v9, $0.0e+00;
	v9 =	vld [tilespmem:s12+$0xFFFFFFE0]  }
0x110: {  	[tilespmem:s12+$0xFFFFFF90] =	vst v8;
	v8 =	vmax.f32 v10, $0.0e+00;
	v10 =	vld [tilespmem:s12+$0x0]  }
0x111: {  	[tilespmem:s12+$0xFFFFFFA0] =	vst v8;
	v8 =	vmax.f32 v11, $0.0e+00;
	v11 =	vld [tilespmem:s12+$0x10]  }
0x112: {  	[tilespmem:s12+$0xFFFFFFB0] =	vst v8;
	v8 =	vmax.f32 v12, $0.0e+00;
	v12 =	vld [tilespmem:s12+$0x20]  }
0x113: {  	[tilespmem:s12+$0xFFFFFFC0] =	vst v8;
	v8 =	vmax.f32 v13, $0.0e+00;
	v13 =	vld [tilespmem:s12+$0x30]  }
0x114: {  	[tilespmem:s12+$0xFFFFFFD0] =	vst v8;
	v9 =	vmax.f32 v9, $0.0e+00;
	v8 =	vld [tilespmem:s12+$0x40]  }
0x115: {  	[tilespmem:s12+$0xFFFFFFE0] =	vst v9;
	v10 =	vmax.f32 v10, $0.0e+00;
	v9 =	vld [tilespmem:s12+$0x50]  }
0x116: {  	[tilespmem:s12+$0x0] =	vst v10;
	v11 =	vmax.f32 v11, $0.0e+00;
	v10 =	vld [tilespmem:s12+$0x60]  }
0x117: {  	[tilespmem:s12+$0x10] =	vst v11;
	v14 =	vmax.f32 v12, $0.0e+00;
	v12 =	vld [tilespmem:s12+$0x70]  }
0x118: {  	s24 =	simm.s32 $0x0;
	s11 =	simm.s32 $0x4780;
	v11 =	vld [tilespmem:s12+$0xFFFFFFF0];
	[tilespmem:s12+$0x20] =	vst v14;
	v13 =	vmax.f32 v13, $0.0e+00  }
.LBB2_8:
0x119: {  	v14 =	vld [tilespmem:s11+$0xFFFFFF80];
	[tilespmem:s12+$0x30] =	vst v13;
	v8 =	vmax.f32 v8, $0.0e+00  }
0x11a: {  	v13 =	vld [tilespmem:s11+$0xFFFFFF90];
	[tilespmem:s12+$0x40] =	vst v8;
	v8 =	vmax.f32 v9, $0.0e+00  }
0x11b: {  	v9 =	vld [tilespmem:s11+$0xFFFFFFA0];
	[tilespmem:s12+$0x50] =	vst v8;
	v8 =	vmax.f32 v10, $0.0e+00  }
0x11c: {  	v10 =	vld [tilespmem:s11+$0xFFFFFFB0];
	[tilespmem:s12+$0x60] =	vst v8;
	v8 =	vmax.f32 v12, $0.0e+00  }
0x11d: {  	v12 =	vld [tilespmem:s11+$0xFFFFFFC0];
	v11 =	vmax.f32 v11, $0.0e+00;
	[tilespmem:s12+$0x70] =	vst v8  }
0x11e: {  	v8 =	vmax.f32 v14, $0.0e+00;
	v14 =	vld [tilespmem:s11+$0xFFFFFFD0];
	[tilespmem:s12+$0xFFFFFFF0] =	vst v11;
	s12 =	smov.u32 s11  }
0x11f: {  	[tilespmem:s11+$0xFFFFFF80] =	vst v8;
	v8 =	vmax.f32 v13, $0.0e+00;
	v11 =	vld [tilespmem:s11+$0xFFFFFFE0]  }
0x120: {  	[tilespmem:s11+$0xFFFFFF90] =	vst v8;
	v8 =	vmax.f32 v9, $0.0e+00;
	v9 =	vld [tilespmem:s11+$0x0]  }
0x121: {  	[tilespmem:s11+$0xFFFFFFA0] =	vst v8;
	v8 =	vmax.f32 v10, $0.0e+00;
	v10 =	vld [tilespmem:s11+$0x10]  }
0x122: {  	s24 =	sadd.s32 $0x2, s24;
	[tilespmem:s11+$0xFFFFFFB0] =	vst v8;
	v8 =	vmax.f32 v12, $0.0e+00;
	v12 =	vld [tilespmem:s11+$0x20]  }
0x123: {  	p2 =	slt.u32 s24, $0x7E;
	[tilespmem:s11+$0xFFFFFFC0] =	vst v8;
	v8 =	vmax.f32 v14, $0.0e+00;
	v13 =	vld [tilespmem:s11+$0x30]  }
.Ltmp7:
0x124: {  	[tilespmem:s11+$0xFFFFFFD0] =	vst v8;
	v11 =	vmax.f32 v11, $0.0e+00;
	v8 =	vld [tilespmem:s11+$0x40];
	(pc) =	sbr.rel @p2 .LBB2_8-.Ltmp7, $4  }
0x125: {  	[tilespmem:s11+$0xFFFFFFE0] =	vst v11;
	v11 =	vmax.f32 v9, $0.0e+00;
	v9 =	vld [tilespmem:s11+$0x50]  }
0x126: {  	[tilespmem:s11+$0x0] =	vst v11;
	v11 =	vmax.f32 v10, $0.0e+00;
	v10 =	vld [tilespmem:s11+$0x60]  }
0x127: {  	[tilespmem:s11+$0x10] =	vst v11;
	v14 =	vmax.f32 v12, $0.0e+00;
	v12 =	vld [tilespmem:s11+$0x70]  }
0x128: {  	s11 =	sadd.s32 $0x100, s11;
	v11 =	vld [tilespmem:s12+$0xFFFFFFF0];
	[tilespmem:s12+$0x20] =	vst v14;
	v13 =	vmax.f32 v13, $0.0e+00  }
0x129: {  	[tilespmem:s12+$0x30] =	vst v13;
	v8 =	vmax.f32 v8, $0.0e+00  }
0x12a: {  	[tilespmem:s12+$0x40] =	vst v8;
	v8 =	vmax.f32 v9, $0.0e+00  }
0x12b: {  	s11 =	sadd.s32 $0x4, s8;
	[tilespmem:s12+$0x50] =	vst v8;
	v8 =	vmax.f32 v10, $0.0e+00  }
0x12c: {  	p2 =	sge.u32 s11, s13;
	[tilespmem:s12+$0x60] =	vst v8;
	v8 =	vmax.f32 v12, $0.0e+00  }
0x12d: {  	s11 =	sshll.u32 @!p2 s11, $0x9;
	v63 =	vmax.f32 v11, $0.0e+00;
	[tilespmem:s12+$0x70] =	vst v8  }
0x12e: {  	s11 =	sor.u32 @!p2 s14, s11;
	[tilespmem:s12+$0xFFFFFFF0] =	vst v63  }
0x12f: {  	[spmem:s4] =	stream.indirect.scatter.add.f32 [tilespmem:s16], [sflag:$0xB], $0x80, s20, s0, $0xb8;
	[tilespmem:$0x1FE80] =	vst v63  }
0x130: {  	s24 =	simm.s32 @!p2 $0x0;
	s5 =	simm.s32 @!p2 $0x80;
	s12 =	sadd.s32 @!p2 s2, s11  }
0x131: {  	[tilespmem:s5], [sflag:$0x2] =	stream.linear.gather @!p2 [hbm4b:s12+s24], $0x80, $0x38;
	[tilespmem:$0x1FE80] =	vst v63  }
0x132: {  	s5 =	sadd.s32 @!p2 s3, s11;
	s11 =	simm.s32 @!p2 $0x200  }
0x133: {  	[tilespmem:s11], [sflag:$0x2] =	stream.linear.gather @!p2 [hbm4b:s5+s24], $0x80, $0x38;
	[tilespmem:$0x1FE80] =	vst v63  }
.LBB2_10:
.Ltmp8:
0x134: {  	(pc) =	sbr.rel @p1 .LBB2_14-.Ltmp8, $1  }
0x135: {  	_ =	sdelay $0x3  }
0x136: {  	p1 =	sge.u32 s8, s29  }
0x137: {  	s5 =	simm.s32 @!p1 $0x2  }
0x138: {  	_ =	swait.ge @!p1 [sflag:s5], $0x80  }
0x139: {  	[sflag:s5] =	ssyncset.done @!p1 $0x0  }
0x13a: {  	[sflag:s5] =	ssyncadd.s32 @!p1 $0xFFFFFF80  }
0x13b: {  	_ =	swait.ge @!p1 [sflag:s5], $0x80  }
0x13c: {  	[sflag:s5] =	ssyncset.done @!p1 $0x0  }
0x13d: {  	[sflag:s5] =	ssyncadd.s32 @!p1 $0xFFFFFF80;
	s5 =	simm.s32 @!p1 $0xB  }
0x13e: {  	_ =	swait.ge @!p1 [sflag:s5], $0x4000  }
0x13f: {  	[sflag:s5] =	ssyncset.done @!p1 $0x0  }
0x140: {  	s11 =	simm.s32 @!p1 $0x4600;
	[sflag:s5] =	ssyncadd.s32 @!p1 $0xFFFFC000;
	s5 =	simm.s32 @!p1 $0x80  }
0x141: {  	[tilespmem:s11], [sflag:$0x5] =	stream.indirect.gather @!p1 [hbm4b:s1+s5], $0x80, s5, s5, $0xb8;
	[tilespmem:$0x1FE80] =	vst v63  }
0x142: {  	s5 =	sadd.s32 $0x3, s8  }
0x143: {  	p1 =	sge.u32 s5, s13  }
0x144: {  	s11 =	simm.s32 @!p1 $0x4  }
0x145: {  	s5 =	sshll.u32 @!p1 s5, $0xC;
	_ =	swait.ge @!p1 [sflag:s11], $0x4000  }
0x146: {  	v8 =	vlaneseq.u32 @!p1;
	s5 =	sor.u32 @!p1 s15, s5;
	[sflag:s11] =	ssyncset.done @!p1 $0x0  }
0x147: {  	v9 =	vor.u32 @!p1 s5, v8;
	[sflag:s11] =	ssyncadd.s32 @!p1 $0xFFFFC000;
	s11 =	sor.u32 @!p1 $0x10, s5  }
0x148: {  	[tilespmem:$0x300] =	vst @!p1 v9;
	v9 =	vor.u32 @!p1 s11, v8;
	s11 =	sor.u32 @!p1 $0x20, s5  }
0x149: {  	[tilespmem:$0x310] =	vst @!p1 v9;
	v9 =	vor.u32 @!p1 s11, v8;
	s11 =	sor.u32 @!p1 $0x30, s5  }
0x14a: {  	[tilespmem:$0x320] =	vst @!p1 v9;
	v9 =	vor.u32 @!p1 s11, v8;
	s11 =	sor.u32 @!p1 $0x40, s5  }
0x14b: {  	[tilespmem:$0x330] =	vst @!p1 v9;
	v9 =	vor.u32 @!p1 s11, v8;
	s11 =	sor.u32 @!p1 $0x50, s5  }
0x14c: {  	[tilespmem:$0x340] =	vst @!p1 v9;
	v9 =	vor.u32 @!p1 s11, v8;
	s11 =	sor.u32 @!p1 $0x60, s5  }
0x14d: {  	s5 =	sor.u32 @!p1 $0x70, s5;
	[tilespmem:$0x350] =	vst @!p1 v9;
	v9 =	vor.u32 @!p1 s11, v8  }
0x14e: {  	v8 =	vor.u32 @!p1 s5, v8;
	[tilespmem:$0x360] =	vst @!p1 v9  }
0x14f: {  	s12 =	simm.s32 @!p1 $0x600;
	s5 =	simm.s32 @!p1 $0x80;
	s11 =	simm.s32 @!p1 $0x180;
	[tilespmem:$0x370] =	vst @!p1 v8  }
0x150: {  	[tilespmem:s12], [sflag:$0x7] =	stream.indirect.gather.add.f32 @!p1 [hbm:s6], $0x80, s11, s5, $0xb8;
	[tilespmem:$0x1FE80] =	vst v63  }
0x151: {  	s11 =	simm.s32 @!p1 $0x300  }
0x152: {  	[tilespmem:s12], [sflag:$0x7] =	stream.indirect.gather.add.f32 @!p1 [hbm:s7], $0x80, s11, s5, $0xb8;
	[tilespmem:$0x1FE80] =	vst v63  }
0x153: {  	_ =	swait.ge [sflag:s21], $0x4000  }
0x154: {  	[sflag:s21] =	ssyncset.done $0x0  }
0x155: {  	[sflag:s21] =	ssyncadd.s32 $0xFFFFC000  }
0x156: {  	_ =	swait.ge [sflag:s21], $0x4000  }
0x157: {  	[sflag:s21] =	ssyncset.done $0x0  }
0x158: {  	[sflag:s21] =	ssyncadd.s32 $0xFFFFC000  }
0x159: {  	v8 =	vld [tilespmem:$0x280]  }
0x15a: {  	v9 =	vld [tilespmem:$0x290]  }
0x15b: {  	v10 =	vld [tilespmem:$0x2A0]  }
0x15c: {  	v11 =	vld [tilespmem:$0x2B0]  }
0x15d: {  	v12 =	vld [tilespmem:$0x2C0]  }
0x15e: {  	[tilespmem:$0x580] =	vst v8;
	v8 =	vld [tilespmem:$0x2D0]  }
0x15f: {  	[tilespmem:$0x590] =	vst v9;
	v9 =	vld [tilespmem:$0x2E0]  }
0x160: {  	[tilespmem:$0x5A0] =	vst v10;
	v10 =	vld [tilespmem:$0x2F0]  }
0x161: {  	[tilespmem:$0x5B0] =	vst v11  }
0x162: {  	[tilespmem:$0x5C0] =	vst v12  }
0x163: {  	[tilespmem:$0x5D0] =	vst v8  }
0x164: {  	[tilespmem:$0x5E0] =	vst v9  }
0x165: {  	s12 =	simm.s32 $0x8680;
	[tilespmem:$0x5F0] =	vst v10  }
0x166: {  	v8 =	vld [tilespmem:s12+$0xFFFFFF80]  }
0x167: {  	v9 =	vld [tilespmem:s12+$0xFFFFFF90]  }
0x168: {  	v10 =	vld [tilespmem:s12+$0xFFFFFFA0]  }
0x169: {  	v11 =	vld [tilespmem:s12+$0xFFFFFFB0]  }
0x16a: {  	v12 =	vld [tilespmem:s12+$0xFFFFFFC0]  }
0x16b: {  	v13 =	vld [tilespmem:s12+$0xFFFFFFD0];
	v8 =	vmax.f32 v8, $0.0e+00  }
0x16c: {  	[tilespmem:s12+$0xFFFFFF80] =	vst v8;
	v8 =	vmax.f32 v9, $0.0e+00;
	v9 =	vld [tilespmem:s12+$0xFFFFFFE0]  }
0x16d: {  	[tilespmem:s12+$0xFFFFFF90] =	vst v8;
	v8 =	vmax.f32 v10, $0.0e+00;
	v10 =	vld [tilespmem:s12+$0x0]  }
0x16e: {  	[tilespmem:s12+$0xFFFFFFA0] =	vst v8;
	v8 =	vmax.f32 v11, $0.0e+00;
	v11 =	vld [tilespmem:s12+$0x10]  }
0x16f: {  	[tilespmem:s12+$0xFFFFFFB0] =	vst v8;
	v8 =	vmax.f32 v12, $0.0e+00;
	v12 =	vld [tilespmem:s12+$0x20]  }
0x170: {  	[tilespmem:s12+$0xFFFFFFC0] =	vst v8;
	v8 =	vmax.f32 v13, $0.0e+00;
	v13 =	vld [tilespmem:s12+$0x30]  }
0x171: {  	[tilespmem:s12+$0xFFFFFFD0] =	vst v8;
	v9 =	vmax.f32 v9, $0.0e+00;
	v8 =	vld [tilespmem:s12+$0x40]  }
0x172: {  	[tilespmem:s12+$0xFFFFFFE0] =	vst v9;
	v10 =	vmax.f32 v10, $0.0e+00;
	v9 =	vld [tilespmem:s12+$0x50]  }
0x173: {  	[tilespmem:s12+$0x0] =	vst v10;
	v11 =	vmax.f32 v11, $0.0e+00;
	v10 =	vld [tilespmem:s12+$0x60]  }
0x174: {  	[tilespmem:s12+$0x10] =	vst v11;
	v14 =	vmax.f32 v12, $0.0e+00;
	v12 =	vld [tilespmem:s12+$0x70]  }
0x175: {  	s24 =	simm.s32 $0x0;
	s11 =	simm.s32 $0x8780;
	v11 =	vld [tilespmem:s12+$0xFFFFFFF0];
	[tilespmem:s12+$0x20] =	vst v14;
	v13 =	vmax.f32 v13, $0.0e+00  }
.LBB2_12:
0x176: {  	v14 =	vld [tilespmem:s11+$0xFFFFFF80];
	[tilespmem:s12+$0x30] =	vst v13;
	v8 =	vmax.f32 v8, $0.0e+00  }
0x177: {  	v13 =	vld [tilespmem:s11+$0xFFFFFF90];
	[tilespmem:s12+$0x40] =	vst v8;
	v8 =	vmax.f32 v9, $0.0e+00  }
0x178: {  	v9 =	vld [tilespmem:s11+$0xFFFFFFA0];
	[tilespmem:s12+$0x50] =	vst v8;
	v8 =	vmax.f32 v10, $0.0e+00  }
0x179: {  	v10 =	vld [tilespmem:s11+$0xFFFFFFB0];
	[tilespmem:s12+$0x60] =	vst v8;
	v8 =	vmax.f32 v12, $0.0e+00  }
0x17a: {  	v12 =	vld [tilespmem:s11+$0xFFFFFFC0];
	v11 =	vmax.f32 v11, $0.0e+00;
	[tilespmem:s12+$0x70] =	vst v8  }
0x17b: {  	v8 =	vmax.f32 v14, $0.0e+00;
	v14 =	vld [tilespmem:s11+$0xFFFFFFD0];
	[tilespmem:s12+$0xFFFFFFF0] =	vst v11;
	s12 =	smov.u32 s11  }
0x17c: {  	[tilespmem:s11+$0xFFFFFF80] =	vst v8;
	v8 =	vmax.f32 v13, $0.0e+00;
	v11 =	vld [tilespmem:s11+$0xFFFFFFE0]  }
0x17d: {  	[tilespmem:s11+$0xFFFFFF90] =	vst v8;
	v8 =	vmax.f32 v9, $0.0e+00;
	v9 =	vld [tilespmem:s11+$0x0]  }
0x17e: {  	[tilespmem:s11+$0xFFFFFFA0] =	vst v8;
	v8 =	vmax.f32 v10, $0.0e+00;
	v10 =	vld [tilespmem:s11+$0x10]  }
0x17f: {  	s24 =	sadd.s32 $0x2, s24;
	[tilespmem:s11+$0xFFFFFFB0] =	vst v8;
	v8 =	vmax.f32 v12, $0.0e+00;
	v12 =	vld [tilespmem:s11+$0x20]  }
0x180: {  	p1 =	slt.u32 s24, $0x7E;
	[tilespmem:s11+$0xFFFFFFC0] =	vst v8;
	v8 =	vmax.f32 v14, $0.0e+00;
	v13 =	vld [tilespmem:s11+$0x30]  }
.Ltmp9:
0x181: {  	[tilespmem:s11+$0xFFFFFFD0] =	vst v8;
	v11 =	vmax.f32 v11, $0.0e+00;
	v8 =	vld [tilespmem:s11+$0x40];
	(pc) =	sbr.rel @p1 .LBB2_12-.Ltmp9, $4  }
0x182: {  	[tilespmem:s11+$0xFFFFFFE0] =	vst v11;
	v11 =	vmax.f32 v9, $0.0e+00;
	v9 =	vld [tilespmem:s11+$0x50]  }
0x183: {  	[tilespmem:s11+$0x0] =	vst v11;
	v11 =	vmax.f32 v10, $0.0e+00;
	v10 =	vld [tilespmem:s11+$0x60]  }
0x184: {  	[tilespmem:s11+$0x10] =	vst v11;
	v14 =	vmax.f32 v12, $0.0e+00;
	v12 =	vld [tilespmem:s11+$0x70]  }
0x185: {  	s11 =	sadd.s32 $0x100, s11;
	v11 =	vld [tilespmem:s12+$0xFFFFFFF0];
	[tilespmem:s12+$0x20] =	vst v14;
	v13 =	vmax.f32 v13, $0.0e+00  }
0x186: {  	[tilespmem:s12+$0x30] =	vst v13;
	v8 =	vmax.f32 v8, $0.0e+00  }
0x187: {  	[tilespmem:s12+$0x40] =	vst v8;
	v8 =	vmax.f32 v9, $0.0e+00  }
0x188: {  	[tilespmem:s12+$0x50] =	vst v8;
	v8 =	vmax.f32 v10, $0.0e+00  }
0x189: {  	s5 =	sadd.s32 $0x5, s8;
	[tilespmem:s12+$0x60] =	vst v8;
	v8 =	vmax.f32 v12, $0.0e+00  }
0x18a: {  	p1 =	sge.u32 s5, s13;
	v63 =	vmax.f32 v11, $0.0e+00;
	[tilespmem:s12+$0x70] =	vst v8  }
0x18b: {  	s5 =	sshll.u32 @!p1 s5, $0x9;
	[tilespmem:s12+$0xFFFFFFF0] =	vst v63  }
0x18c: {  	[spmem:s4] =	stream.indirect.scatter.add.f32 [tilespmem:s23], [sflag:$0xC], $0x80, s22, s0, $0xb8;
	[tilespmem:$0x1FE80] =	vst v63  }
.Ltmp10:
0x18d: {  	s5 =	sor.u32 @!p1 s14, s5;
	(pc) =	sbr.rel .LBB2_14-.Ltmp10, $4  }
0x18e: {  	s11 =	simm.s32 @!p1 $0x0;
	s8 =	sadd.s32 @!p1 s2, s5;
	s12 =	simm.s32 @!p1 $0x100  }
0x18f: {  	[tilespmem:s12], [sflag:$0x3] =	stream.linear.gather @!p1 [hbm4b:s8+s11], $0x80, $0x38;
	[tilespmem:$0x1FE80] =	vst v63  }
0x190: {  	s5 =	sadd.s32 @!p1 s3, s5;
	s8 =	simm.s32 @!p1 $0x280  }
0x191: {  	[tilespmem:s8], [sflag:$0x3] =	stream.linear.gather @!p1 [hbm4b:s5+s11], $0x80, $0x38;
	[tilespmem:$0x1FE80] =	vst v63  }
.LBB2_16:
0x192: {  	_ =	sfence.sel $0x180000  }
0x193: {  	[bflag:$0x0] =	sbarrier.arrive $0xFFFF  }
0x194: {  	_ =	strace $0x90000047  }
0x195: {  	[bflag:$0x2] =	sbarrier.arrive $0xFFFF  }
0x196: {  	s0 =	rddreg [dreg:$0x5]  }
0x197: {  	s0 =	sadd.s32 @!p0 $0x100000, s0  }
0x198: {  	[sflag:s0] =	ssyncadd.tile.s32 @!p0 $0x1;
	_ =	shalt  }
.Lfunc_end2:
_tile_overlayer_lowered:
.L_overlay_start_2:
0x199: {  	(tag) =	ssettag $0x2  }
0x19a: {  	s0 =	rddreg [dreg:$0x0];
	s2 =	stileid.u32  }
0x19b: {  	s1 =	rddreg [dreg:$0x1];
	p0 =	sne.s32 s2, $0x0  }
0x19c: {  	s3 =	rddreg [dreg:$0x2];
	[bflag:$0x3] =	sbarrier.arrive $0xFFFF;
	s2 =	simm.s32 @!p0 $0x1C0E  }
0x19d: {  	[timem:s3], [sflag:s2] =	dma.local @!p0 [hbm:s0], s1  }
0x19e: {  	s0 =	simm.s32 @!p0 $0xE  }
0x19f: {  	_ =	swait.ge @!p0 [sflag:s0], s1  }
0x1a0: {  	s1 =	ssub.s32 @!p0 $0x0, s1;
	[sflag:s0] =	ssyncset.done @!p0 $0x0  }
0x1a1: {  	[sflag:s0] =	ssyncadd.s32 @!p0 s1  }
0x1a2: {  	[bflag:$0x3] =	sbarrier.arrive $0xFFFF  }
0x1a3: {  	_ =	shalt  }

</sc_bundles>
